<compile_context>
chip_gen: v7x
topology: tpu7x:2x2x1
jax: 0.10.2.dev20260603
libtpu: 0.0.44.dev20260713+nightly
codegen_flags: <defaults>
</compile_context>

<pallas_src>
import functools

import jax
import jax.numpy as jnp
from jax import lax
from jax.experimental import pallas as pl
from jax.experimental.pallas import tpu as pltpu
from jax.experimental.pallas import tpu_sc as plsc

_LANES = 16


def _bcast_lane(vec, lane):
    idx = jnp.full((_LANES, 1), lane, dtype=jnp.int32)
    dn = lax.GatherDimensionNumbers(
        offset_dims=(), collapsed_slice_dims=(0,), start_index_map=(0,))
    return lax.gather(vec, idx, dn, slice_sizes=(1,),
                      mode=lax.GatherScatterMode.PROMISE_IN_BOUNDS)


def _round_bf16(v):
    u = lax.bitcast_convert_type(v, jnp.int32)
    lsb = lax.shift_right_logical(u, jnp.full((_LANES,), 16, jnp.int32))
    lsb = lax.bitwise_and(lsb, jnp.full((_LANES,), 1, jnp.int32))
    u = lax.add(lax.add(u, lsb), jnp.full((_LANES,), 32767, jnp.int32))
    u = lax.bitwise_and(u, jnp.full((_LANES,), -65536, jnp.int32))
    return lax.bitcast_convert_type(u, jnp.float32)


def _body(x_h, ut_h, st_h, w1_h, b1_h, w2_h, b2_h, out_h,
          xv, cbuf, w1v, b1v, w2v, b2v, ov, semw, semg):
    ci = lax.axis_index("c")
    si = lax.axis_index("s")

    @pl.when(jnp.logical_and(ci == 0, si == 0))
    def _():
        cw1 = pltpu.async_copy(w1_h, w1v, semw)
        cb1 = pltpu.async_copy(b1_h, b1v, semw)
        cw2 = pltpu.async_copy(w2_h, w2v.at[pl.ds(0, 192)], semw)
        cb2 = pltpu.async_copy(b2_h, b2v.at[pl.ds(0, 3)], semw)

        pltpu.sync_copy(x_h, xv.at[pl.ds(0, 2)])
        v = xv[pl.ds(0, 16)]
        xv[pl.ds(16, 16)] = _bcast_lane(v, 1)

        gu = pltpu.async_copy(ut_h.at[xv.at[pl.ds(0, 1)]],
                              cbuf.at[pl.ds(0, 1)], semg)
        gs = pltpu.async_copy(st_h.at[xv.at[pl.ds(16, 1)]],
                              cbuf.at[pl.ds(1, 1)], semg)
        gu.wait()
        gs.wait()
        cw1.wait()
        cb1.wait()
        cw2.wait()
        cb2.wait()

        def kc_step(kc, carry):
            h = list(carry[:4])
            comp = list(carry[4:])
            row = kc // 8
            off = (kc % 8) * 16
            cvec = _round_bf16(cbuf[row, pl.ds(off, 16)])
            for l in range(16):
                k = 16 * kc + l
                bc = _bcast_lane(cvec, l)
                for jc in range(4):
                    y = bc * w1v[k, pl.ds(16 * jc, 16)] - comp[jc]
                    t = h[jc] + y
                    comp[jc] = (t - h[jc]) - y
                    h[jc] = t
            return (*h, *comp)
        zero = jnp.zeros((_LANES,), jnp.float32)
        h = lax.fori_loop(0, 16, kc_step, (zero,) * 8)[:4]
        h = [h[jc] + b1v[pl.ds(16 * jc, 16)] for jc in range(4)]
        h = [_round_bf16(jnp.maximum(hj, 0.0)) for hj in h]

        acc = zero
        for j in range(64):
            bc = _bcast_lane(h[j // 16], j % 16)
            acc = acc + bc * w2v[pl.ds(3 * j, 16)]
        ov[pl.ds(0, 16)] = acc + b2v[...]
        pltpu.sync_copy(ov.at[pl.ds(0, 3)], out_h)


@functools.lru_cache(maxsize=1)
def _build():
    mesh = plsc.VectorSubcoreMesh(core_axis_name="c", subcore_axis_name="s", num_cores=1, num_subcores=1)
    return pl.kernel(
        _body,
        out_type=jax.ShapeDtypeStruct((3,), jnp.float32),
        mesh=mesh,
        scratch_types=[
            pltpu.VMEM((32,), jnp.int32),
            pltpu.VMEM((2, 128), jnp.float32),
            pltpu.VMEM((256, 64), jnp.float32),
            pltpu.VMEM((64,), jnp.float32),
            pltpu.VMEM((256,), jnp.float32),
            pltpu.VMEM((_LANES,), jnp.float32),
            pltpu.VMEM((_LANES,), jnp.float32),
            pltpu.SemaphoreType.DMA,
            pltpu.SemaphoreType.DMA,
        ],
    )


def kernel(x, user_table, sku_table, W1, b1, W2, b2):
    w1r = W1.astype(jnp.bfloat16).astype(jnp.float32)
    w2r = W2.astype(jnp.bfloat16).astype(jnp.float32).reshape(192)
    out3 = _build()(x, user_table, sku_table, w1r, b1, w2r, b2)
    return out3.reshape(1, 3)

# --- scband reference (transcript-rebuilt; emitter-appended) ---
"""Pipeline reference for scband-embedding-learning-model-60129542808 (READ-ONLY COPY).

The authoritative reference and input builder live on the scoring server;
editing this copy changes nothing except your own understanding.
"""

import jax, jax.numpy as jnp
import numpy as np

NUM_USER = 1000000
NUM_PRODUCT = 100000
EMBED_DIM = 128


def setup_inputs(seed: int = 0) -> dict:
    key = jax.random.key(seed)
    ks = jax.random.split(key, 8)
    # x = (user_id, product_sku); values must be in range for BOTH tables,
    # so cap at min(NUM_USER, NUM_PRODUCT) = 100000.
    x = jax.random.randint(ks[0], (2,), 0, 100000, dtype=jnp.int32)
    user_table = jax.random.normal(ks[1], (NUM_USER, EMBED_DIM), dtype=jnp.float32)
    sku_table = jax.random.normal(ks[2], (NUM_PRODUCT, EMBED_DIM), dtype=jnp.float32)
    W1 = jax.random.normal(ks[3], (256, 64), dtype=jnp.float32) * 0.0625
    b1 = jax.random.normal(ks[4], (64,), dtype=jnp.float32) * 0.01
    W2 = jax.random.normal(ks[5], (64, 3), dtype=jnp.float32) * 0.125
    b2 = jax.random.normal(ks[6], (3,), dtype=jnp.float32) * 0.01
    return {"x": x, "user_table": user_table, "sku_table": sku_table,
            "W1": W1, "b1": b1, "W2": W2, "b2": b2}


def reference(x, user_table, sku_table, W1, b1, W2, b2):
    user_id = x[0]
    product_sku = x[1]
    user_embedding = jnp.take(user_table, user_id, axis=0)  # [128]
    sku_embedding = jnp.take(sku_table, product_sku, axis=0)  # [128]
    concat = jnp.concatenate([user_embedding, sku_embedding], axis=0).reshape(1, 256)
    h = jnp.maximum(concat @ W1 + b1, 0.0)
    out = h @ W2 + b2
    return out

if __name__ == "__main__":
    import jax
    _d = setup_inputs()
    print(jax.jit(kernel)(*tuple(_d.values())))

</pallas_src>

<mosaic_0001>
#map = affine_map<(d0, d1) -> (0)>
#map1 = affine_map<(d0, d1) -> (0, 0)>
module attributes {stable_mosaic.version = 14 : i64} {
  func.func @_body(%arg0: i32, %arg1: i32, %arg2: memref<2xi32, #tpu.memory_space<hbm>>, %arg3: memref<1000000x128xf32, #tpu.memory_space<hbm>>, %arg4: memref<100000x128xf32, #tpu.memory_space<hbm>>, %arg5: memref<256x64xf32, #tpu.memory_space<hbm>>, %arg6: memref<64xf32, #tpu.memory_space<hbm>>, %arg7: memref<192xf32, #tpu.memory_space<hbm>>, %arg8: memref<3xf32, #tpu.memory_space<hbm>>, %arg9: memref<3xf32, #tpu.memory_space<hbm>>, %arg10: memref<32xi32, #tpu.memory_space<vmem>>, %arg11: memref<2x128xf32, #tpu.memory_space<vmem>>, %arg12: memref<256x64xf32, #tpu.memory_space<vmem>>, %arg13: memref<64xf32, #tpu.memory_space<vmem>>, %arg14: memref<256xf32, #tpu.memory_space<vmem>>, %arg15: memref<16xf32, #tpu.memory_space<vmem>>, %arg16: memref<16xf32, #tpu.memory_space<vmem>>, %arg17: memref<!tpu.dma_semaphore, #tpu.memory_space<semaphore_mem>>, %arg18: memref<!tpu.dma_semaphore, #tpu.memory_space<semaphore_mem>>) attributes {dimension_semantics = [#tpu.dimension_semantics<core_parallel>, #tpu.dimension_semantics<subcore_parallel>], iteration_bounds = array<i64: 1, 1>, scalar_prefetch = 0 : i64, scratch_operands = 9 : i64, tpu.core_type = #tpu.core_type<sc_vector_subcore>, window_params = [{transform_indices = #map}, {transform_indices = #map1}, {transform_indices = #map1}, {transform_indices = #map1}, {transform_indices = #map}, {transform_indices = #map}, {transform_indices = #map}, {transform_indices = #map}]} {
    %eq3A = arith.constant 0 : i32
    %eq3A_0 = arith.cmpi eq, %arg0, %eq3A : i32
    %eq3A_1 = arith.constant 0 : i32
    %eq3A_2 = arith.cmpi eq, %arg1, %eq3A_1 : i32
    %and3A = arith.andi %eq3A_0, %eq3A_2 : i1
    %convert_element_type3A = arith.extui %and3A : i1 to i32
    %cond3A = arith.constant 0 : i32
    %cond3A_3 = arith.cmpi ne, %convert_element_type3A, %cond3A : i32
    scf.if %cond3A_3 {
      tpu.enqueue_dma source(%arg5 : memref<256x64xf32, #tpu.memory_space<hbm>>) target(%arg12 : memref<256x64xf32, #tpu.memory_space<vmem>>) target_semaphore(%arg17 : memref<!tpu.dma_semaphore, #tpu.memory_space<semaphore_mem>>)
      tpu.enqueue_dma source(%arg6 : memref<64xf32, #tpu.memory_space<hbm>>) target(%arg13 : memref<64xf32, #tpu.memory_space<vmem>>) target_semaphore(%arg17 : memref<!tpu.dma_semaphore, #tpu.memory_space<semaphore_mem>>)
      %dma_start3A = arith.constant 0 : i32
      %dma_start3A_4 = tpu.memref_slice %arg14[%dma_start3A] : memref<256xf32, #tpu.memory_space<vmem>> -> memref<192xf32, #tpu.memory_space<vmem>>
      %dma_start3A_5 = arith.constant 0 : i32
      %dma_start3A_6 = tpu.memref_slice %arg14[%dma_start3A_5] : memref<256xf32, #tpu.memory_space<vmem>> -> memref<192xf32, #tpu.memory_space<vmem>>
      tpu.enqueue_dma source(%arg7 : memref<192xf32, #tpu.memory_space<hbm>>) target(%dma_start3A_6 : memref<192xf32, #tpu.memory_space<vmem>>) target_semaphore(%arg17 : memref<!tpu.dma_semaphore, #tpu.memory_space<semaphore_mem>>)
      %dma_start3A_7 = arith.constant 0 : i32
      %dma_start3A_8 = tpu.memref_slice %arg15[%dma_start3A_7] : memref<16xf32, #tpu.memory_space<vmem>> -> memref<3xf32, #tpu.memory_space<vmem>>
      %dma_start3A_9 = arith.constant 0 : i32
      %dma_start3A_10 = tpu.memref_slice %arg15[%dma_start3A_9] : memref<16xf32, #tpu.memory_space<vmem>> -> memref<3xf32, #tpu.memory_space<vmem>>
      tpu.enqueue_dma source(%arg8 : memref<3xf32, #tpu.memory_space<hbm>>) target(%dma_start3A_10 : memref<3xf32, #tpu.memory_space<vmem>>) target_semaphore(%arg17 : memref<!tpu.dma_semaphore, #tpu.memory_space<semaphore_mem>>)
      "tpu.region"() ({
        %run_scoped3A = tpu.sem_alloc : memref<!tpu.dma_semaphore, #tpu.memory_space<semaphore_mem>>
        %dma_start3A_731 = arith.constant 0 : i32
        %dma_start3A_732 = tpu.memref_slice %arg10[%dma_start3A_731] : memref<32xi32, #tpu.memory_space<vmem>> -> memref<2xi32, #tpu.memory_space<vmem>>
        %dma_start3A_733 = arith.constant 0 : i32
        %dma_start3A_734 = tpu.memref_slice %arg10[%dma_start3A_733] : memref<32xi32, #tpu.memory_space<vmem>> -> memref<2xi32, #tpu.memory_space<vmem>>
        tpu.enqueue_dma source(%arg2 : memref<2xi32, #tpu.memory_space<hbm>>) target(%dma_start3A_734 : memref<2xi32, #tpu.memory_space<vmem>>) target_semaphore(%run_scoped3A : memref<!tpu.dma_semaphore, #tpu.memory_space<semaphore_mem>>)
        %dma_wait3A_735 = arith.constant 0 : i32
        %dma_wait3A_736 = tpu.memref_slice %arg10[%dma_wait3A_735] : memref<32xi32, #tpu.memory_space<vmem>> -> memref<2xi32, #tpu.memory_space<vmem>>
        %dma_wait3A_737 = arith.constant 0 : i32
        %dma_wait3A_738 = tpu.memref_slice %arg10[%dma_wait3A_737] : memref<32xi32, #tpu.memory_space<vmem>> -> memref<2xi32, #tpu.memory_space<vmem>>
        tpu.wait_dma2 semaphore(%run_scoped3A : memref<!tpu.dma_semaphore, #tpu.memory_space<semaphore_mem>>) src(%arg2 : memref<2xi32, #tpu.memory_space<hbm>>) dst(%dma_wait3A_738 : memref<2xi32, #tpu.memory_space<vmem>>)
        tpu.yield
      }) : () -> ()
      %get3A = arith.constant 0 : index
      %get3A_11 = tpu.vector_load %arg10[%get3A] {strides = array<i32>} : memref<32xi32, #tpu.memory_space<vmem>>, vector<16xi32>,
      %get3A_12 = vector.shape_cast %get3A_11 : vector<16xi32> to vector<16xi32>
      %broadcast_in_dim3A = arith.constant 1 : i32
      %broadcast_in_dim3A_13 = vector.broadcast %broadcast_in_dim3A : i32 to vector<16x1xi32>
      %gather3A = vector.shape_cast %broadcast_in_dim3A_13 : vector<16x1xi32> to vector<16xi32>
      %gather3A_14 = tpu.dynamic_gather %get3A_12[%gather3A] in [0] : vector<16xi32>, vector<16xi32> -> vector<16xi32>
      %swap3A = arith.constant 16 : index
      %swap3A_15 = tpu.vector_load %arg10[%swap3A] {strides = array<i32>} : memref<32xi32, #tpu.memory_space<vmem>>, vector<16xi32>,
      %swap3A_16 = vector.shape_cast %swap3A_15 : vector<16xi32> to vector<16xi32>
      %swap3A_17 = vector.shape_cast %gather3A_14 : vector<16xi32> to vector<16xi32>
      tpu.vector_store %arg10[%swap3A], %swap3A_17 {strides = array<i32>} : memref<32xi32, #tpu.memory_space<vmem>>, vector<16xi32>,
      %dma_start3A_18 = arith.constant 0 : i32
      %dma_start3A_19 = arith.constant 0 : i32
      %dma_start3A_20 = tpu.memref_slice %arg11[%dma_start3A_18, %dma_start3A_19] : memref<2x128xf32, #tpu.memory_space<vmem>> -> memref<1x128xf32, #tpu.memory_space<vmem>>
      %dma_start3A_21 = arith.constant 0 : i32
      %dma_start3A_22 = tpu.memref_slice %arg10[%dma_start3A_21] : memref<32xi32, #tpu.memory_space<vmem>> -> memref<1xi32, #tpu.memory_space<vmem>>
      %dma_start3A_23 = arith.constant 0 : i32
      %dma_start3A_24 = arith.constant 0 : i32
      %dma_start3A_25 = tpu.memref_slice %arg3[%dma_start3A_23, %dma_start3A_24] : memref<1000000x128xf32, #tpu.memory_space<hbm>> -> memref<1000000x128xf32, #tpu.memory_space<hbm>>
      tpu.enqueue_indirect_dma source(%dma_start3A_25 : memref<1000000x128xf32, #tpu.memory_space<hbm>>) target(%dma_start3A_20 : memref<1x128xf32, #tpu.memory_space<vmem>>) offsets(%dma_start3A_22 : memref<1xi32, #tpu.memory_space<vmem>>) semaphore(%arg18 : memref<!tpu.dma_semaphore, #tpu.memory_space<semaphore_mem>>)
      %dma_start3A_26 = arith.constant 1 : i32
      %dma_start3A_27 = arith.constant 0 : i32
      %dma_start3A_28 = tpu.memref_slice %arg11[%dma_start3A_26, %dma_start3A_27] : memref<2x128xf32, #tpu.memory_space<vmem>> -> memref<1x128xf32, #tpu.memory_space<vmem>>
      %dma_start3A_29 = arith.constant 16 : i32
      %dma_start3A_30 = tpu.memref_slice %arg10[%dma_start3A_29] : memref<32xi32, #tpu.memory_space<vmem>> -> memref<1xi32, #tpu.memory_space<vmem>>
      %dma_start3A_31 = arith.constant 0 : i32
      %dma_start3A_32 = arith.constant 0 : i32
      %dma_start3A_33 = tpu.memref_slice %arg4[%dma_start3A_31, %dma_start3A_32] : memref<100000x128xf32, #tpu.memory_space<hbm>> -> memref<100000x128xf32, #tpu.memory_space<hbm>>
      tpu.enqueue_indirect_dma source(%dma_start3A_33 : memref<100000x128xf32, #tpu.memory_space<hbm>>) target(%dma_start3A_28 : memref<1x128xf32, #tpu.memory_space<vmem>>) offsets(%dma_start3A_30 : memref<1xi32, #tpu.memory_space<vmem>>) semaphore(%arg18 : memref<!tpu.dma_semaphore, #tpu.memory_space<semaphore_mem>>)
      %dma_wait3A = arith.constant 0 : i32
      %dma_wait3A_34 = arith.constant 0 : i32
      %dma_wait3A_35 = tpu.memref_slice %arg11[%dma_wait3A, %dma_wait3A_34] : memref<2x128xf32, #tpu.memory_space<vmem>> -> memref<1x128xf32, #tpu.memory_space<vmem>>
      %dma_wait3A_36 = arith.constant 0 : i32
      %dma_wait3A_37 = tpu.memref_slice %arg10[%dma_wait3A_36] : memref<32xi32, #tpu.memory_space<vmem>> -> memref<1xi32, #tpu.memory_space<vmem>>
      %dma_wait3A_38 = arith.constant 0 : i32
      %dma_wait3A_39 = arith.constant 0 : i32
      %dma_wait3A_40 = tpu.memref_slice %arg3[%dma_wait3A_38, %dma_wait3A_39] : memref<1000000x128xf32, #tpu.memory_space<hbm>> -> memref<1000000x128xf32, #tpu.memory_space<hbm>>
      tpu.wait_indirect_dma semaphore(%arg18 : memref<!tpu.dma_semaphore, #tpu.memory_space<semaphore_mem>>) src(%dma_wait3A_40 : memref<1000000x128xf32, #tpu.memory_space<hbm>>) dst(%dma_wait3A_35 : memref<1x128xf32, #tpu.memory_space<vmem>>)
      %dma_wait3A_41 = arith.constant 1 : i32
      %dma_wait3A_42 = arith.constant 0 : i32
      %dma_wait3A_43 = tpu.memref_slice %arg11[%dma_wait3A_41, %dma_wait3A_42] : memref<2x128xf32, #tpu.memory_space<vmem>> -> memref<1x128xf32, #tpu.memory_space<vmem>>
      %dma_wait3A_44 = arith.constant 16 : i32
      %dma_wait3A_45 = tpu.memref_slice %arg10[%dma_wait3A_44] : memref<32xi32, #tpu.memory_space<vmem>> -> memref<1xi32, #tpu.memory_space<vmem>>
      %dma_wait3A_46 = arith.constant 0 : i32
      %dma_wait3A_47 = arith.constant 0 : i32
      %dma_wait3A_48 = tpu.memref_slice %arg4[%dma_wait3A_46, %dma_wait3A_47] : memref<100000x128xf32, #tpu.memory_space<hbm>> -> memref<100000x128xf32, #tpu.memory_space<hbm>>
      tpu.wait_indirect_dma semaphore(%arg18 : memref<!tpu.dma_semaphore, #tpu.memory_space<semaphore_mem>>) src(%dma_wait3A_48 : memref<100000x128xf32, #tpu.memory_space<hbm>>) dst(%dma_wait3A_43 : memref<1x128xf32, #tpu.memory_space<vmem>>)
      tpu.wait_dma2 semaphore(%arg17 : memref<!tpu.dma_semaphore, #tpu.memory_space<semaphore_mem>>) src(%arg5 : memref<256x64xf32, #tpu.memory_space<hbm>>) dst(%arg12 : memref<256x64xf32, #tpu.memory_space<vmem>>)
      tpu.wait_dma2 semaphore(%arg17 : memref<!tpu.dma_semaphore, #tpu.memory_space<semaphore_mem>>) src(%arg6 : memref<64xf32, #tpu.memory_space<hbm>>) dst(%arg13 : memref<64xf32, #tpu.memory_space<vmem>>)
      %dma_wait3A_49 = arith.constant 0 : i32
      %dma_wait3A_50 = tpu.memref_slice %arg14[%dma_wait3A_49] : memref<256xf32, #tpu.memory_space<vmem>> -> memref<192xf32, #tpu.memory_space<vmem>>
      %dma_wait3A_51 = arith.constant 0 : i32
      %dma_wait3A_52 = tpu.memref_slice %arg14[%dma_wait3A_51] : memref<256xf32, #tpu.memory_space<vmem>> -> memref<192xf32, #tpu.memory_space<vmem>>
      tpu.wait_dma2 semaphore(%arg17 : memref<!tpu.dma_semaphore, #tpu.memory_space<semaphore_mem>>) src(%arg7 : memref<192xf32, #tpu.memory_space<hbm>>) dst(%dma_wait3A_52 : memref<192xf32, #tpu.memory_space<vmem>>)
      %dma_wait3A_53 = arith.constant 0 : i32
      %dma_wait3A_54 = tpu.memref_slice %arg15[%dma_wait3A_53] : memref<16xf32, #tpu.memory_space<vmem>> -> memref<3xf32, #tpu.memory_space<vmem>>
      %dma_wait3A_55 = arith.constant 0 : i32
      %dma_wait3A_56 = tpu.memref_slice %arg15[%dma_wait3A_55] : memref<16xf32, #tpu.memory_space<vmem>> -> memref<3xf32, #tpu.memory_space<vmem>>
      tpu.wait_dma2 semaphore(%arg17 : memref<!tpu.dma_semaphore, #tpu.memory_space<semaphore_mem>>) src(%arg8 : memref<3xf32, #tpu.memory_space<hbm>>) dst(%dma_wait3A_56 : memref<3xf32, #tpu.memory_space<vmem>>)
      %broadcast_in_dim3A_57 = arith.constant 0.000000e+00 : f32
      %broadcast_in_dim3A_58 = vector.broadcast %broadcast_in_dim3A_57 : f32 to vector<16xf32>
      %scan3A = arith.constant 0 : i32
      %scan3A_59 = arith.constant 16 : i32
      %scan3A_60 = arith.addi %scan3A, %scan3A_59 : i32
      %scan3A_61 = arith.constant 1 : i32
      %scan3A_62:8 = scf.for %scan3A_731 = %scan3A to %scan3A_60 step %scan3A_61 iter_args(%scan3A_732 = %broadcast_in_dim3A_58, %scan3A_733 = %broadcast_in_dim3A_58, %scan3A_734 = %broadcast_in_dim3A_58, %scan3A_735 = %broadcast_in_dim3A_58, %scan3A_736 = %broadcast_in_dim3A_58, %scan3A_737 = %broadcast_in_dim3A_58, %scan3A_738 = %broadcast_in_dim3A_58, %scan3A_739 = %broadcast_in_dim3A_58) -> (vector<16xf32>, vector<16xf32>, vector<16xf32>, vector<16xf32>, vector<16xf32>, vector<16xf32>, vector<16xf32>, vector<16xf32>)  : i32 {
        %jit3A = arith.constant 8 : i32
        %div3A = arith.divsi %scan3A_731, %jit3A : i32
        %sign3A = arith.constant 0 : i32
        %sign3A_740 = arith.cmpi sgt, %scan3A_731, %sign3A : i32
        %sign3A_741 = arith.extui %sign3A_740 : i1 to i32
        %sign3A_742 = arith.constant 0 : i32
        %sign3A_743 = arith.cmpi slt, %scan3A_731, %sign3A_742 : i32
        %sign3A_744 = arith.extui %sign3A_743 : i1 to i32
        %sign3A_745 = arith.subi %sign3A_741, %sign3A_744 : i32
        %sign3A_746 = arith.constant 0 : i32
        %sign3A_747 = arith.cmpi sgt, %jit3A, %sign3A_746 : i32
        %sign3A_748 = arith.extui %sign3A_747 : i1 to i32
        %sign3A_749 = arith.constant 0 : i32
        %sign3A_750 = arith.cmpi slt, %jit3A, %sign3A_749 : i32
        %sign3A_751 = arith.extui %sign3A_750 : i1 to i32
        %sign3A_752 = arith.subi %sign3A_748, %sign3A_751 : i32
        %ne3A = arith.cmpi ne, %sign3A_745, %sign3A_752 : i32
        %rem3A = arith.remsi %scan3A_731, %jit3A : i32
        %ne3A_753 = arith.constant 0 : i32
        %ne3A_754 = arith.cmpi ne, %rem3A, %ne3A_753 : i32
        %and3A_755 = arith.andi %ne3A, %ne3A_754 : i1
        %sub3A = arith.constant 1 : i32
        %sub3A_756 = arith.subi %div3A, %sub3A : i32
        %select_n3A = arith.select %and3A_755, %sub3A_756, %div3A : i32
        %jit3A_757 = arith.constant 8 : i32
        %eq3A_758 = arith.constant 0 : i32
        %eq3A_759 = arith.cmpi eq, %jit3A_757, %eq3A_758 : i32
        %jit3A_760 = arith.constant 1 : i32
        %select_n3A_761 = arith.select %eq3A_759, %jit3A_760, %jit3A_757 : i32
        %rem3A_762 = arith.remsi %scan3A_731, %select_n3A_761 : i32
        %ne3A_763 = arith.constant 0 : i32
        %ne3A_764 = arith.cmpi ne, %rem3A_762, %ne3A_763 : i32
        %lt3A = arith.constant 0 : i32
        %lt3A_765 = arith.cmpi slt, %rem3A_762, %lt3A : i32
        %lt3A_766 = arith.constant 0 : i32
        %lt3A_767 = arith.cmpi slt, %select_n3A_761, %lt3A_766 : i32
        %ne3A_768 = arith.xori %lt3A_765, %lt3A_767 : i1
        %and3A_769 = arith.andi %ne3A_768, %ne3A_764 : i1
        %add3A_770 = arith.addi %rem3A_762, %select_n3A_761 : i32
        %select_n3A_771 = arith.select %and3A_769, %add3A_770, %rem3A_762 : i32
        %mul3A_772 = arith.constant 16 : i32
        %mul3A_773 = arith.muli %select_n3A_771, %mul3A_772 : i32
        %get3A_774 = arith.index_cast %select_n3A : i32 to index
        %get3A_775 = arith.index_cast %mul3A_773 : i32 to index
        %get3A_776 = tpu.vector_load %arg11[%get3A_774, %get3A_775] {strides = array<i32>} : memref<2x128xf32, #tpu.memory_space<vmem>>, vector<1x16xf32>,
        %get3A_777 = vector.shape_cast %get3A_776 : vector<1x16xf32> to vector<16xf32>
        %bitcast_convert_type3A_778 = tpu.bitcast %get3A_777 : vector<16xf32> -> vector<16xi32>
        %broadcast_in_dim3A_779 = arith.constant 16 : i32
        %broadcast_in_dim3A_780 = vector.broadcast %broadcast_in_dim3A_779 : i32 to vector<16xi32>
        %shift_right_logical3A_781 = arith.shrui %bitcast_convert_type3A_778, %broadcast_in_dim3A_780 : vector<16xi32>
        %broadcast_in_dim3A_782 = arith.constant 1 : i32
        %broadcast_in_dim3A_783 = vector.broadcast %broadcast_in_dim3A_782 : i32 to vector<16xi32>
        %and3A_784 = arith.andi %shift_right_logical3A_781, %broadcast_in_dim3A_783 : vector<16xi32>
        %add3A_785 = arith.addi %bitcast_convert_type3A_778, %and3A_784 : vector<16xi32>
        %broadcast_in_dim3A_786 = arith.constant 32767 : i32
        %broadcast_in_dim3A_787 = vector.broadcast %broadcast_in_dim3A_786 : i32 to vector<16xi32>
        %add3A_788 = arith.addi %add3A_785, %broadcast_in_dim3A_787 : vector<16xi32>
        %broadcast_in_dim3A_789 = arith.constant -65536 : i32
        %broadcast_in_dim3A_790 = vector.broadcast %broadcast_in_dim3A_789 : i32 to vector<16xi32>
        %and3A_791 = arith.andi %add3A_788, %broadcast_in_dim3A_790 : vector<16xi32>
        %bitcast_convert_type3A_792 = tpu.bitcast %and3A_791 : vector<16xi32> -> vector<16xf32>
        %mul3A_793 = arith.constant 16 : i32
        %mul3A_794 = arith.muli %mul3A_793, %scan3A_731 : i32
        %add3A_795 = arith.constant 0 : i32
        %add3A_796 = arith.addi %mul3A_794, %add3A_795 : i32
        %broadcast_in_dim3A_797 = arith.constant 0 : i32
        %broadcast_in_dim3A_798 = vector.broadcast %broadcast_in_dim3A_797 : i32 to vector<16x1xi32>
        %gather3A_799 = vector.shape_cast %broadcast_in_dim3A_798 : vector<16x1xi32> to vector<16xi32>
        %gather3A_800 = tpu.dynamic_gather %bitcast_convert_type3A_792[%gather3A_799] in [0] : vector<16xf32>, vector<16xi32> -> vector<16xf32>
        %get3A_801 = arith.index_cast %add3A_796 : i32 to index
        %get3A_802 = arith.constant 0 : index
        %get3A_803 = tpu.vector_load %arg12[%get3A_801, %get3A_802] {strides = array<i32>} : memref<256x64xf32, #tpu.memory_space<vmem>>, vector<1x16xf32>,
        %get3A_804 = vector.shape_cast %get3A_803 : vector<1x16xf32> to vector<16xf32>
        %mul3A_805 = arith.mulf %gather3A_800, %get3A_804 : vector<16xf32>
        %sub3A_806 = arith.subf %mul3A_805, %scan3A_736 : vector<16xf32>
        %add3A_807 = arith.addf %scan3A_732, %sub3A_806 : vector<16xf32>
        %sub3A_808 = arith.subf %add3A_807, %scan3A_732 : vector<16xf32>
        %sub3A_809 = arith.subf %sub3A_808, %sub3A_806 : vector<16xf32>
        %get3A_810 = arith.index_cast %add3A_796 : i32 to index
        %get3A_811 = arith.constant 16 : index
        %get3A_812 = tpu.vector_load %arg12[%get3A_810, %get3A_811] {strides = array<i32>} : memref<256x64xf32, #tpu.memory_space<vmem>>, vector<1x16xf32>,
        %get3A_813 = vector.shape_cast %get3A_812 : vector<1x16xf32> to vector<16xf32>
        %mul3A_814 = arith.mulf %gather3A_800, %get3A_813 : vector<16xf32>
        %sub3A_815 = arith.subf %mul3A_814, %scan3A_737 : vector<16xf32>
        %add3A_816 = arith.addf %scan3A_733, %sub3A_815 : vector<16xf32>
        %sub3A_817 = arith.subf %add3A_816, %scan3A_733 : vector<16xf32>
        %sub3A_818 = arith.subf %sub3A_817, %sub3A_815 : vector<16xf32>
        %get3A_819 = arith.index_cast %add3A_796 : i32 to index
        %get3A_820 = arith.constant 32 : index
        %get3A_821 = tpu.vector_load %arg12[%get3A_819, %get3A_820] {strides = array<i32>} : memref<256x64xf32, #tpu.memory_space<vmem>>, vector<1x16xf32>,
        %get3A_822 = vector.shape_cast %get3A_821 : vector<1x16xf32> to vector<16xf32>
        %mul3A_823 = arith.mulf %gather3A_800, %get3A_822 : vector<16xf32>
        %sub3A_824 = arith.subf %mul3A_823, %scan3A_738 : vector<16xf32>
        %add3A_825 = arith.addf %scan3A_734, %sub3A_824 : vector<16xf32>
        %sub3A_826 = arith.subf %add3A_825, %scan3A_734 : vector<16xf32>
        %sub3A_827 = arith.subf %sub3A_826, %sub3A_824 : vector<16xf32>
        %get3A_828 = arith.index_cast %add3A_796 : i32 to index
        %get3A_829 = arith.constant 48 : index
        %get3A_830 = tpu.vector_load %arg12[%get3A_828, %get3A_829] {strides = array<i32>} : memref<256x64xf32, #tpu.memory_space<vmem>>, vector<1x16xf32>,
        %get3A_831 = vector.shape_cast %get3A_830 : vector<1x16xf32> to vector<16xf32>
        %mul3A_832 = arith.mulf %gather3A_800, %get3A_831 : vector<16xf32>
        %sub3A_833 = arith.subf %mul3A_832, %scan3A_739 : vector<16xf32>
        %add3A_834 = arith.addf %scan3A_735, %sub3A_833 : vector<16xf32>
        %sub3A_835 = arith.subf %add3A_834, %scan3A_735 : vector<16xf32>
        %sub3A_836 = arith.subf %sub3A_835, %sub3A_833 : vector<16xf32>
        %mul3A_837 = arith.constant 16 : i32
        %mul3A_838 = arith.muli %mul3A_837, %scan3A_731 : i32
        %add3A_839 = arith.constant 1 : i32
        %add3A_840 = arith.addi %mul3A_838, %add3A_839 : i32
        %broadcast_in_dim3A_841 = arith.constant 1 : i32
        %broadcast_in_dim3A_842 = vector.broadcast %broadcast_in_dim3A_841 : i32 to vector<16x1xi32>
        %gather3A_843 = vector.shape_cast %broadcast_in_dim3A_842 : vector<16x1xi32> to vector<16xi32>
        %gather3A_844 = tpu.dynamic_gather %bitcast_convert_type3A_792[%gather3A_843] in [0] : vector<16xf32>, vector<16xi32> -> vector<16xf32>
        %get3A_845 = arith.index_cast %add3A_840 : i32 to index
        %get3A_846 = arith.constant 0 : index
        %get3A_847 = tpu.vector_load %arg12[%get3A_845, %get3A_846] {strides = array<i32>} : memref<256x64xf32, #tpu.memory_space<vmem>>, vector<1x16xf32>,
        %get3A_848 = vector.shape_cast %get3A_847 : vector<1x16xf32> to vector<16xf32>
        %mul3A_849 = arith.mulf %gather3A_844, %get3A_848 : vector<16xf32>
        %sub3A_850 = arith.subf %mul3A_849, %sub3A_809 : vector<16xf32>
        %add3A_851 = arith.addf %add3A_807, %sub3A_850 : vector<16xf32>
        %sub3A_852 = arith.subf %add3A_851, %add3A_807 : vector<16xf32>
        %sub3A_853 = arith.subf %sub3A_852, %sub3A_850 : vector<16xf32>
        %get3A_854 = arith.index_cast %add3A_840 : i32 to index
        %get3A_855 = arith.constant 16 : index
        %get3A_856 = tpu.vector_load %arg12[%get3A_854, %get3A_855] {strides = array<i32>} : memref<256x64xf32, #tpu.memory_space<vmem>>, vector<1x16xf32>,
        %get3A_857 = vector.shape_cast %get3A_856 : vector<1x16xf32> to vector<16xf32>
        %mul3A_858 = arith.mulf %gather3A_844, %get3A_857 : vector<16xf32>
        %sub3A_859 = arith.subf %mul3A_858, %sub3A_818 : vector<16xf32>
        %add3A_860 = arith.addf %add3A_816, %sub3A_859 : vector<16xf32>
        %sub3A_861 = arith.subf %add3A_860, %add3A_816 : vector<16xf32>
        %sub3A_862 = arith.subf %sub3A_861, %sub3A_859 : vector<16xf32>
        %get3A_863 = arith.index_cast %add3A_840 : i32 to index
        %get3A_864 = arith.constant 32 : index
        %get3A_865 = tpu.vector_load %arg12[%get3A_863, %get3A_864] {strides = array<i32>} : memref<256x64xf32, #tpu.memory_space<vmem>>, vector<1x16xf32>,
        %get3A_866 = vector.shape_cast %get3A_865 : vector<1x16xf32> to vector<16xf32>
        %mul3A_867 = arith.mulf %gather3A_844, %get3A_866 : vector<16xf32>
        %sub3A_868 = arith.subf %mul3A_867, %sub3A_827 : vector<16xf32>
        %add3A_869 = arith.addf %add3A_825, %sub3A_868 : vector<16xf32>
        %sub3A_870 = arith.subf %add3A_869, %add3A_825 : vector<16xf32>
        %sub3A_871 = arith.subf %sub3A_870, %sub3A_868 : vector<16xf32>
        %get3A_872 = arith.index_cast %add3A_840 : i32 to index
        %get3A_873 = arith.constant 48 : index
        %get3A_874 = tpu.vector_load %arg12[%get3A_872, %get3A_873] {strides = array<i32>} : memref<256x64xf32, #tpu.memory_space<vmem>>, vector<1x16xf32>,
        %get3A_875 = vector.shape_cast %get3A_874 : vector<1x16xf32> to vector<16xf32>
        %mul3A_876 = arith.mulf %gather3A_844, %get3A_875 : vector<16xf32>
        %sub3A_877 = arith.subf %mul3A_876, %sub3A_836 : vector<16xf32>
        %add3A_878 = arith.addf %add3A_834, %sub3A_877 : vector<16xf32>
        %sub3A_879 = arith.subf %add3A_878, %add3A_834 : vector<16xf32>
        %sub3A_880 = arith.subf %sub3A_879, %sub3A_877 : vector<16xf32>
        %mul3A_881 = arith.constant 16 : i32
        %mul3A_882 = arith.muli %mul3A_881, %scan3A_731 : i32
        %add3A_883 = arith.constant 2 : i32
        %add3A_884 = arith.addi %mul3A_882, %add3A_883 : i32
        %broadcast_in_dim3A_885 = arith.constant 2 : i32
        %broadcast_in_dim3A_886 = vector.broadcast %broadcast_in_dim3A_885 : i32 to vector<16x1xi32>
        %gather3A_887 = vector.shape_cast %broadcast_in_dim3A_886 : vector<16x1xi32> to vector<16xi32>
        %gather3A_888 = tpu.dynamic_gather %bitcast_convert_type3A_792[%gather3A_887] in [0] : vector<16xf32>, vector<16xi32> -> vector<16xf32>
        %get3A_889 = arith.index_cast %add3A_884 : i32 to index
        %get3A_890 = arith.constant 0 : index
        %get3A_891 = tpu.vector_load %arg12[%get3A_889, %get3A_890] {strides = array<i32>} : memref<256x64xf32, #tpu.memory_space<vmem>>, vector<1x16xf32>,
        %get3A_892 = vector.shape_cast %get3A_891 : vector<1x16xf32> to vector<16xf32>
        %mul3A_893 = arith.mulf %gather3A_888, %get3A_892 : vector<16xf32>
        %sub3A_894 = arith.subf %mul3A_893, %sub3A_853 : vector<16xf32>
        %add3A_895 = arith.addf %add3A_851, %sub3A_894 : vector<16xf32>
        %sub3A_896 = arith.subf %add3A_895, %add3A_851 : vector<16xf32>
        %sub3A_897 = arith.subf %sub3A_896, %sub3A_894 : vector<16xf32>
        %get3A_898 = arith.index_cast %add3A_884 : i32 to index
        %get3A_899 = arith.constant 16 : index
        %get3A_900 = tpu.vector_load %arg12[%get3A_898, %get3A_899] {strides = array<i32>} : memref<256x64xf32, #tpu.memory_space<vmem>>, vector<1x16xf32>,
        %get3A_901 = vector.shape_cast %get3A_900 : vector<1x16xf32> to vector<16xf32>
        %mul3A_902 = arith.mulf %gather3A_888, %get3A_901 : vector<16xf32>
        %sub3A_903 = arith.subf %mul3A_902, %sub3A_862 : vector<16xf32>
        %add3A_904 = arith.addf %add3A_860, %sub3A_903 : vector<16xf32>
        %sub3A_905 = arith.subf %add3A_904, %add3A_860 : vector<16xf32>
        %sub3A_906 = arith.subf %sub3A_905, %sub3A_903 : vector<16xf32>
        %get3A_907 = arith.index_cast %add3A_884 : i32 to index
        %get3A_908 = arith.constant 32 : index
        %get3A_909 = tpu.vector_load %arg12[%get3A_907, %get3A_908] {strides = array<i32>} : memref<256x64xf32, #tpu.memory_space<vmem>>, vector<1x16xf32>,
        %get3A_910 = vector.shape_cast %get3A_909 : vector<1x16xf32> to vector<16xf32>
        %mul3A_911 = arith.mulf %gather3A_888, %get3A_910 : vector<16xf32>
        %sub3A_912 = arith.subf %mul3A_911, %sub3A_871 : vector<16xf32>
        %add3A_913 = arith.addf %add3A_869, %sub3A_912 : vector<16xf32>
        %sub3A_914 = arith.subf %add3A_913, %add3A_869 : vector<16xf32>
        %sub3A_915 = arith.subf %sub3A_914, %sub3A_912 : vector<16xf32>
        %get3A_916 = arith.index_cast %add3A_884 : i32 to index
        %get3A_917 = arith.constant 48 : index
        %get3A_918 = tpu.vector_load %arg12[%get3A_916, %get3A_917] {strides = array<i32>} : memref<256x64xf32, #tpu.memory_space<vmem>>, vector<1x16xf32>,
        %get3A_919 = vector.shape_cast %get3A_918 : vector<1x16xf32> to vector<16xf32>
        %mul3A_920 = arith.mulf %gather3A_888, %get3A_919 : vector<16xf32>
        %sub3A_921 = arith.subf %mul3A_920, %sub3A_880 : vector<16xf32>
        %add3A_922 = arith.addf %add3A_878, %sub3A_921 : vector<16xf32>
        %sub3A_923 = arith.subf %add3A_922, %add3A_878 : vector<16xf32>
        %sub3A_924 = arith.subf %sub3A_923, %sub3A_921 : vector<16xf32>
        %mul3A_925 = arith.constant 16 : i32
        %mul3A_926 = arith.muli %mul3A_925, %scan3A_731 : i32
        %add3A_927 = arith.constant 3 : i32
        %add3A_928 = arith.addi %mul3A_926, %add3A_927 : i32
        %broadcast_in_dim3A_929 = arith.constant 3 : i32
        %broadcast_in_dim3A_930 = vector.broadcast %broadcast_in_dim3A_929 : i32 to vector<16x1xi32>
        %gather3A_931 = vector.shape_cast %broadcast_in_dim3A_930 : vector<16x1xi32> to vector<16xi32>
        %gather3A_932 = tpu.dynamic_gather %bitcast_convert_type3A_792[%gather3A_931] in [0] : vector<16xf32>, vector<16xi32> -> vector<16xf32>
        %get3A_933 = arith.index_cast %add3A_928 : i32 to index
        %get3A_934 = arith.constant 0 : index
        %get3A_935 = tpu.vector_load %arg12[%get3A_933, %get3A_934] {strides = array<i32>} : memref<256x64xf32, #tpu.memory_space<vmem>>, vector<1x16xf32>,
        %get3A_936 = vector.shape_cast %get3A_935 : vector<1x16xf32> to vector<16xf32>
        %mul3A_937 = arith.mulf %gather3A_932, %get3A_936 : vector<16xf32>
        %sub3A_938 = arith.subf %mul3A_937, %sub3A_897 : vector<16xf32>
        %add3A_939 = arith.addf %add3A_895, %sub3A_938 : vector<16xf32>
        %sub3A_940 = arith.subf %add3A_939, %add3A_895 : vector<16xf32>
        %sub3A_941 = arith.subf %sub3A_940, %sub3A_938 : vector<16xf32>
        %get3A_942 = arith.index_cast %add3A_928 : i32 to index
        %get3A_943 = arith.constant 16 : index
        %get3A_944 = tpu.vector_load %arg12[%get3A_942, %get3A_943] {strides = array<i32>} : memref<256x64xf32, #tpu.memory_space<vmem>>, vector<1x16xf32>,
        %get3A_945 = vector.shape_cast %get3A_944 : vector<1x16xf32> to vector<16xf32>
        %mul3A_946 = arith.mulf %gather3A_932, %get3A_945 : vector<16xf32>
        %sub3A_947 = arith.subf %mul3A_946, %sub3A_906 : vector<16xf32>
        %add3A_948 = arith.addf %add3A_904, %sub3A_947 : vector<16xf32>
        %sub3A_949 = arith.subf %add3A_948, %add3A_904 : vector<16xf32>
        %sub3A_950 = arith.subf %sub3A_949, %sub3A_947 : vector<16xf32>
        %get3A_951 = arith.index_cast %add3A_928 : i32 to index
        %get3A_952 = arith.constant 32 : index
        %get3A_953 = tpu.vector_load %arg12[%get3A_951, %get3A_952] {strides = array<i32>} : memref<256x64xf32, #tpu.memory_space<vmem>>, vector<1x16xf32>,
        %get3A_954 = vector.shape_cast %get3A_953 : vector<1x16xf32> to vector<16xf32>
        %mul3A_955 = arith.mulf %gather3A_932, %get3A_954 : vector<16xf32>
        %sub3A_956 = arith.subf %mul3A_955, %sub3A_915 : vector<16xf32>
        %add3A_957 = arith.addf %add3A_913, %sub3A_956 : vector<16xf32>
        %sub3A_958 = arith.subf %add3A_957, %add3A_913 : vector<16xf32>
        %sub3A_959 = arith.subf %sub3A_958, %sub3A_956 : vector<16xf32>
        %get3A_960 = arith.index_cast %add3A_928 : i32 to index
        %get3A_961 = arith.constant 48 : index
        %get3A_962 = tpu.vector_load %arg12[%get3A_960, %get3A_961] {strides = array<i32>} : memref<256x64xf32, #tpu.memory_space<vmem>>, vector<1x16xf32>,
        %get3A_963 = vector.shape_cast %get3A_962 : vector<1x16xf32> to vector<16xf32>
        %mul3A_964 = arith.mulf %gather3A_932, %get3A_963 : vector<16xf32>
        %sub3A_965 = arith.subf %mul3A_964, %sub3A_924 : vector<16xf32>
        %add3A_966 = arith.addf %add3A_922, %sub3A_965 : vector<16xf32>
        %sub3A_967 = arith.subf %add3A_966, %add3A_922 : vector<16xf32>
        %sub3A_968 = arith.subf %sub3A_967, %sub3A_965 : vector<16xf32>
        %mul3A_969 = arith.constant 16 : i32
        %mul3A_970 = arith.muli %mul3A_969, %scan3A_731 : i32
        %add3A_971 = arith.constant 4 : i32
        %add3A_972 = arith.addi %mul3A_970, %add3A_971 : i32
        %broadcast_in_dim3A_973 = arith.constant 4 : i32
        %broadcast_in_dim3A_974 = vector.broadcast %broadcast_in_dim3A_973 : i32 to vector<16x1xi32>
        %gather3A_975 = vector.shape_cast %broadcast_in_dim3A_974 : vector<16x1xi32> to vector<16xi32>
        %gather3A_976 = tpu.dynamic_gather %bitcast_convert_type3A_792[%gather3A_975] in [0] : vector<16xf32>, vector<16xi32> -> vector<16xf32>
        %get3A_977 = arith.index_cast %add3A_972 : i32 to index
        %get3A_978 = arith.constant 0 : index
        %get3A_979 = tpu.vector_load %arg12[%get3A_977, %get3A_978] {strides = array<i32>} : memref<256x64xf32, #tpu.memory_space<vmem>>, vector<1x16xf32>,
        %get3A_980 = vector.shape_cast %get3A_979 : vector<1x16xf32> to vector<16xf32>
        %mul3A_981 = arith.mulf %gather3A_976, %get3A_980 : vector<16xf32>
        %sub3A_982 = arith.subf %mul3A_981, %sub3A_941 : vector<16xf32>
        %add3A_983 = arith.addf %add3A_939, %sub3A_982 : vector<16xf32>
        %sub3A_984 = arith.subf %add3A_983, %add3A_939 : vector<16xf32>
        %sub3A_985 = arith.subf %sub3A_984, %sub3A_982 : vector<16xf32>
        %get3A_986 = arith.index_cast %add3A_972 : i32 to index
        %get3A_987 = arith.constant 16 : index
        %get3A_988 = tpu.vector_load %arg12[%get3A_986, %get3A_987] {strides = array<i32>} : memref<256x64xf32, #tpu.memory_space<vmem>>, vector<1x16xf32>,
        %get3A_989 = vector.shape_cast %get3A_988 : vector<1x16xf32> to vector<16xf32>
        %mul3A_990 = arith.mulf %gather3A_976, %get3A_989 : vector<16xf32>
        %sub3A_991 = arith.subf %mul3A_990, %sub3A_950 : vector<16xf32>
        %add3A_992 = arith.addf %add3A_948, %sub3A_991 : vector<16xf32>
        %sub3A_993 = arith.subf %add3A_992, %add3A_948 : vector<16xf32>
        %sub3A_994 = arith.subf %sub3A_993, %sub3A_991 : vector<16xf32>
        %get3A_995 = arith.index_cast %add3A_972 : i32 to index
        %get3A_996 = arith.constant 32 : index
        %get3A_997 = tpu.vector_load %arg12[%get3A_995, %get3A_996] {strides = array<i32>} : memref<256x64xf32, #tpu.memory_space<vmem>>, vector<1x16xf32>,
        %get3A_998 = vector.shape_cast %get3A_997 : vector<1x16xf32> to vector<16xf32>
        %mul3A_999 = arith.mulf %gather3A_976, %get3A_998 : vector<16xf32>
        %sub3A_1000 = arith.subf %mul3A_999, %sub3A_959 : vector<16xf32>
        %add3A_1001 = arith.addf %add3A_957, %sub3A_1000 : vector<16xf32>
        %sub3A_1002 = arith.subf %add3A_1001, %add3A_957 : vector<16xf32>
        %sub3A_1003 = arith.subf %sub3A_1002, %sub3A_1000 : vector<16xf32>
        %get3A_1004 = arith.index_cast %add3A_972 : i32 to index
        %get3A_1005 = arith.constant 48 : index
        %get3A_1006 = tpu.vector_load %arg12[%get3A_1004, %get3A_1005] {strides = array<i32>} : memref<256x64xf32, #tpu.memory_space<vmem>>, vector<1x16xf32>,
        %get3A_1007 = vector.shape_cast %get3A_1006 : vector<1x16xf32> to vector<16xf32>
        %mul3A_1008 = arith.mulf %gather3A_976, %get3A_1007 : vector<16xf32>
        %sub3A_1009 = arith.subf %mul3A_1008, %sub3A_968 : vector<16xf32>
        %add3A_1010 = arith.addf %add3A_966, %sub3A_1009 : vector<16xf32>
        %sub3A_1011 = arith.subf %add3A_1010, %add3A_966 : vector<16xf32>
        %sub3A_1012 = arith.subf %sub3A_1011, %sub3A_1009 : vector<16xf32>
        %mul3A_1013 = arith.constant 16 : i32
        %mul3A_1014 = arith.muli %mul3A_1013, %scan3A_731 : i32
        %add3A_1015 = arith.constant 5 : i32
        %add3A_1016 = arith.addi %mul3A_1014, %add3A_1015 : i32
        %broadcast_in_dim3A_1017 = arith.constant 5 : i32
        %broadcast_in_dim3A_1018 = vector.broadcast %broadcast_in_dim3A_1017 : i32 to vector<16x1xi32>
        %gather3A_1019 = vector.shape_cast %broadcast_in_dim3A_1018 : vector<16x1xi32> to vector<16xi32>
        %gather3A_1020 = tpu.dynamic_gather %bitcast_convert_type3A_792[%gather3A_1019] in [0] : vector<16xf32>, vector<16xi32> -> vector<16xf32>
        %get3A_1021 = arith.index_cast %add3A_1016 : i32 to index
        %get3A_1022 = arith.constant 0 : index
        %get3A_1023 = tpu.vector_load %arg12[%get3A_1021, %get3A_1022] {strides = array<i32>} : memref<256x64xf32, #tpu.memory_space<vmem>>, vector<1x16xf32>,
        %get3A_1024 = vector.shape_cast %get3A_1023 : vector<1x16xf32> to vector<16xf32>
        %mul3A_1025 = arith.mulf %gather3A_1020, %get3A_1024 : vector<16xf32>
        %sub3A_1026 = arith.subf %mul3A_1025, %sub3A_985 : vector<16xf32>
        %add3A_1027 = arith.addf %add3A_983, %sub3A_1026 : vector<16xf32>
        %sub3A_1028 = arith.subf %add3A_1027, %add3A_983 : vector<16xf32>
        %sub3A_1029 = arith.subf %sub3A_1028, %sub3A_1026 : vector<16xf32>
        %get3A_1030 = arith.index_cast %add3A_1016 : i32 to index
        %get3A_1031 = arith.constant 16 : index
        %get3A_1032 = tpu.vector_load %arg12[%get3A_1030, %get3A_1031] {strides = array<i32>} : memref<256x64xf32, #tpu.memory_space<vmem>>, vector<1x16xf32>,
        %get3A_1033 = vector.shape_cast %get3A_1032 : vector<1x16xf32> to vector<16xf32>
        %mul3A_1034 = arith.mulf %gather3A_1020, %get3A_1033 : vector<16xf32>
        %sub3A_1035 = arith.subf %mul3A_1034, %sub3A_994 : vector<16xf32>
        %add3A_1036 = arith.addf %add3A_992, %sub3A_1035 : vector<16xf32>
        %sub3A_1037 = arith.subf %add3A_1036, %add3A_992 : vector<16xf32>
        %sub3A_1038 = arith.subf %sub3A_1037, %sub3A_1035 : vector<16xf32>
        %get3A_1039 = arith.index_cast %add3A_1016 : i32 to index
        %get3A_1040 = arith.constant 32 : index
        %get3A_1041 = tpu.vector_load %arg12[%get3A_1039, %get3A_1040] {strides = array<i32>} : memref<256x64xf32, #tpu.memory_space<vmem>>, vector<1x16xf32>,
        %get3A_1042 = vector.shape_cast %get3A_1041 : vector<1x16xf32> to vector<16xf32>
        %mul3A_1043 = arith.mulf %gather3A_1020, %get3A_1042 : vector<16xf32>
        %sub3A_1044 = arith.subf %mul3A_1043, %sub3A_1003 : vector<16xf32>
        %add3A_1045 = arith.addf %add3A_1001, %sub3A_1044 : vector<16xf32>
        %sub3A_1046 = arith.subf %add3A_1045, %add3A_1001 : vector<16xf32>
        %sub3A_1047 = arith.subf %sub3A_1046, %sub3A_1044 : vector<16xf32>
        %get3A_1048 = arith.index_cast %add3A_1016 : i32 to index
        %get3A_1049 = arith.constant 48 : index
        %get3A_1050 = tpu.vector_load %arg12[%get3A_1048, %get3A_1049] {strides = array<i32>} : memref<256x64xf32, #tpu.memory_space<vmem>>, vector<1x16xf32>,
        %get3A_1051 = vector.shape_cast %get3A_1050 : vector<1x16xf32> to vector<16xf32>
        %mul3A_1052 = arith.mulf %gather3A_1020, %get3A_1051 : vector<16xf32>
        %sub3A_1053 = arith.subf %mul3A_1052, %sub3A_1012 : vector<16xf32>
        %add3A_1054 = arith.addf %add3A_1010, %sub3A_1053 : vector<16xf32>
        %sub3A_1055 = arith.subf %add3A_1054, %add3A_1010 : vector<16xf32>
        %sub3A_1056 = arith.subf %sub3A_1055, %sub3A_1053 : vector<16xf32>
        %mul3A_1057 = arith.constant 16 : i32
        %mul3A_1058 = arith.muli %mul3A_1057, %scan3A_731 : i32
        %add3A_1059 = arith.constant 6 : i32
        %add3A_1060 = arith.addi %mul3A_1058, %add3A_1059 : i32
        %broadcast_in_dim3A_1061 = arith.constant 6 : i32
        %broadcast_in_dim3A_1062 = vector.broadcast %broadcast_in_dim3A_1061 : i32 to vector<16x1xi32>
        %gather3A_1063 = vector.shape_cast %broadcast_in_dim3A_1062 : vector<16x1xi32> to vector<16xi32>
        %gather3A_1064 = tpu.dynamic_gather %bitcast_convert_type3A_792[%gather3A_1063] in [0] : vector<16xf32>, vector<16xi32> -> vector<16xf32>
        %get3A_1065 = arith.index_cast %add3A_1060 : i32 to index
        %get3A_1066 = arith.constant 0 : index
        %get3A_1067 = tpu.vector_load %arg12[%get3A_1065, %get3A_1066] {strides = array<i32>} : memref<256x64xf32, #tpu.memory_space<vmem>>, vector<1x16xf32>,
        %get3A_1068 = vector.shape_cast %get3A_1067 : vector<1x16xf32> to vector<16xf32>
        %mul3A_1069 = arith.mulf %gather3A_1064, %get3A_1068 : vector<16xf32>
        %sub3A_1070 = arith.subf %mul3A_1069, %sub3A_1029 : vector<16xf32>
        %add3A_1071 = arith.addf %add3A_1027, %sub3A_1070 : vector<16xf32>
        %sub3A_1072 = arith.subf %add3A_1071, %add3A_1027 : vector<16xf32>
        %sub3A_1073 = arith.subf %sub3A_1072, %sub3A_1070 : vector<16xf32>
        %get3A_1074 = arith.index_cast %add3A_1060 : i32 to index
        %get3A_1075 = arith.constant 16 : index
        %get3A_1076 = tpu.vector_load %arg12[%get3A_1074, %get3A_1075] {strides = array<i32>} : memref<256x64xf32, #tpu.memory_space<vmem>>, vector<1x16xf32>,
        %get3A_1077 = vector.shape_cast %get3A_1076 : vector<1x16xf32> to vector<16xf32>
        %mul3A_1078 = arith.mulf %gather3A_1064, %get3A_1077 : vector<16xf32>
        %sub3A_1079 = arith.subf %mul3A_1078, %sub3A_1038 : vector<16xf32>
        %add3A_1080 = arith.addf %add3A_1036, %sub3A_1079 : vector<16xf32>
        %sub3A_1081 = arith.subf %add3A_1080, %add3A_1036 : vector<16xf32>
        %sub3A_1082 = arith.subf %sub3A_1081, %sub3A_1079 : vector<16xf32>
        %get3A_1083 = arith.index_cast %add3A_1060 : i32 to index
        %get3A_1084 = arith.constant 32 : index
        %get3A_1085 = tpu.vector_load %arg12[%get3A_1083, %get3A_1084] {strides = array<i32>} : memref<256x64xf32, #tpu.memory_space<vmem>>, vector<1x16xf32>,
        %get3A_1086 = vector.shape_cast %get3A_1085 : vector<1x16xf32> to vector<16xf32>
        %mul3A_1087 = arith.mulf %gather3A_1064, %get3A_1086 : vector<16xf32>
        %sub3A_1088 = arith.subf %mul3A_1087, %sub3A_1047 : vector<16xf32>
        %add3A_1089 = arith.addf %add3A_1045, %sub3A_1088 : vector<16xf32>
        %sub3A_1090 = arith.subf %add3A_1089, %add3A_1045 : vector<16xf32>
        %sub3A_1091 = arith.subf %sub3A_1090, %sub3A_1088 : vector<16xf32>
        %get3A_1092 = arith.index_cast %add3A_1060 : i32 to index
        %get3A_1093 = arith.constant 48 : index
        %get3A_1094 = tpu.vector_load %arg12[%get3A_1092, %get3A_1093] {strides = array<i32>} : memref<256x64xf32, #tpu.memory_space<vmem>>, vector<1x16xf32>,
        %get3A_1095 = vector.shape_cast %get3A_1094 : vector<1x16xf32> to vector<16xf32>
        %mul3A_1096 = arith.mulf %gather3A_1064, %get3A_1095 : vector<16xf32>
        %sub3A_1097 = arith.subf %mul3A_1096, %sub3A_1056 : vector<16xf32>
        %add3A_1098 = arith.addf %add3A_1054, %sub3A_1097 : vector<16xf32>
        %sub3A_1099 = arith.subf %add3A_1098, %add3A_1054 : vector<16xf32>
        %sub3A_1100 = arith.subf %sub3A_1099, %sub3A_1097 : vector<16xf32>
        %mul3A_1101 = arith.constant 16 : i32
        %mul3A_1102 = arith.muli %mul3A_1101, %scan3A_731 : i32
        %add3A_1103 = arith.constant 7 : i32
        %add3A_1104 = arith.addi %mul3A_1102, %add3A_1103 : i32
        %broadcast_in_dim3A_1105 = arith.constant 7 : i32
        %broadcast_in_dim3A_1106 = vector.broadcast %broadcast_in_dim3A_1105 : i32 to vector<16x1xi32>
        %gather3A_1107 = vector.shape_cast %broadcast_in_dim3A_1106 : vector<16x1xi32> to vector<16xi32>
        %gather3A_1108 = tpu.dynamic_gather %bitcast_convert_type3A_792[%gather3A_1107] in [0] : vector<16xf32>, vector<16xi32> -> vector<16xf32>
        %get3A_1109 = arith.index_cast %add3A_1104 : i32 to index
        %get3A_1110 = arith.constant 0 : index
        %get3A_1111 = tpu.vector_load %arg12[%get3A_1109, %get3A_1110] {strides = array<i32>} : memref<256x64xf32, #tpu.memory_space<vmem>>, vector<1x16xf32>,
        %get3A_1112 = vector.shape_cast %get3A_1111 : vector<1x16xf32> to vector<16xf32>
        %mul3A_1113 = arith.mulf %gather3A_1108, %get3A_1112 : vector<16xf32>
        %sub3A_1114 = arith.subf %mul3A_1113, %sub3A_1073 : vector<16xf32>
        %add3A_1115 = arith.addf %add3A_1071, %sub3A_1114 : vector<16xf32>
        %sub3A_1116 = arith.subf %add3A_1115, %add3A_1071 : vector<16xf32>
        %sub3A_1117 = arith.subf %sub3A_1116, %sub3A_1114 : vector<16xf32>
        %get3A_1118 = arith.index_cast %add3A_1104 : i32 to index
        %get3A_1119 = arith.constant 16 : index
        %get3A_1120 = tpu.vector_load %arg12[%get3A_1118, %get3A_1119] {strides = array<i32>} : memref<256x64xf32, #tpu.memory_space<vmem>>, vector<1x16xf32>,
        %get3A_1121 = vector.shape_cast %get3A_1120 : vector<1x16xf32> to vector<16xf32>
        %mul3A_1122 = arith.mulf %gather3A_1108, %get3A_1121 : vector<16xf32>
        %sub3A_1123 = arith.subf %mul3A_1122, %sub3A_1082 : vector<16xf32>
        %add3A_1124 = arith.addf %add3A_1080, %sub3A_1123 : vector<16xf32>
        %sub3A_1125 = arith.subf %add3A_1124, %add3A_1080 : vector<16xf32>
        %sub3A_1126 = arith.subf %sub3A_1125, %sub3A_1123 : vector<16xf32>
        %get3A_1127 = arith.index_cast %add3A_1104 : i32 to index
        %get3A_1128 = arith.constant 32 : index
        %get3A_1129 = tpu.vector_load %arg12[%get3A_1127, %get3A_1128] {strides = array<i32>} : memref<256x64xf32, #tpu.memory_space<vmem>>, vector<1x16xf32>,
        %get3A_1130 = vector.shape_cast %get3A_1129 : vector<1x16xf32> to vector<16xf32>
        %mul3A_1131 = arith.mulf %gather3A_1108, %get3A_1130 : vector<16xf32>
        %sub3A_1132 = arith.subf %mul3A_1131, %sub3A_1091 : vector<16xf32>
        %add3A_1133 = arith.addf %add3A_1089, %sub3A_1132 : vector<16xf32>
        %sub3A_1134 = arith.subf %add3A_1133, %add3A_1089 : vector<16xf32>
        %sub3A_1135 = arith.subf %sub3A_1134, %sub3A_1132 : vector<16xf32>
        %get3A_1136 = arith.index_cast %add3A_1104 : i32 to index
        %get3A_1137 = arith.constant 48 : index
        %get3A_1138 = tpu.vector_load %arg12[%get3A_1136, %get3A_1137] {strides = array<i32>} : memref<256x64xf32, #tpu.memory_space<vmem>>, vector<1x16xf32>,
        %get3A_1139 = vector.shape_cast %get3A_1138 : vector<1x16xf32> to vector<16xf32>
        %mul3A_1140 = arith.mulf %gather3A_1108, %get3A_1139 : vector<16xf32>
        %sub3A_1141 = arith.subf %mul3A_1140, %sub3A_1100 : vector<16xf32>
        %add3A_1142 = arith.addf %add3A_1098, %sub3A_1141 : vector<16xf32>
        %sub3A_1143 = arith.subf %add3A_1142, %add3A_1098 : vector<16xf32>
        %sub3A_1144 = arith.subf %sub3A_1143, %sub3A_1141 : vector<16xf32>
        %mul3A_1145 = arith.constant 16 : i32
        %mul3A_1146 = arith.muli %mul3A_1145, %scan3A_731 : i32
        %add3A_1147 = arith.constant 8 : i32
        %add3A_1148 = arith.addi %mul3A_1146, %add3A_1147 : i32
        %broadcast_in_dim3A_1149 = arith.constant 8 : i32
        %broadcast_in_dim3A_1150 = vector.broadcast %broadcast_in_dim3A_1149 : i32 to vector<16x1xi32>
        %gather3A_1151 = vector.shape_cast %broadcast_in_dim3A_1150 : vector<16x1xi32> to vector<16xi32>
        %gather3A_1152 = tpu.dynamic_gather %bitcast_convert_type3A_792[%gather3A_1151] in [0] : vector<16xf32>, vector<16xi32> -> vector<16xf32>
        %get3A_1153 = arith.index_cast %add3A_1148 : i32 to index
        %get3A_1154 = arith.constant 0 : index
        %get3A_1155 = tpu.vector_load %arg12[%get3A_1153, %get3A_1154] {strides = array<i32>} : memref<256x64xf32, #tpu.memory_space<vmem>>, vector<1x16xf32>,
        %get3A_1156 = vector.shape_cast %get3A_1155 : vector<1x16xf32> to vector<16xf32>
        %mul3A_1157 = arith.mulf %gather3A_1152, %get3A_1156 : vector<16xf32>
        %sub3A_1158 = arith.subf %mul3A_1157, %sub3A_1117 : vector<16xf32>
        %add3A_1159 = arith.addf %add3A_1115, %sub3A_1158 : vector<16xf32>
        %sub3A_1160 = arith.subf %add3A_1159, %add3A_1115 : vector<16xf32>
        %sub3A_1161 = arith.subf %sub3A_1160, %sub3A_1158 : vector<16xf32>
        %get3A_1162 = arith.index_cast %add3A_1148 : i32 to index
        %get3A_1163 = arith.constant 16 : index
        %get3A_1164 = tpu.vector_load %arg12[%get3A_1162, %get3A_1163] {strides = array<i32>} : memref<256x64xf32, #tpu.memory_space<vmem>>, vector<1x16xf32>,
        %get3A_1165 = vector.shape_cast %get3A_1164 : vector<1x16xf32> to vector<16xf32>
        %mul3A_1166 = arith.mulf %gather3A_1152, %get3A_1165 : vector<16xf32>
        %sub3A_1167 = arith.subf %mul3A_1166, %sub3A_1126 : vector<16xf32>
        %add3A_1168 = arith.addf %add3A_1124, %sub3A_1167 : vector<16xf32>
        %sub3A_1169 = arith.subf %add3A_1168, %add3A_1124 : vector<16xf32>
        %sub3A_1170 = arith.subf %sub3A_1169, %sub3A_1167 : vector<16xf32>
        %get3A_1171 = arith.index_cast %add3A_1148 : i32 to index
        %get3A_1172 = arith.constant 32 : index
        %get3A_1173 = tpu.vector_load %arg12[%get3A_1171, %get3A_1172] {strides = array<i32>} : memref<256x64xf32, #tpu.memory_space<vmem>>, vector<1x16xf32>,
        %get3A_1174 = vector.shape_cast %get3A_1173 : vector<1x16xf32> to vector<16xf32>
        %mul3A_1175 = arith.mulf %gather3A_1152, %get3A_1174 : vector<16xf32>
        %sub3A_1176 = arith.subf %mul3A_1175, %sub3A_1135 : vector<16xf32>
        %add3A_1177 = arith.addf %add3A_1133, %sub3A_1176 : vector<16xf32>
        %sub3A_1178 = arith.subf %add3A_1177, %add3A_1133 : vector<16xf32>
        %sub3A_1179 = arith.subf %sub3A_1178, %sub3A_1176 : vector<16xf32>
        %get3A_1180 = arith.index_cast %add3A_1148 : i32 to index
        %get3A_1181 = arith.constant 48 : index
        %get3A_1182 = tpu.vector_load %arg12[%get3A_1180, %get3A_1181] {strides = array<i32>} : memref<256x64xf32, #tpu.memory_space<vmem>>, vector<1x16xf32>,
        %get3A_1183 = vector.shape_cast %get3A_1182 : vector<1x16xf32> to vector<16xf32>
        %mul3A_1184 = arith.mulf %gather3A_1152, %get3A_1183 : vector<16xf32>
        %sub3A_1185 = arith.subf %mul3A_1184, %sub3A_1144 : vector<16xf32>
        %add3A_1186 = arith.addf %add3A_1142, %sub3A_1185 : vector<16xf32>
        %sub3A_1187 = arith.subf %add3A_1186, %add3A_1142 : vector<16xf32>
        %sub3A_1188 = arith.subf %sub3A_1187, %sub3A_1185 : vector<16xf32>
        %mul3A_1189 = arith.constant 16 : i32
        %mul3A_1190 = arith.muli %mul3A_1189, %scan3A_731 : i32
        %add3A_1191 = arith.constant 9 : i32
        %add3A_1192 = arith.addi %mul3A_1190, %add3A_1191 : i32
        %broadcast_in_dim3A_1193 = arith.constant 9 : i32
        %broadcast_in_dim3A_1194 = vector.broadcast %broadcast_in_dim3A_1193 : i32 to vector<16x1xi32>
        %gather3A_1195 = vector.shape_cast %broadcast_in_dim3A_1194 : vector<16x1xi32> to vector<16xi32>
        %gather3A_1196 = tpu.dynamic_gather %bitcast_convert_type3A_792[%gather3A_1195] in [0] : vector<16xf32>, vector<16xi32> -> vector<16xf32>
        %get3A_1197 = arith.index_cast %add3A_1192 : i32 to index
        %get3A_1198 = arith.constant 0 : index
        %get3A_1199 = tpu.vector_load %arg12[%get3A_1197, %get3A_1198] {strides = array<i32>} : memref<256x64xf32, #tpu.memory_space<vmem>>, vector<1x16xf32>,
        %get3A_1200 = vector.shape_cast %get3A_1199 : vector<1x16xf32> to vector<16xf32>
        %mul3A_1201 = arith.mulf %gather3A_1196, %get3A_1200 : vector<16xf32>
        %sub3A_1202 = arith.subf %mul3A_1201, %sub3A_1161 : vector<16xf32>
        %add3A_1203 = arith.addf %add3A_1159, %sub3A_1202 : vector<16xf32>
        %sub3A_1204 = arith.subf %add3A_1203, %add3A_1159 : vector<16xf32>
        %sub3A_1205 = arith.subf %sub3A_1204, %sub3A_1202 : vector<16xf32>
        %get3A_1206 = arith.index_cast %add3A_1192 : i32 to index
        %get3A_1207 = arith.constant 16 : index
        %get3A_1208 = tpu.vector_load %arg12[%get3A_1206, %get3A_1207] {strides = array<i32>} : memref<256x64xf32, #tpu.memory_space<vmem>>, vector<1x16xf32>,
        %get3A_1209 = vector.shape_cast %get3A_1208 : vector<1x16xf32> to vector<16xf32>
        %mul3A_1210 = arith.mulf %gather3A_1196, %get3A_1209 : vector<16xf32>
        %sub3A_1211 = arith.subf %mul3A_1210, %sub3A_1170 : vector<16xf32>
        %add3A_1212 = arith.addf %add3A_1168, %sub3A_1211 : vector<16xf32>
        %sub3A_1213 = arith.subf %add3A_1212, %add3A_1168 : vector<16xf32>
        %sub3A_1214 = arith.subf %sub3A_1213, %sub3A_1211 : vector<16xf32>
        %get3A_1215 = arith.index_cast %add3A_1192 : i32 to index
        %get3A_1216 = arith.constant 32 : index
        %get3A_1217 = tpu.vector_load %arg12[%get3A_1215, %get3A_1216] {strides = array<i32>} : memref<256x64xf32, #tpu.memory_space<vmem>>, vector<1x16xf32>,
        %get3A_1218 = vector.shape_cast %get3A_1217 : vector<1x16xf32> to vector<16xf32>
        %mul3A_1219 = arith.mulf %gather3A_1196, %get3A_1218 : vector<16xf32>
        %sub3A_1220 = arith.subf %mul3A_1219, %sub3A_1179 : vector<16xf32>
        %add3A_1221 = arith.addf %add3A_1177, %sub3A_1220 : vector<16xf32>
        %sub3A_1222 = arith.subf %add3A_1221, %add3A_1177 : vector<16xf32>
        %sub3A_1223 = arith.subf %sub3A_1222, %sub3A_1220 : vector<16xf32>
        %get3A_1224 = arith.index_cast %add3A_1192 : i32 to index
        %get3A_1225 = arith.constant 48 : index
        %get3A_1226 = tpu.vector_load %arg12[%get3A_1224, %get3A_1225] {strides = array<i32>} : memref<256x64xf32, #tpu.memory_space<vmem>>, vector<1x16xf32>,
        %get3A_1227 = vector.shape_cast %get3A_1226 : vector<1x16xf32> to vector<16xf32>
        %mul3A_1228 = arith.mulf %gather3A_1196, %get3A_1227 : vector<16xf32>
        %sub3A_1229 = arith.subf %mul3A_1228, %sub3A_1188 : vector<16xf32>
        %add3A_1230 = arith.addf %add3A_1186, %sub3A_1229 : vector<16xf32>
        %sub3A_1231 = arith.subf %add3A_1230, %add3A_1186 : vector<16xf32>
        %sub3A_1232 = arith.subf %sub3A_1231, %sub3A_1229 : vector<16xf32>
        %mul3A_1233 = arith.constant 16 : i32
        %mul3A_1234 = arith.muli %mul3A_1233, %scan3A_731 : i32
        %add3A_1235 = arith.constant 10 : i32
        %add3A_1236 = arith.addi %mul3A_1234, %add3A_1235 : i32
        %broadcast_in_dim3A_1237 = arith.constant 10 : i32
        %broadcast_in_dim3A_1238 = vector.broadcast %broadcast_in_dim3A_1237 : i32 to vector<16x1xi32>
        %gather3A_1239 = vector.shape_cast %broadcast_in_dim3A_1238 : vector<16x1xi32> to vector<16xi32>
        %gather3A_1240 = tpu.dynamic_gather %bitcast_convert_type3A_792[%gather3A_1239] in [0] : vector<16xf32>, vector<16xi32> -> vector<16xf32>
        %get3A_1241 = arith.index_cast %add3A_1236 : i32 to index
        %get3A_1242 = arith.constant 0 : index
        %get3A_1243 = tpu.vector_load %arg12[%get3A_1241, %get3A_1242] {strides = array<i32>} : memref<256x64xf32, #tpu.memory_space<vmem>>, vector<1x16xf32>,
        %get3A_1244 = vector.shape_cast %get3A_1243 : vector<1x16xf32> to vector<16xf32>
        %mul3A_1245 = arith.mulf %gather3A_1240, %get3A_1244 : vector<16xf32>
        %sub3A_1246 = arith.subf %mul3A_1245, %sub3A_1205 : vector<16xf32>
        %add3A_1247 = arith.addf %add3A_1203, %sub3A_1246 : vector<16xf32>
        %sub3A_1248 = arith.subf %add3A_1247, %add3A_1203 : vector<16xf32>
        %sub3A_1249 = arith.subf %sub3A_1248, %sub3A_1246 : vector<16xf32>
        %get3A_1250 = arith.index_cast %add3A_1236 : i32 to index
        %get3A_1251 = arith.constant 16 : index
        %get3A_1252 = tpu.vector_load %arg12[%get3A_1250, %get3A_1251] {strides = array<i32>} : memref<256x64xf32, #tpu.memory_space<vmem>>, vector<1x16xf32>,
        %get3A_1253 = vector.shape_cast %get3A_1252 : vector<1x16xf32> to vector<16xf32>
        %mul3A_1254 = arith.mulf %gather3A_1240, %get3A_1253 : vector<16xf32>
        %sub3A_1255 = arith.subf %mul3A_1254, %sub3A_1214 : vector<16xf32>
        %add3A_1256 = arith.addf %add3A_1212, %sub3A_1255 : vector<16xf32>
        %sub3A_1257 = arith.subf %add3A_1256, %add3A_1212 : vector<16xf32>
        %sub3A_1258 = arith.subf %sub3A_1257, %sub3A_1255 : vector<16xf32>
        %get3A_1259 = arith.index_cast %add3A_1236 : i32 to index
        %get3A_1260 = arith.constant 32 : index
        %get3A_1261 = tpu.vector_load %arg12[%get3A_1259, %get3A_1260] {strides = array<i32>} : memref<256x64xf32, #tpu.memory_space<vmem>>, vector<1x16xf32>,
        %get3A_1262 = vector.shape_cast %get3A_1261 : vector<1x16xf32> to vector<16xf32>
        %mul3A_1263 = arith.mulf %gather3A_1240, %get3A_1262 : vector<16xf32>
        %sub3A_1264 = arith.subf %mul3A_1263, %sub3A_1223 : vector<16xf32>
        %add3A_1265 = arith.addf %add3A_1221, %sub3A_1264 : vector<16xf32>
        %sub3A_1266 = arith.subf %add3A_1265, %add3A_1221 : vector<16xf32>
        %sub3A_1267 = arith.subf %sub3A_1266, %sub3A_1264 : vector<16xf32>
        %get3A_1268 = arith.index_cast %add3A_1236 : i32 to index
        %get3A_1269 = arith.constant 48 : index
        %get3A_1270 = tpu.vector_load %arg12[%get3A_1268, %get3A_1269] {strides = array<i32>} : memref<256x64xf32, #tpu.memory_space<vmem>>, vector<1x16xf32>,
        %get3A_1271 = vector.shape_cast %get3A_1270 : vector<1x16xf32> to vector<16xf32>
        %mul3A_1272 = arith.mulf %gather3A_1240, %get3A_1271 : vector<16xf32>
        %sub3A_1273 = arith.subf %mul3A_1272, %sub3A_1232 : vector<16xf32>
        %add3A_1274 = arith.addf %add3A_1230, %sub3A_1273 : vector<16xf32>
        %sub3A_1275 = arith.subf %add3A_1274, %add3A_1230 : vector<16xf32>
        %sub3A_1276 = arith.subf %sub3A_1275, %sub3A_1273 : vector<16xf32>
        %mul3A_1277 = arith.constant 16 : i32
        %mul3A_1278 = arith.muli %mul3A_1277, %scan3A_731 : i32
        %add3A_1279 = arith.constant 11 : i32
        %add3A_1280 = arith.addi %mul3A_1278, %add3A_1279 : i32
        %broadcast_in_dim3A_1281 = arith.constant 11 : i32
        %broadcast_in_dim3A_1282 = vector.broadcast %broadcast_in_dim3A_1281 : i32 to vector<16x1xi32>
        %gather3A_1283 = vector.shape_cast %broadcast_in_dim3A_1282 : vector<16x1xi32> to vector<16xi32>
        %gather3A_1284 = tpu.dynamic_gather %bitcast_convert_type3A_792[%gather3A_1283] in [0] : vector<16xf32>, vector<16xi32> -> vector<16xf32>
        %get3A_1285 = arith.index_cast %add3A_1280 : i32 to index
        %get3A_1286 = arith.constant 0 : index
        %get3A_1287 = tpu.vector_load %arg12[%get3A_1285, %get3A_1286] {strides = array<i32>} : memref<256x64xf32, #tpu.memory_space<vmem>>, vector<1x16xf32>,
        %get3A_1288 = vector.shape_cast %get3A_1287 : vector<1x16xf32> to vector<16xf32>
        %mul3A_1289 = arith.mulf %gather3A_1284, %get3A_1288 : vector<16xf32>
        %sub3A_1290 = arith.subf %mul3A_1289, %sub3A_1249 : vector<16xf32>
        %add3A_1291 = arith.addf %add3A_1247, %sub3A_1290 : vector<16xf32>
        %sub3A_1292 = arith.subf %add3A_1291, %add3A_1247 : vector<16xf32>
        %sub3A_1293 = arith.subf %sub3A_1292, %sub3A_1290 : vector<16xf32>
        %get3A_1294 = arith.index_cast %add3A_1280 : i32 to index
        %get3A_1295 = arith.constant 16 : index
        %get3A_1296 = tpu.vector_load %arg12[%get3A_1294, %get3A_1295] {strides = array<i32>} : memref<256x64xf32, #tpu.memory_space<vmem>>, vector<1x16xf32>,
        %get3A_1297 = vector.shape_cast %get3A_1296 : vector<1x16xf32> to vector<16xf32>
        %mul3A_1298 = arith.mulf %gather3A_1284, %get3A_1297 : vector<16xf32>
        %sub3A_1299 = arith.subf %mul3A_1298, %sub3A_1258 : vector<16xf32>
        %add3A_1300 = arith.addf %add3A_1256, %sub3A_1299 : vector<16xf32>
        %sub3A_1301 = arith.subf %add3A_1300, %add3A_1256 : vector<16xf32>
        %sub3A_1302 = arith.subf %sub3A_1301, %sub3A_1299 : vector<16xf32>
        %get3A_1303 = arith.index_cast %add3A_1280 : i32 to index
        %get3A_1304 = arith.constant 32 : index
        %get3A_1305 = tpu.vector_load %arg12[%get3A_1303, %get3A_1304] {strides = array<i32>} : memref<256x64xf32, #tpu.memory_space<vmem>>, vector<1x16xf32>,
        %get3A_1306 = vector.shape_cast %get3A_1305 : vector<1x16xf32> to vector<16xf32>
        %mul3A_1307 = arith.mulf %gather3A_1284, %get3A_1306 : vector<16xf32>
        %sub3A_1308 = arith.subf %mul3A_1307, %sub3A_1267 : vector<16xf32>
        %add3A_1309 = arith.addf %add3A_1265, %sub3A_1308 : vector<16xf32>
        %sub3A_1310 = arith.subf %add3A_1309, %add3A_1265 : vector<16xf32>
        %sub3A_1311 = arith.subf %sub3A_1310, %sub3A_1308 : vector<16xf32>
        %get3A_1312 = arith.index_cast %add3A_1280 : i32 to index
        %get3A_1313 = arith.constant 48 : index
        %get3A_1314 = tpu.vector_load %arg12[%get3A_1312, %get3A_1313] {strides = array<i32>} : memref<256x64xf32, #tpu.memory_space<vmem>>, vector<1x16xf32>,
        %get3A_1315 = vector.shape_cast %get3A_1314 : vector<1x16xf32> to vector<16xf32>
        %mul3A_1316 = arith.mulf %gather3A_1284, %get3A_1315 : vector<16xf32>
        %sub3A_1317 = arith.subf %mul3A_1316, %sub3A_1276 : vector<16xf32>
        %add3A_1318 = arith.addf %add3A_1274, %sub3A_1317 : vector<16xf32>
        %sub3A_1319 = arith.subf %add3A_1318, %add3A_1274 : vector<16xf32>
        %sub3A_1320 = arith.subf %sub3A_1319, %sub3A_1317 : vector<16xf32>
        %mul3A_1321 = arith.constant 16 : i32
        %mul3A_1322 = arith.muli %mul3A_1321, %scan3A_731 : i32
        %add3A_1323 = arith.constant 12 : i32
        %add3A_1324 = arith.addi %mul3A_1322, %add3A_1323 : i32
        %broadcast_in_dim3A_1325 = arith.constant 12 : i32
        %broadcast_in_dim3A_1326 = vector.broadcast %broadcast_in_dim3A_1325 : i32 to vector<16x1xi32>
        %gather3A_1327 = vector.shape_cast %broadcast_in_dim3A_1326 : vector<16x1xi32> to vector<16xi32>
        %gather3A_1328 = tpu.dynamic_gather %bitcast_convert_type3A_792[%gather3A_1327] in [0] : vector<16xf32>, vector<16xi32> -> vector<16xf32>
        %get3A_1329 = arith.index_cast %add3A_1324 : i32 to index
        %get3A_1330 = arith.constant 0 : index
        %get3A_1331 = tpu.vector_load %arg12[%get3A_1329, %get3A_1330] {strides = array<i32>} : memref<256x64xf32, #tpu.memory_space<vmem>>, vector<1x16xf32>,
        %get3A_1332 = vector.shape_cast %get3A_1331 : vector<1x16xf32> to vector<16xf32>
        %mul3A_1333 = arith.mulf %gather3A_1328, %get3A_1332 : vector<16xf32>
        %sub3A_1334 = arith.subf %mul3A_1333, %sub3A_1293 : vector<16xf32>
        %add3A_1335 = arith.addf %add3A_1291, %sub3A_1334 : vector<16xf32>
        %sub3A_1336 = arith.subf %add3A_1335, %add3A_1291 : vector<16xf32>
        %sub3A_1337 = arith.subf %sub3A_1336, %sub3A_1334 : vector<16xf32>
        %get3A_1338 = arith.index_cast %add3A_1324 : i32 to index
        %get3A_1339 = arith.constant 16 : index
        %get3A_1340 = tpu.vector_load %arg12[%get3A_1338, %get3A_1339] {strides = array<i32>} : memref<256x64xf32, #tpu.memory_space<vmem>>, vector<1x16xf32>,
        %get3A_1341 = vector.shape_cast %get3A_1340 : vector<1x16xf32> to vector<16xf32>
        %mul3A_1342 = arith.mulf %gather3A_1328, %get3A_1341 : vector<16xf32>
        %sub3A_1343 = arith.subf %mul3A_1342, %sub3A_1302 : vector<16xf32>
        %add3A_1344 = arith.addf %add3A_1300, %sub3A_1343 : vector<16xf32>
        %sub3A_1345 = arith.subf %add3A_1344, %add3A_1300 : vector<16xf32>
        %sub3A_1346 = arith.subf %sub3A_1345, %sub3A_1343 : vector<16xf32>
        %get3A_1347 = arith.index_cast %add3A_1324 : i32 to index
        %get3A_1348 = arith.constant 32 : index
        %get3A_1349 = tpu.vector_load %arg12[%get3A_1347, %get3A_1348] {strides = array<i32>} : memref<256x64xf32, #tpu.memory_space<vmem>>, vector<1x16xf32>,
        %get3A_1350 = vector.shape_cast %get3A_1349 : vector<1x16xf32> to vector<16xf32>
        %mul3A_1351 = arith.mulf %gather3A_1328, %get3A_1350 : vector<16xf32>
        %sub3A_1352 = arith.subf %mul3A_1351, %sub3A_1311 : vector<16xf32>
        %add3A_1353 = arith.addf %add3A_1309, %sub3A_1352 : vector<16xf32>
        %sub3A_1354 = arith.subf %add3A_1353, %add3A_1309 : vector<16xf32>
        %sub3A_1355 = arith.subf %sub3A_1354, %sub3A_1352 : vector<16xf32>
        %get3A_1356 = arith.index_cast %add3A_1324 : i32 to index
        %get3A_1357 = arith.constant 48 : index
        %get3A_1358 = tpu.vector_load %arg12[%get3A_1356, %get3A_1357] {strides = array<i32>} : memref<256x64xf32, #tpu.memory_space<vmem>>, vector<1x16xf32>,
        %get3A_1359 = vector.shape_cast %get3A_1358 : vector<1x16xf32> to vector<16xf32>
        %mul3A_1360 = arith.mulf %gather3A_1328, %get3A_1359 : vector<16xf32>
        %sub3A_1361 = arith.subf %mul3A_1360, %sub3A_1320 : vector<16xf32>
        %add3A_1362 = arith.addf %add3A_1318, %sub3A_1361 : vector<16xf32>
        %sub3A_1363 = arith.subf %add3A_1362, %add3A_1318 : vector<16xf32>
        %sub3A_1364 = arith.subf %sub3A_1363, %sub3A_1361 : vector<16xf32>
        %mul3A_1365 = arith.constant 16 : i32
        %mul3A_1366 = arith.muli %mul3A_1365, %scan3A_731 : i32
        %add3A_1367 = arith.constant 13 : i32
        %add3A_1368 = arith.addi %mul3A_1366, %add3A_1367 : i32
        %broadcast_in_dim3A_1369 = arith.constant 13 : i32
        %broadcast_in_dim3A_1370 = vector.broadcast %broadcast_in_dim3A_1369 : i32 to vector<16x1xi32>
        %gather3A_1371 = vector.shape_cast %broadcast_in_dim3A_1370 : vector<16x1xi32> to vector<16xi32>
        %gather3A_1372 = tpu.dynamic_gather %bitcast_convert_type3A_792[%gather3A_1371] in [0] : vector<16xf32>, vector<16xi32> -> vector<16xf32>
        %get3A_1373 = arith.index_cast %add3A_1368 : i32 to index
        %get3A_1374 = arith.constant 0 : index
        %get3A_1375 = tpu.vector_load %arg12[%get3A_1373, %get3A_1374] {strides = array<i32>} : memref<256x64xf32, #tpu.memory_space<vmem>>, vector<1x16xf32>,
        %get3A_1376 = vector.shape_cast %get3A_1375 : vector<1x16xf32> to vector<16xf32>
        %mul3A_1377 = arith.mulf %gather3A_1372, %get3A_1376 : vector<16xf32>
        %sub3A_1378 = arith.subf %mul3A_1377, %sub3A_1337 : vector<16xf32>
        %add3A_1379 = arith.addf %add3A_1335, %sub3A_1378 : vector<16xf32>
        %sub3A_1380 = arith.subf %add3A_1379, %add3A_1335 : vector<16xf32>
        %sub3A_1381 = arith.subf %sub3A_1380, %sub3A_1378 : vector<16xf32>
        %get3A_1382 = arith.index_cast %add3A_1368 : i32 to index
        %get3A_1383 = arith.constant 16 : index
        %get3A_1384 = tpu.vector_load %arg12[%get3A_1382, %get3A_1383] {strides = array<i32>} : memref<256x64xf32, #tpu.memory_space<vmem>>, vector<1x16xf32>,
        %get3A_1385 = vector.shape_cast %get3A_1384 : vector<1x16xf32> to vector<16xf32>
        %mul3A_1386 = arith.mulf %gather3A_1372, %get3A_1385 : vector<16xf32>
        %sub3A_1387 = arith.subf %mul3A_1386, %sub3A_1346 : vector<16xf32>
        %add3A_1388 = arith.addf %add3A_1344, %sub3A_1387 : vector<16xf32>
        %sub3A_1389 = arith.subf %add3A_1388, %add3A_1344 : vector<16xf32>
        %sub3A_1390 = arith.subf %sub3A_1389, %sub3A_1387 : vector<16xf32>
        %get3A_1391 = arith.index_cast %add3A_1368 : i32 to index
        %get3A_1392 = arith.constant 32 : index
        %get3A_1393 = tpu.vector_load %arg12[%get3A_1391, %get3A_1392] {strides = array<i32>} : memref<256x64xf32, #tpu.memory_space<vmem>>, vector<1x16xf32>,
        %get3A_1394 = vector.shape_cast %get3A_1393 : vector<1x16xf32> to vector<16xf32>
        %mul3A_1395 = arith.mulf %gather3A_1372, %get3A_1394 : vector<16xf32>
        %sub3A_1396 = arith.subf %mul3A_1395, %sub3A_1355 : vector<16xf32>
        %add3A_1397 = arith.addf %add3A_1353, %sub3A_1396 : vector<16xf32>
        %sub3A_1398 = arith.subf %add3A_1397, %add3A_1353 : vector<16xf32>
        %sub3A_1399 = arith.subf %sub3A_1398, %sub3A_1396 : vector<16xf32>
        %get3A_1400 = arith.index_cast %add3A_1368 : i32 to index
        %get3A_1401 = arith.constant 48 : index
        %get3A_1402 = tpu.vector_load %arg12[%get3A_1400, %get3A_1401] {strides = array<i32>} : memref<256x64xf32, #tpu.memory_space<vmem>>, vector<1x16xf32>,
        %get3A_1403 = vector.shape_cast %get3A_1402 : vector<1x16xf32> to vector<16xf32>
        %mul3A_1404 = arith.mulf %gather3A_1372, %get3A_1403 : vector<16xf32>
        %sub3A_1405 = arith.subf %mul3A_1404, %sub3A_1364 : vector<16xf32>
        %add3A_1406 = arith.addf %add3A_1362, %sub3A_1405 : vector<16xf32>
        %sub3A_1407 = arith.subf %add3A_1406, %add3A_1362 : vector<16xf32>
        %sub3A_1408 = arith.subf %sub3A_1407, %sub3A_1405 : vector<16xf32>
        %mul3A_1409 = arith.constant 16 : i32
        %mul3A_1410 = arith.muli %mul3A_1409, %scan3A_731 : i32
        %add3A_1411 = arith.constant 14 : i32
        %add3A_1412 = arith.addi %mul3A_1410, %add3A_1411 : i32
        %broadcast_in_dim3A_1413 = arith.constant 14 : i32
        %broadcast_in_dim3A_1414 = vector.broadcast %broadcast_in_dim3A_1413 : i32 to vector<16x1xi32>
        %gather3A_1415 = vector.shape_cast %broadcast_in_dim3A_1414 : vector<16x1xi32> to vector<16xi32>
        %gather3A_1416 = tpu.dynamic_gather %bitcast_convert_type3A_792[%gather3A_1415] in [0] : vector<16xf32>, vector<16xi32> -> vector<16xf32>
        %get3A_1417 = arith.index_cast %add3A_1412 : i32 to index
        %get3A_1418 = arith.constant 0 : index
        %get3A_1419 = tpu.vector_load %arg12[%get3A_1417, %get3A_1418] {strides = array<i32>} : memref<256x64xf32, #tpu.memory_space<vmem>>, vector<1x16xf32>,
        %get3A_1420 = vector.shape_cast %get3A_1419 : vector<1x16xf32> to vector<16xf32>
        %mul3A_1421 = arith.mulf %gather3A_1416, %get3A_1420 : vector<16xf32>
        %sub3A_1422 = arith.subf %mul3A_1421, %sub3A_1381 : vector<16xf32>
        %add3A_1423 = arith.addf %add3A_1379, %sub3A_1422 : vector<16xf32>
        %sub3A_1424 = arith.subf %add3A_1423, %add3A_1379 : vector<16xf32>
        %sub3A_1425 = arith.subf %sub3A_1424, %sub3A_1422 : vector<16xf32>
        %get3A_1426 = arith.index_cast %add3A_1412 : i32 to index
        %get3A_1427 = arith.constant 16 : index
        %get3A_1428 = tpu.vector_load %arg12[%get3A_1426, %get3A_1427] {strides = array<i32>} : memref<256x64xf32, #tpu.memory_space<vmem>>, vector<1x16xf32>,
        %get3A_1429 = vector.shape_cast %get3A_1428 : vector<1x16xf32> to vector<16xf32>
        %mul3A_1430 = arith.mulf %gather3A_1416, %get3A_1429 : vector<16xf32>
        %sub3A_1431 = arith.subf %mul3A_1430, %sub3A_1390 : vector<16xf32>
        %add3A_1432 = arith.addf %add3A_1388, %sub3A_1431 : vector<16xf32>
        %sub3A_1433 = arith.subf %add3A_1432, %add3A_1388 : vector<16xf32>
        %sub3A_1434 = arith.subf %sub3A_1433, %sub3A_1431 : vector<16xf32>
        %get3A_1435 = arith.index_cast %add3A_1412 : i32 to index
        %get3A_1436 = arith.constant 32 : index
        %get3A_1437 = tpu.vector_load %arg12[%get3A_1435, %get3A_1436] {strides = array<i32>} : memref<256x64xf32, #tpu.memory_space<vmem>>, vector<1x16xf32>,
        %get3A_1438 = vector.shape_cast %get3A_1437 : vector<1x16xf32> to vector<16xf32>
        %mul3A_1439 = arith.mulf %gather3A_1416, %get3A_1438 : vector<16xf32>
        %sub3A_1440 = arith.subf %mul3A_1439, %sub3A_1399 : vector<16xf32>
        %add3A_1441 = arith.addf %add3A_1397, %sub3A_1440 : vector<16xf32>
        %sub3A_1442 = arith.subf %add3A_1441, %add3A_1397 : vector<16xf32>
        %sub3A_1443 = arith.subf %sub3A_1442, %sub3A_1440 : vector<16xf32>
        %get3A_1444 = arith.index_cast %add3A_1412 : i32 to index
        %get3A_1445 = arith.constant 48 : index
        %get3A_1446 = tpu.vector_load %arg12[%get3A_1444, %get3A_1445] {strides = array<i32>} : memref<256x64xf32, #tpu.memory_space<vmem>>, vector<1x16xf32>,
        %get3A_1447 = vector.shape_cast %get3A_1446 : vector<1x16xf32> to vector<16xf32>
        %mul3A_1448 = arith.mulf %gather3A_1416, %get3A_1447 : vector<16xf32>
        %sub3A_1449 = arith.subf %mul3A_1448, %sub3A_1408 : vector<16xf32>
        %add3A_1450 = arith.addf %add3A_1406, %sub3A_1449 : vector<16xf32>
        %sub3A_1451 = arith.subf %add3A_1450, %add3A_1406 : vector<16xf32>
        %sub3A_1452 = arith.subf %sub3A_1451, %sub3A_1449 : vector<16xf32>
        %mul3A_1453 = arith.constant 16 : i32
        %mul3A_1454 = arith.muli %mul3A_1453, %scan3A_731 : i32
        %add3A_1455 = arith.constant 15 : i32
        %add3A_1456 = arith.addi %mul3A_1454, %add3A_1455 : i32
        %broadcast_in_dim3A_1457 = arith.constant 15 : i32
        %broadcast_in_dim3A_1458 = vector.broadcast %broadcast_in_dim3A_1457 : i32 to vector<16x1xi32>
        %gather3A_1459 = vector.shape_cast %broadcast_in_dim3A_1458 : vector<16x1xi32> to vector<16xi32>
        %gather3A_1460 = tpu.dynamic_gather %bitcast_convert_type3A_792[%gather3A_1459] in [0] : vector<16xf32>, vector<16xi32> -> vector<16xf32>
        %get3A_1461 = arith.index_cast %add3A_1456 : i32 to index
        %get3A_1462 = arith.constant 0 : index
        %get3A_1463 = tpu.vector_load %arg12[%get3A_1461, %get3A_1462] {strides = array<i32>} : memref<256x64xf32, #tpu.memory_space<vmem>>, vector<1x16xf32>,
        %get3A_1464 = vector.shape_cast %get3A_1463 : vector<1x16xf32> to vector<16xf32>
        %mul3A_1465 = arith.mulf %gather3A_1460, %get3A_1464 : vector<16xf32>
        %sub3A_1466 = arith.subf %mul3A_1465, %sub3A_1425 : vector<16xf32>
        %add3A_1467 = arith.addf %add3A_1423, %sub3A_1466 : vector<16xf32>
        %sub3A_1468 = arith.subf %add3A_1467, %add3A_1423 : vector<16xf32>
        %sub3A_1469 = arith.subf %sub3A_1468, %sub3A_1466 : vector<16xf32>
        %get3A_1470 = arith.index_cast %add3A_1456 : i32 to index
        %get3A_1471 = arith.constant 16 : index
        %get3A_1472 = tpu.vector_load %arg12[%get3A_1470, %get3A_1471] {strides = array<i32>} : memref<256x64xf32, #tpu.memory_space<vmem>>, vector<1x16xf32>,
        %get3A_1473 = vector.shape_cast %get3A_1472 : vector<1x16xf32> to vector<16xf32>
        %mul3A_1474 = arith.mulf %gather3A_1460, %get3A_1473 : vector<16xf32>
        %sub3A_1475 = arith.subf %mul3A_1474, %sub3A_1434 : vector<16xf32>
        %add3A_1476 = arith.addf %add3A_1432, %sub3A_1475 : vector<16xf32>
        %sub3A_1477 = arith.subf %add3A_1476, %add3A_1432 : vector<16xf32>
        %sub3A_1478 = arith.subf %sub3A_1477, %sub3A_1475 : vector<16xf32>
        %get3A_1479 = arith.index_cast %add3A_1456 : i32 to index
        %get3A_1480 = arith.constant 32 : index
        %get3A_1481 = tpu.vector_load %arg12[%get3A_1479, %get3A_1480] {strides = array<i32>} : memref<256x64xf32, #tpu.memory_space<vmem>>, vector<1x16xf32>,
        %get3A_1482 = vector.shape_cast %get3A_1481 : vector<1x16xf32> to vector<16xf32>
        %mul3A_1483 = arith.mulf %gather3A_1460, %get3A_1482 : vector<16xf32>
        %sub3A_1484 = arith.subf %mul3A_1483, %sub3A_1443 : vector<16xf32>
        %add3A_1485 = arith.addf %add3A_1441, %sub3A_1484 : vector<16xf32>
        %sub3A_1486 = arith.subf %add3A_1485, %add3A_1441 : vector<16xf32>
        %sub3A_1487 = arith.subf %sub3A_1486, %sub3A_1484 : vector<16xf32>
        %get3A_1488 = arith.index_cast %add3A_1456 : i32 to index
        %get3A_1489 = arith.constant 48 : index
        %get3A_1490 = tpu.vector_load %arg12[%get3A_1488, %get3A_1489] {strides = array<i32>} : memref<256x64xf32, #tpu.memory_space<vmem>>, vector<1x16xf32>,
        %get3A_1491 = vector.shape_cast %get3A_1490 : vector<1x16xf32> to vector<16xf32>
        %mul3A_1492 = arith.mulf %gather3A_1460, %get3A_1491 : vector<16xf32>
        %sub3A_1493 = arith.subf %mul3A_1492, %sub3A_1452 : vector<16xf32>
        %add3A_1494 = arith.addf %add3A_1450, %sub3A_1493 : vector<16xf32>
        %sub3A_1495 = arith.subf %add3A_1494, %add3A_1450 : vector<16xf32>
        %sub3A_1496 = arith.subf %sub3A_1495, %sub3A_1493 : vector<16xf32>
        scf.yield %add3A_1467, %add3A_1476, %add3A_1485, %add3A_1494, %sub3A_1469, %sub3A_1478, %sub3A_1487, %sub3A_1496 : vector<16xf32>, vector<16xf32>, vector<16xf32>, vector<16xf32>, vector<16xf32>, vector<16xf32>, vector<16xf32>, vector<16xf32>
      }
      %scan3A_63 = arith.constant 16 : i32
      %get3A_64 = arith.constant 0 : index
      %get3A_65 = tpu.vector_load %arg13[%get3A_64] {strides = array<i32>} : memref<64xf32, #tpu.memory_space<vmem>>, vector<16xf32>,
      %get3A_66 = vector.shape_cast %get3A_65 : vector<16xf32> to vector<16xf32>
      %add3A = arith.addf %scan3A_62#0, %get3A_66 : vector<16xf32>
      %get3A_67 = arith.constant 16 : index
      %get3A_68 = tpu.vector_load %arg13[%get3A_67] {strides = array<i32>} : memref<64xf32, #tpu.memory_space<vmem>>, vector<16xf32>,
      %get3A_69 = vector.shape_cast %get3A_68 : vector<16xf32> to vector<16xf32>
      %add3A_70 = arith.addf %scan3A_62#1, %get3A_69 : vector<16xf32>
      %get3A_71 = arith.constant 32 : index
      %get3A_72 = tpu.vector_load %arg13[%get3A_71] {strides = array<i32>} : memref<64xf32, #tpu.memory_space<vmem>>, vector<16xf32>,
      %get3A_73 = vector.shape_cast %get3A_72 : vector<16xf32> to vector<16xf32>
      %add3A_74 = arith.addf %scan3A_62#2, %get3A_73 : vector<16xf32>
      %get3A_75 = arith.constant 48 : index
      %get3A_76 = tpu.vector_load %arg13[%get3A_75] {strides = array<i32>} : memref<64xf32, #tpu.memory_space<vmem>>, vector<16xf32>,
      %get3A_77 = vector.shape_cast %get3A_76 : vector<16xf32> to vector<16xf32>
      %add3A_78 = arith.addf %scan3A_62#3, %get3A_77 : vector<16xf32>
      %max3A = arith.constant 0.000000e+00 : f32
      %max3A_79 = vector.broadcast %max3A : f32 to vector<16xf32>
      %max3A_80 = arith.maximumf %add3A, %max3A_79 : vector<16xf32>
      %bitcast_convert_type3A = tpu.bitcast %max3A_80 : vector<16xf32> -> vector<16xi32>
      %broadcast_in_dim3A_81 = arith.constant 16 : i32
      %broadcast_in_dim3A_82 = vector.broadcast %broadcast_in_dim3A_81 : i32 to vector<16xi32>
      %shift_right_logical3A = arith.shrui %bitcast_convert_type3A, %broadcast_in_dim3A_82 : vector<16xi32>
      %broadcast_in_dim3A_83 = arith.constant 1 : i32
      %broadcast_in_dim3A_84 = vector.broadcast %broadcast_in_dim3A_83 : i32 to vector<16xi32>
      %and3A_85 = arith.andi %shift_right_logical3A, %broadcast_in_dim3A_84 : vector<16xi32>
      %add3A_86 = arith.addi %bitcast_convert_type3A, %and3A_85 : vector<16xi32>
      %broadcast_in_dim3A_87 = arith.constant 32767 : i32
      %broadcast_in_dim3A_88 = vector.broadcast %broadcast_in_dim3A_87 : i32 to vector<16xi32>
      %add3A_89 = arith.addi %add3A_86, %broadcast_in_dim3A_88 : vector<16xi32>
      %broadcast_in_dim3A_90 = arith.constant -65536 : i32
      %broadcast_in_dim3A_91 = vector.broadcast %broadcast_in_dim3A_90 : i32 to vector<16xi32>
      %and3A_92 = arith.andi %add3A_89, %broadcast_in_dim3A_91 : vector<16xi32>
      %bitcast_convert_type3A_93 = tpu.bitcast %and3A_92 : vector<16xi32> -> vector<16xf32>
      %max3A_94 = arith.constant 0.000000e+00 : f32
      %max3A_95 = vector.broadcast %max3A_94 : f32 to vector<16xf32>
      %max3A_96 = arith.maximumf %add3A_70, %max3A_95 : vector<16xf32>
      %bitcast_convert_type3A_97 = tpu.bitcast %max3A_96 : vector<16xf32> -> vector<16xi32>
      %broadcast_in_dim3A_98 = arith.constant 16 : i32
      %broadcast_in_dim3A_99 = vector.broadcast %broadcast_in_dim3A_98 : i32 to vector<16xi32>
      %shift_right_logical3A_100 = arith.shrui %bitcast_convert_type3A_97, %broadcast_in_dim3A_99 : vector<16xi32>
      %broadcast_in_dim3A_101 = arith.constant 1 : i32
      %broadcast_in_dim3A_102 = vector.broadcast %broadcast_in_dim3A_101 : i32 to vector<16xi32>
      %and3A_103 = arith.andi %shift_right_logical3A_100, %broadcast_in_dim3A_102 : vector<16xi32>
      %add3A_104 = arith.addi %bitcast_convert_type3A_97, %and3A_103 : vector<16xi32>
      %broadcast_in_dim3A_105 = arith.constant 32767 : i32
      %broadcast_in_dim3A_106 = vector.broadcast %broadcast_in_dim3A_105 : i32 to vector<16xi32>
      %add3A_107 = arith.addi %add3A_104, %broadcast_in_dim3A_106 : vector<16xi32>
      %broadcast_in_dim3A_108 = arith.constant -65536 : i32
      %broadcast_in_dim3A_109 = vector.broadcast %broadcast_in_dim3A_108 : i32 to vector<16xi32>
      %and3A_110 = arith.andi %add3A_107, %broadcast_in_dim3A_109 : vector<16xi32>
      %bitcast_convert_type3A_111 = tpu.bitcast %and3A_110 : vector<16xi32> -> vector<16xf32>
      %max3A_112 = arith.constant 0.000000e+00 : f32
      %max3A_113 = vector.broadcast %max3A_112 : f32 to vector<16xf32>
      %max3A_114 = arith.maximumf %add3A_74, %max3A_113 : vector<16xf32>
      %bitcast_convert_type3A_115 = tpu.bitcast %max3A_114 : vector<16xf32> -> vector<16xi32>
      %broadcast_in_dim3A_116 = arith.constant 16 : i32
      %broadcast_in_dim3A_117 = vector.broadcast %broadcast_in_dim3A_116 : i32 to vector<16xi32>
      %shift_right_logical3A_118 = arith.shrui %bitcast_convert_type3A_115, %broadcast_in_dim3A_117 : vector<16xi32>
      %broadcast_in_dim3A_119 = arith.constant 1 : i32
      %broadcast_in_dim3A_120 = vector.broadcast %broadcast_in_dim3A_119 : i32 to vector<16xi32>
      %and3A_121 = arith.andi %shift_right_logical3A_118, %broadcast_in_dim3A_120 : vector<16xi32>
      %add3A_122 = arith.addi %bitcast_convert_type3A_115, %and3A_121 : vector<16xi32>
      %broadcast_in_dim3A_123 = arith.constant 32767 : i32
      %broadcast_in_dim3A_124 = vector.broadcast %broadcast_in_dim3A_123 : i32 to vector<16xi32>
      %add3A_125 = arith.addi %add3A_122, %broadcast_in_dim3A_124 : vector<16xi32>
      %broadcast_in_dim3A_126 = arith.constant -65536 : i32
      %broadcast_in_dim3A_127 = vector.broadcast %broadcast_in_dim3A_126 : i32 to vector<16xi32>
      %and3A_128 = arith.andi %add3A_125, %broadcast_in_dim3A_127 : vector<16xi32>
      %bitcast_convert_type3A_129 = tpu.bitcast %and3A_128 : vector<16xi32> -> vector<16xf32>
      %max3A_130 = arith.constant 0.000000e+00 : f32
      %max3A_131 = vector.broadcast %max3A_130 : f32 to vector<16xf32>
      %max3A_132 = arith.maximumf %add3A_78, %max3A_131 : vector<16xf32>
      %bitcast_convert_type3A_133 = tpu.bitcast %max3A_132 : vector<16xf32> -> vector<16xi32>
      %broadcast_in_dim3A_134 = arith.constant 16 : i32
      %broadcast_in_dim3A_135 = vector.broadcast %broadcast_in_dim3A_134 : i32 to vector<16xi32>
      %shift_right_logical3A_136 = arith.shrui %bitcast_convert_type3A_133, %broadcast_in_dim3A_135 : vector<16xi32>
      %broadcast_in_dim3A_137 = arith.constant 1 : i32
      %broadcast_in_dim3A_138 = vector.broadcast %broadcast_in_dim3A_137 : i32 to vector<16xi32>
      %and3A_139 = arith.andi %shift_right_logical3A_136, %broadcast_in_dim3A_138 : vector<16xi32>
      %add3A_140 = arith.addi %bitcast_convert_type3A_133, %and3A_139 : vector<16xi32>
      %broadcast_in_dim3A_141 = arith.constant 32767 : i32
      %broadcast_in_dim3A_142 = vector.broadcast %broadcast_in_dim3A_141 : i32 to vector<16xi32>
      %add3A_143 = arith.addi %add3A_140, %broadcast_in_dim3A_142 : vector<16xi32>
      %broadcast_in_dim3A_144 = arith.constant -65536 : i32
      %broadcast_in_dim3A_145 = vector.broadcast %broadcast_in_dim3A_144 : i32 to vector<16xi32>
      %and3A_146 = arith.andi %add3A_143, %broadcast_in_dim3A_145 : vector<16xi32>
      %bitcast_convert_type3A_147 = tpu.bitcast %and3A_146 : vector<16xi32> -> vector<16xf32>
      %broadcast_in_dim3A_148 = arith.constant 0 : i32
      %broadcast_in_dim3A_149 = vector.broadcast %broadcast_in_dim3A_148 : i32 to vector<16x1xi32>
      %gather3A_150 = vector.shape_cast %broadcast_in_dim3A_149 : vector<16x1xi32> to vector<16xi32>
      %gather3A_151 = tpu.dynamic_gather %bitcast_convert_type3A_93[%gather3A_150] in [0] : vector<16xf32>, vector<16xi32> -> vector<16xf32>
      %get3A_152 = arith.constant 0 : index
      %get3A_153 = tpu.vector_load %arg14[%get3A_152] {strides = array<i32>} : memref<256xf32, #tpu.memory_space<vmem>>, vector<16xf32>,
      %get3A_154 = vector.shape_cast %get3A_153 : vector<16xf32> to vector<16xf32>
      %mul3A = arith.mulf %gather3A_151, %get3A_154 : vector<16xf32>
      %add3A_155 = arith.addf %broadcast_in_dim3A_58, %mul3A : vector<16xf32>
      %broadcast_in_dim3A_156 = arith.constant 1 : i32
      %broadcast_in_dim3A_157 = vector.broadcast %broadcast_in_dim3A_156 : i32 to vector<16x1xi32>
      %gather3A_158 = vector.shape_cast %broadcast_in_dim3A_157 : vector<16x1xi32> to vector<16xi32>
      %gather3A_159 = tpu.dynamic_gather %bitcast_convert_type3A_93[%gather3A_158] in [0] : vector<16xf32>, vector<16xi32> -> vector<16xf32>
      %get3A_160 = arith.constant 3 : index
      %get3A_161 = tpu.vector_load %arg14[%get3A_160] {strides = array<i32>} : memref<256xf32, #tpu.memory_space<vmem>>, vector<16xf32>,
      %get3A_162 = vector.shape_cast %get3A_161 : vector<16xf32> to vector<16xf32>
      %mul3A_163 = arith.mulf %gather3A_159, %get3A_162 : vector<16xf32>
      %add3A_164 = arith.addf %add3A_155, %mul3A_163 : vector<16xf32>
      %broadcast_in_dim3A_165 = arith.constant 2 : i32
      %broadcast_in_dim3A_166 = vector.broadcast %broadcast_in_dim3A_165 : i32 to vector<16x1xi32>
      %gather3A_167 = vector.shape_cast %broadcast_in_dim3A_166 : vector<16x1xi32> to vector<16xi32>
      %gather3A_168 = tpu.dynamic_gather %bitcast_convert_type3A_93[%gather3A_167] in [0] : vector<16xf32>, vector<16xi32> -> vector<16xf32>
      %get3A_169 = arith.constant 6 : index
      %get3A_170 = tpu.vector_load %arg14[%get3A_169] {strides = array<i32>} : memref<256xf32, #tpu.memory_space<vmem>>, vector<16xf32>,
      %get3A_171 = vector.shape_cast %get3A_170 : vector<16xf32> to vector<16xf32>
      %mul3A_172 = arith.mulf %gather3A_168, %get3A_171 : vector<16xf32>
      %add3A_173 = arith.addf %add3A_164, %mul3A_172 : vector<16xf32>
      %broadcast_in_dim3A_174 = arith.constant 3 : i32
      %broadcast_in_dim3A_175 = vector.broadcast %broadcast_in_dim3A_174 : i32 to vector<16x1xi32>
      %gather3A_176 = vector.shape_cast %broadcast_in_dim3A_175 : vector<16x1xi32> to vector<16xi32>
      %gather3A_177 = tpu.dynamic_gather %bitcast_convert_type3A_93[%gather3A_176] in [0] : vector<16xf32>, vector<16xi32> -> vector<16xf32>
      %get3A_178 = arith.constant 9 : index
      %get3A_179 = tpu.vector_load %arg14[%get3A_178] {strides = array<i32>} : memref<256xf32, #tpu.memory_space<vmem>>, vector<16xf32>,
      %get3A_180 = vector.shape_cast %get3A_179 : vector<16xf32> to vector<16xf32>
      %mul3A_181 = arith.mulf %gather3A_177, %get3A_180 : vector<16xf32>
      %add3A_182 = arith.addf %add3A_173, %mul3A_181 : vector<16xf32>
      %broadcast_in_dim3A_183 = arith.constant 4 : i32
      %broadcast_in_dim3A_184 = vector.broadcast %broadcast_in_dim3A_183 : i32 to vector<16x1xi32>
      %gather3A_185 = vector.shape_cast %broadcast_in_dim3A_184 : vector<16x1xi32> to vector<16xi32>
      %gather3A_186 = tpu.dynamic_gather %bitcast_convert_type3A_93[%gather3A_185] in [0] : vector<16xf32>, vector<16xi32> -> vector<16xf32>
      %get3A_187 = arith.constant 12 : index
      %get3A_188 = tpu.vector_load %arg14[%get3A_187] {strides = array<i32>} : memref<256xf32, #tpu.memory_space<vmem>>, vector<16xf32>,
      %get3A_189 = vector.shape_cast %get3A_188 : vector<16xf32> to vector<16xf32>
      %mul3A_190 = arith.mulf %gather3A_186, %get3A_189 : vector<16xf32>
      %add3A_191 = arith.addf %add3A_182, %mul3A_190 : vector<16xf32>
      %broadcast_in_dim3A_192 = arith.constant 5 : i32
      %broadcast_in_dim3A_193 = vector.broadcast %broadcast_in_dim3A_192 : i32 to vector<16x1xi32>
      %gather3A_194 = vector.shape_cast %broadcast_in_dim3A_193 : vector<16x1xi32> to vector<16xi32>
      %gather3A_195 = tpu.dynamic_gather %bitcast_convert_type3A_93[%gather3A_194] in [0] : vector<16xf32>, vector<16xi32> -> vector<16xf32>
      %get3A_196 = arith.constant 15 : index
      %get3A_197 = tpu.vector_load %arg14[%get3A_196] {strides = array<i32>} : memref<256xf32, #tpu.memory_space<vmem>>, vector<16xf32>,
      %get3A_198 = vector.shape_cast %get3A_197 : vector<16xf32> to vector<16xf32>
      %mul3A_199 = arith.mulf %gather3A_195, %get3A_198 : vector<16xf32>
      %add3A_200 = arith.addf %add3A_191, %mul3A_199 : vector<16xf32>
      %broadcast_in_dim3A_201 = arith.constant 6 : i32
      %broadcast_in_dim3A_202 = vector.broadcast %broadcast_in_dim3A_201 : i32 to vector<16x1xi32>
      %gather3A_203 = vector.shape_cast %broadcast_in_dim3A_202 : vector<16x1xi32> to vector<16xi32>
      %gather3A_204 = tpu.dynamic_gather %bitcast_convert_type3A_93[%gather3A_203] in [0] : vector<16xf32>, vector<16xi32> -> vector<16xf32>
      %get3A_205 = arith.constant 18 : index
      %get3A_206 = tpu.vector_load %arg14[%get3A_205] {strides = array<i32>} : memref<256xf32, #tpu.memory_space<vmem>>, vector<16xf32>,
      %get3A_207 = vector.shape_cast %get3A_206 : vector<16xf32> to vector<16xf32>
      %mul3A_208 = arith.mulf %gather3A_204, %get3A_207 : vector<16xf32>
      %add3A_209 = arith.addf %add3A_200, %mul3A_208 : vector<16xf32>
      %broadcast_in_dim3A_210 = arith.constant 7 : i32
      %broadcast_in_dim3A_211 = vector.broadcast %broadcast_in_dim3A_210 : i32 to vector<16x1xi32>
      %gather3A_212 = vector.shape_cast %broadcast_in_dim3A_211 : vector<16x1xi32> to vector<16xi32>
      %gather3A_213 = tpu.dynamic_gather %bitcast_convert_type3A_93[%gather3A_212] in [0] : vector<16xf32>, vector<16xi32> -> vector<16xf32>
      %get3A_214 = arith.constant 21 : index
      %get3A_215 = tpu.vector_load %arg14[%get3A_214] {strides = array<i32>} : memref<256xf32, #tpu.memory_space<vmem>>, vector<16xf32>,
      %get3A_216 = vector.shape_cast %get3A_215 : vector<16xf32> to vector<16xf32>
      %mul3A_217 = arith.mulf %gather3A_213, %get3A_216 : vector<16xf32>
      %add3A_218 = arith.addf %add3A_209, %mul3A_217 : vector<16xf32>
      %broadcast_in_dim3A_219 = arith.constant 8 : i32
      %broadcast_in_dim3A_220 = vector.broadcast %broadcast_in_dim3A_219 : i32 to vector<16x1xi32>
      %gather3A_221 = vector.shape_cast %broadcast_in_dim3A_220 : vector<16x1xi32> to vector<16xi32>
      %gather3A_222 = tpu.dynamic_gather %bitcast_convert_type3A_93[%gather3A_221] in [0] : vector<16xf32>, vector<16xi32> -> vector<16xf32>
      %get3A_223 = arith.constant 24 : index
      %get3A_224 = tpu.vector_load %arg14[%get3A_223] {strides = array<i32>} : memref<256xf32, #tpu.memory_space<vmem>>, vector<16xf32>,
      %get3A_225 = vector.shape_cast %get3A_224 : vector<16xf32> to vector<16xf32>
      %mul3A_226 = arith.mulf %gather3A_222, %get3A_225 : vector<16xf32>
      %add3A_227 = arith.addf %add3A_218, %mul3A_226 : vector<16xf32>
      %broadcast_in_dim3A_228 = arith.constant 9 : i32
      %broadcast_in_dim3A_229 = vector.broadcast %broadcast_in_dim3A_228 : i32 to vector<16x1xi32>
      %gather3A_230 = vector.shape_cast %broadcast_in_dim3A_229 : vector<16x1xi32> to vector<16xi32>
      %gather3A_231 = tpu.dynamic_gather %bitcast_convert_type3A_93[%gather3A_230] in [0] : vector<16xf32>, vector<16xi32> -> vector<16xf32>
      %get3A_232 = arith.constant 27 : index
      %get3A_233 = tpu.vector_load %arg14[%get3A_232] {strides = array<i32>} : memref<256xf32, #tpu.memory_space<vmem>>, vector<16xf32>,
      %get3A_234 = vector.shape_cast %get3A_233 : vector<16xf32> to vector<16xf32>
      %mul3A_235 = arith.mulf %gather3A_231, %get3A_234 : vector<16xf32>
      %add3A_236 = arith.addf %add3A_227, %mul3A_235 : vector<16xf32>
      %broadcast_in_dim3A_237 = arith.constant 10 : i32
      %broadcast_in_dim3A_238 = vector.broadcast %broadcast_in_dim3A_237 : i32 to vector<16x1xi32>
      %gather3A_239 = vector.shape_cast %broadcast_in_dim3A_238 : vector<16x1xi32> to vector<16xi32>
      %gather3A_240 = tpu.dynamic_gather %bitcast_convert_type3A_93[%gather3A_239] in [0] : vector<16xf32>, vector<16xi32> -> vector<16xf32>
      %get3A_241 = arith.constant 30 : index
      %get3A_242 = tpu.vector_load %arg14[%get3A_241] {strides = array<i32>} : memref<256xf32, #tpu.memory_space<vmem>>, vector<16xf32>,
      %get3A_243 = vector.shape_cast %get3A_242 : vector<16xf32> to vector<16xf32>
      %mul3A_244 = arith.mulf %gather3A_240, %get3A_243 : vector<16xf32>
      %add3A_245 = arith.addf %add3A_236, %mul3A_244 : vector<16xf32>
      %broadcast_in_dim3A_246 = arith.constant 11 : i32
      %broadcast_in_dim3A_247 = vector.broadcast %broadcast_in_dim3A_246 : i32 to vector<16x1xi32>
      %gather3A_248 = vector.shape_cast %broadcast_in_dim3A_247 : vector<16x1xi32> to vector<16xi32>
      %gather3A_249 = tpu.dynamic_gather %bitcast_convert_type3A_93[%gather3A_248] in [0] : vector<16xf32>, vector<16xi32> -> vector<16xf32>
      %get3A_250 = arith.constant 33 : index
      %get3A_251 = tpu.vector_load %arg14[%get3A_250] {strides = array<i32>} : memref<256xf32, #tpu.memory_space<vmem>>, vector<16xf32>,
      %get3A_252 = vector.shape_cast %get3A_251 : vector<16xf32> to vector<16xf32>
      %mul3A_253 = arith.mulf %gather3A_249, %get3A_252 : vector<16xf32>
      %add3A_254 = arith.addf %add3A_245, %mul3A_253 : vector<16xf32>
      %broadcast_in_dim3A_255 = arith.constant 12 : i32
      %broadcast_in_dim3A_256 = vector.broadcast %broadcast_in_dim3A_255 : i32 to vector<16x1xi32>
      %gather3A_257 = vector.shape_cast %broadcast_in_dim3A_256 : vector<16x1xi32> to vector<16xi32>
      %gather3A_258 = tpu.dynamic_gather %bitcast_convert_type3A_93[%gather3A_257] in [0] : vector<16xf32>, vector<16xi32> -> vector<16xf32>
      %get3A_259 = arith.constant 36 : index
      %get3A_260 = tpu.vector_load %arg14[%get3A_259] {strides = array<i32>} : memref<256xf32, #tpu.memory_space<vmem>>, vector<16xf32>,
      %get3A_261 = vector.shape_cast %get3A_260 : vector<16xf32> to vector<16xf32>
      %mul3A_262 = arith.mulf %gather3A_258, %get3A_261 : vector<16xf32>
      %add3A_263 = arith.addf %add3A_254, %mul3A_262 : vector<16xf32>
      %broadcast_in_dim3A_264 = arith.constant 13 : i32
      %broadcast_in_dim3A_265 = vector.broadcast %broadcast_in_dim3A_264 : i32 to vector<16x1xi32>
      %gather3A_266 = vector.shape_cast %broadcast_in_dim3A_265 : vector<16x1xi32> to vector<16xi32>
      %gather3A_267 = tpu.dynamic_gather %bitcast_convert_type3A_93[%gather3A_266] in [0] : vector<16xf32>, vector<16xi32> -> vector<16xf32>
      %get3A_268 = arith.constant 39 : index
      %get3A_269 = tpu.vector_load %arg14[%get3A_268] {strides = array<i32>} : memref<256xf32, #tpu.memory_space<vmem>>, vector<16xf32>,
      %get3A_270 = vector.shape_cast %get3A_269 : vector<16xf32> to vector<16xf32>
      %mul3A_271 = arith.mulf %gather3A_267, %get3A_270 : vector<16xf32>
      %add3A_272 = arith.addf %add3A_263, %mul3A_271 : vector<16xf32>
      %broadcast_in_dim3A_273 = arith.constant 14 : i32
      %broadcast_in_dim3A_274 = vector.broadcast %broadcast_in_dim3A_273 : i32 to vector<16x1xi32>
      %gather3A_275 = vector.shape_cast %broadcast_in_dim3A_274 : vector<16x1xi32> to vector<16xi32>
      %gather3A_276 = tpu.dynamic_gather %bitcast_convert_type3A_93[%gather3A_275] in [0] : vector<16xf32>, vector<16xi32> -> vector<16xf32>
      %get3A_277 = arith.constant 42 : index
      %get3A_278 = tpu.vector_load %arg14[%get3A_277] {strides = array<i32>} : memref<256xf32, #tpu.memory_space<vmem>>, vector<16xf32>,
      %get3A_279 = vector.shape_cast %get3A_278 : vector<16xf32> to vector<16xf32>
      %mul3A_280 = arith.mulf %gather3A_276, %get3A_279 : vector<16xf32>
      %add3A_281 = arith.addf %add3A_272, %mul3A_280 : vector<16xf32>
      %broadcast_in_dim3A_282 = arith.constant 15 : i32
      %broadcast_in_dim3A_283 = vector.broadcast %broadcast_in_dim3A_282 : i32 to vector<16x1xi32>
      %gather3A_284 = vector.shape_cast %broadcast_in_dim3A_283 : vector<16x1xi32> to vector<16xi32>
      %gather3A_285 = tpu.dynamic_gather %bitcast_convert_type3A_93[%gather3A_284] in [0] : vector<16xf32>, vector<16xi32> -> vector<16xf32>
      %get3A_286 = arith.constant 45 : index
      %get3A_287 = tpu.vector_load %arg14[%get3A_286] {strides = array<i32>} : memref<256xf32, #tpu.memory_space<vmem>>, vector<16xf32>,
      %get3A_288 = vector.shape_cast %get3A_287 : vector<16xf32> to vector<16xf32>
      %mul3A_289 = arith.mulf %gather3A_285, %get3A_288 : vector<16xf32>
      %add3A_290 = arith.addf %add3A_281, %mul3A_289 : vector<16xf32>
      %broadcast_in_dim3A_291 = arith.constant 0 : i32
      %broadcast_in_dim3A_292 = vector.broadcast %broadcast_in_dim3A_291 : i32 to vector<16x1xi32>
      %gather3A_293 = vector.shape_cast %broadcast_in_dim3A_292 : vector<16x1xi32> to vector<16xi32>
      %gather3A_294 = tpu.dynamic_gather %bitcast_convert_type3A_111[%gather3A_293] in [0] : vector<16xf32>, vector<16xi32> -> vector<16xf32>
      %get3A_295 = arith.constant 48 : index
      %get3A_296 = tpu.vector_load %arg14[%get3A_295] {strides = array<i32>} : memref<256xf32, #tpu.memory_space<vmem>>, vector<16xf32>,
      %get3A_297 = vector.shape_cast %get3A_296 : vector<16xf32> to vector<16xf32>
      %mul3A_298 = arith.mulf %gather3A_294, %get3A_297 : vector<16xf32>
      %add3A_299 = arith.addf %add3A_290, %mul3A_298 : vector<16xf32>
      %broadcast_in_dim3A_300 = arith.constant 1 : i32
      %broadcast_in_dim3A_301 = vector.broadcast %broadcast_in_dim3A_300 : i32 to vector<16x1xi32>
      %gather3A_302 = vector.shape_cast %broadcast_in_dim3A_301 : vector<16x1xi32> to vector<16xi32>
      %gather3A_303 = tpu.dynamic_gather %bitcast_convert_type3A_111[%gather3A_302] in [0] : vector<16xf32>, vector<16xi32> -> vector<16xf32>
      %get3A_304 = arith.constant 51 : index
      %get3A_305 = tpu.vector_load %arg14[%get3A_304] {strides = array<i32>} : memref<256xf32, #tpu.memory_space<vmem>>, vector<16xf32>,
      %get3A_306 = vector.shape_cast %get3A_305 : vector<16xf32> to vector<16xf32>
      %mul3A_307 = arith.mulf %gather3A_303, %get3A_306 : vector<16xf32>
      %add3A_308 = arith.addf %add3A_299, %mul3A_307 : vector<16xf32>
      %broadcast_in_dim3A_309 = arith.constant 2 : i32
      %broadcast_in_dim3A_310 = vector.broadcast %broadcast_in_dim3A_309 : i32 to vector<16x1xi32>
      %gather3A_311 = vector.shape_cast %broadcast_in_dim3A_310 : vector<16x1xi32> to vector<16xi32>
      %gather3A_312 = tpu.dynamic_gather %bitcast_convert_type3A_111[%gather3A_311] in [0] : vector<16xf32>, vector<16xi32> -> vector<16xf32>
      %get3A_313 = arith.constant 54 : index
      %get3A_314 = tpu.vector_load %arg14[%get3A_313] {strides = array<i32>} : memref<256xf32, #tpu.memory_space<vmem>>, vector<16xf32>,
      %get3A_315 = vector.shape_cast %get3A_314 : vector<16xf32> to vector<16xf32>
      %mul3A_316 = arith.mulf %gather3A_312, %get3A_315 : vector<16xf32>
      %add3A_317 = arith.addf %add3A_308, %mul3A_316 : vector<16xf32>
      %broadcast_in_dim3A_318 = arith.constant 3 : i32
      %broadcast_in_dim3A_319 = vector.broadcast %broadcast_in_dim3A_318 : i32 to vector<16x1xi32>
      %gather3A_320 = vector.shape_cast %broadcast_in_dim3A_319 : vector<16x1xi32> to vector<16xi32>
      %gather3A_321 = tpu.dynamic_gather %bitcast_convert_type3A_111[%gather3A_320] in [0] : vector<16xf32>, vector<16xi32> -> vector<16xf32>
      %get3A_322 = arith.constant 57 : index
      %get3A_323 = tpu.vector_load %arg14[%get3A_322] {strides = array<i32>} : memref<256xf32, #tpu.memory_space<vmem>>, vector<16xf32>,
      %get3A_324 = vector.shape_cast %get3A_323 : vector<16xf32> to vector<16xf32>
      %mul3A_325 = arith.mulf %gather3A_321, %get3A_324 : vector<16xf32>
      %add3A_326 = arith.addf %add3A_317, %mul3A_325 : vector<16xf32>
      %broadcast_in_dim3A_327 = arith.constant 4 : i32
      %broadcast_in_dim3A_328 = vector.broadcast %broadcast_in_dim3A_327 : i32 to vector<16x1xi32>
      %gather3A_329 = vector.shape_cast %broadcast_in_dim3A_328 : vector<16x1xi32> to vector<16xi32>
      %gather3A_330 = tpu.dynamic_gather %bitcast_convert_type3A_111[%gather3A_329] in [0] : vector<16xf32>, vector<16xi32> -> vector<16xf32>
      %get3A_331 = arith.constant 60 : index
      %get3A_332 = tpu.vector_load %arg14[%get3A_331] {strides = array<i32>} : memref<256xf32, #tpu.memory_space<vmem>>, vector<16xf32>,
      %get3A_333 = vector.shape_cast %get3A_332 : vector<16xf32> to vector<16xf32>
      %mul3A_334 = arith.mulf %gather3A_330, %get3A_333 : vector<16xf32>
      %add3A_335 = arith.addf %add3A_326, %mul3A_334 : vector<16xf32>
      %broadcast_in_dim3A_336 = arith.constant 5 : i32
      %broadcast_in_dim3A_337 = vector.broadcast %broadcast_in_dim3A_336 : i32 to vector<16x1xi32>
      %gather3A_338 = vector.shape_cast %broadcast_in_dim3A_337 : vector<16x1xi32> to vector<16xi32>
      %gather3A_339 = tpu.dynamic_gather %bitcast_convert_type3A_111[%gather3A_338] in [0] : vector<16xf32>, vector<16xi32> -> vector<16xf32>
      %get3A_340 = arith.constant 63 : index
      %get3A_341 = tpu.vector_load %arg14[%get3A_340] {strides = array<i32>} : memref<256xf32, #tpu.memory_space<vmem>>, vector<16xf32>,
      %get3A_342 = vector.shape_cast %get3A_341 : vector<16xf32> to vector<16xf32>
      %mul3A_343 = arith.mulf %gather3A_339, %get3A_342 : vector<16xf32>
      %add3A_344 = arith.addf %add3A_335, %mul3A_343 : vector<16xf32>
      %broadcast_in_dim3A_345 = arith.constant 6 : i32
      %broadcast_in_dim3A_346 = vector.broadcast %broadcast_in_dim3A_345 : i32 to vector<16x1xi32>
      %gather3A_347 = vector.shape_cast %broadcast_in_dim3A_346 : vector<16x1xi32> to vector<16xi32>
      %gather3A_348 = tpu.dynamic_gather %bitcast_convert_type3A_111[%gather3A_347] in [0] : vector<16xf32>, vector<16xi32> -> vector<16xf32>
      %get3A_349 = arith.constant 66 : index
      %get3A_350 = tpu.vector_load %arg14[%get3A_349] {strides = array<i32>} : memref<256xf32, #tpu.memory_space<vmem>>, vector<16xf32>,
      %get3A_351 = vector.shape_cast %get3A_350 : vector<16xf32> to vector<16xf32>
      %mul3A_352 = arith.mulf %gather3A_348, %get3A_351 : vector<16xf32>
      %add3A_353 = arith.addf %add3A_344, %mul3A_352 : vector<16xf32>
      %broadcast_in_dim3A_354 = arith.constant 7 : i32
      %broadcast_in_dim3A_355 = vector.broadcast %broadcast_in_dim3A_354 : i32 to vector<16x1xi32>
      %gather3A_356 = vector.shape_cast %broadcast_in_dim3A_355 : vector<16x1xi32> to vector<16xi32>
      %gather3A_357 = tpu.dynamic_gather %bitcast_convert_type3A_111[%gather3A_356] in [0] : vector<16xf32>, vector<16xi32> -> vector<16xf32>
      %get3A_358 = arith.constant 69 : index
      %get3A_359 = tpu.vector_load %arg14[%get3A_358] {strides = array<i32>} : memref<256xf32, #tpu.memory_space<vmem>>, vector<16xf32>,
      %get3A_360 = vector.shape_cast %get3A_359 : vector<16xf32> to vector<16xf32>
      %mul3A_361 = arith.mulf %gather3A_357, %get3A_360 : vector<16xf32>
      %add3A_362 = arith.addf %add3A_353, %mul3A_361 : vector<16xf32>
      %broadcast_in_dim3A_363 = arith.constant 8 : i32
      %broadcast_in_dim3A_364 = vector.broadcast %broadcast_in_dim3A_363 : i32 to vector<16x1xi32>
      %gather3A_365 = vector.shape_cast %broadcast_in_dim3A_364 : vector<16x1xi32> to vector<16xi32>
      %gather3A_366 = tpu.dynamic_gather %bitcast_convert_type3A_111[%gather3A_365] in [0] : vector<16xf32>, vector<16xi32> -> vector<16xf32>
      %get3A_367 = arith.constant 72 : index
      %get3A_368 = tpu.vector_load %arg14[%get3A_367] {strides = array<i32>} : memref<256xf32, #tpu.memory_space<vmem>>, vector<16xf32>,
      %get3A_369 = vector.shape_cast %get3A_368 : vector<16xf32> to vector<16xf32>
      %mul3A_370 = arith.mulf %gather3A_366, %get3A_369 : vector<16xf32>
      %add3A_371 = arith.addf %add3A_362, %mul3A_370 : vector<16xf32>
      %broadcast_in_dim3A_372 = arith.constant 9 : i32
      %broadcast_in_dim3A_373 = vector.broadcast %broadcast_in_dim3A_372 : i32 to vector<16x1xi32>
      %gather3A_374 = vector.shape_cast %broadcast_in_dim3A_373 : vector<16x1xi32> to vector<16xi32>
      %gather3A_375 = tpu.dynamic_gather %bitcast_convert_type3A_111[%gather3A_374] in [0] : vector<16xf32>, vector<16xi32> -> vector<16xf32>
      %get3A_376 = arith.constant 75 : index
      %get3A_377 = tpu.vector_load %arg14[%get3A_376] {strides = array<i32>} : memref<256xf32, #tpu.memory_space<vmem>>, vector<16xf32>,
      %get3A_378 = vector.shape_cast %get3A_377 : vector<16xf32> to vector<16xf32>
      %mul3A_379 = arith.mulf %gather3A_375, %get3A_378 : vector<16xf32>
      %add3A_380 = arith.addf %add3A_371, %mul3A_379 : vector<16xf32>
      %broadcast_in_dim3A_381 = arith.constant 10 : i32
      %broadcast_in_dim3A_382 = vector.broadcast %broadcast_in_dim3A_381 : i32 to vector<16x1xi32>
      %gather3A_383 = vector.shape_cast %broadcast_in_dim3A_382 : vector<16x1xi32> to vector<16xi32>
      %gather3A_384 = tpu.dynamic_gather %bitcast_convert_type3A_111[%gather3A_383] in [0] : vector<16xf32>, vector<16xi32> -> vector<16xf32>
      %get3A_385 = arith.constant 78 : index
      %get3A_386 = tpu.vector_load %arg14[%get3A_385] {strides = array<i32>} : memref<256xf32, #tpu.memory_space<vmem>>, vector<16xf32>,
      %get3A_387 = vector.shape_cast %get3A_386 : vector<16xf32> to vector<16xf32>
      %mul3A_388 = arith.mulf %gather3A_384, %get3A_387 : vector<16xf32>
      %add3A_389 = arith.addf %add3A_380, %mul3A_388 : vector<16xf32>
      %broadcast_in_dim3A_390 = arith.constant 11 : i32
      %broadcast_in_dim3A_391 = vector.broadcast %broadcast_in_dim3A_390 : i32 to vector<16x1xi32>
      %gather3A_392 = vector.shape_cast %broadcast_in_dim3A_391 : vector<16x1xi32> to vector<16xi32>
      %gather3A_393 = tpu.dynamic_gather %bitcast_convert_type3A_111[%gather3A_392] in [0] : vector<16xf32>, vector<16xi32> -> vector<16xf32>
      %get3A_394 = arith.constant 81 : index
      %get3A_395 = tpu.vector_load %arg14[%get3A_394] {strides = array<i32>} : memref<256xf32, #tpu.memory_space<vmem>>, vector<16xf32>,
      %get3A_396 = vector.shape_cast %get3A_395 : vector<16xf32> to vector<16xf32>
      %mul3A_397 = arith.mulf %gather3A_393, %get3A_396 : vector<16xf32>
      %add3A_398 = arith.addf %add3A_389, %mul3A_397 : vector<16xf32>
      %broadcast_in_dim3A_399 = arith.constant 12 : i32
      %broadcast_in_dim3A_400 = vector.broadcast %broadcast_in_dim3A_399 : i32 to vector<16x1xi32>
      %gather3A_401 = vector.shape_cast %broadcast_in_dim3A_400 : vector<16x1xi32> to vector<16xi32>
      %gather3A_402 = tpu.dynamic_gather %bitcast_convert_type3A_111[%gather3A_401] in [0] : vector<16xf32>, vector<16xi32> -> vector<16xf32>
      %get3A_403 = arith.constant 84 : index
      %get3A_404 = tpu.vector_load %arg14[%get3A_403] {strides = array<i32>} : memref<256xf32, #tpu.memory_space<vmem>>, vector<16xf32>,
      %get3A_405 = vector.shape_cast %get3A_404 : vector<16xf32> to vector<16xf32>
      %mul3A_406 = arith.mulf %gather3A_402, %get3A_405 : vector<16xf32>
      %add3A_407 = arith.addf %add3A_398, %mul3A_406 : vector<16xf32>
      %broadcast_in_dim3A_408 = arith.constant 13 : i32
      %broadcast_in_dim3A_409 = vector.broadcast %broadcast_in_dim3A_408 : i32 to vector<16x1xi32>
      %gather3A_410 = vector.shape_cast %broadcast_in_dim3A_409 : vector<16x1xi32> to vector<16xi32>
      %gather3A_411 = tpu.dynamic_gather %bitcast_convert_type3A_111[%gather3A_410] in [0] : vector<16xf32>, vector<16xi32> -> vector<16xf32>
      %get3A_412 = arith.constant 87 : index
      %get3A_413 = tpu.vector_load %arg14[%get3A_412] {strides = array<i32>} : memref<256xf32, #tpu.memory_space<vmem>>, vector<16xf32>,
      %get3A_414 = vector.shape_cast %get3A_413 : vector<16xf32> to vector<16xf32>
      %mul3A_415 = arith.mulf %gather3A_411, %get3A_414 : vector<16xf32>
      %add3A_416 = arith.addf %add3A_407, %mul3A_415 : vector<16xf32>
      %broadcast_in_dim3A_417 = arith.constant 14 : i32
      %broadcast_in_dim3A_418 = vector.broadcast %broadcast_in_dim3A_417 : i32 to vector<16x1xi32>
      %gather3A_419 = vector.shape_cast %broadcast_in_dim3A_418 : vector<16x1xi32> to vector<16xi32>
      %gather3A_420 = tpu.dynamic_gather %bitcast_convert_type3A_111[%gather3A_419] in [0] : vector<16xf32>, vector<16xi32> -> vector<16xf32>
      %get3A_421 = arith.constant 90 : index
      %get3A_422 = tpu.vector_load %arg14[%get3A_421] {strides = array<i32>} : memref<256xf32, #tpu.memory_space<vmem>>, vector<16xf32>,
      %get3A_423 = vector.shape_cast %get3A_422 : vector<16xf32> to vector<16xf32>
      %mul3A_424 = arith.mulf %gather3A_420, %get3A_423 : vector<16xf32>
      %add3A_425 = arith.addf %add3A_416, %mul3A_424 : vector<16xf32>
      %broadcast_in_dim3A_426 = arith.constant 15 : i32
      %broadcast_in_dim3A_427 = vector.broadcast %broadcast_in_dim3A_426 : i32 to vector<16x1xi32>
      %gather3A_428 = vector.shape_cast %broadcast_in_dim3A_427 : vector<16x1xi32> to vector<16xi32>
      %gather3A_429 = tpu.dynamic_gather %bitcast_convert_type3A_111[%gather3A_428] in [0] : vector<16xf32>, vector<16xi32> -> vector<16xf32>
      %get3A_430 = arith.constant 93 : index
      %get3A_431 = tpu.vector_load %arg14[%get3A_430] {strides = array<i32>} : memref<256xf32, #tpu.memory_space<vmem>>, vector<16xf32>,
      %get3A_432 = vector.shape_cast %get3A_431 : vector<16xf32> to vector<16xf32>
      %mul3A_433 = arith.mulf %gather3A_429, %get3A_432 : vector<16xf32>
      %add3A_434 = arith.addf %add3A_425, %mul3A_433 : vector<16xf32>
      %broadcast_in_dim3A_435 = arith.constant 0 : i32
      %broadcast_in_dim3A_436 = vector.broadcast %broadcast_in_dim3A_435 : i32 to vector<16x1xi32>
      %gather3A_437 = vector.shape_cast %broadcast_in_dim3A_436 : vector<16x1xi32> to vector<16xi32>
      %gather3A_438 = tpu.dynamic_gather %bitcast_convert_type3A_129[%gather3A_437] in [0] : vector<16xf32>, vector<16xi32> -> vector<16xf32>
      %get3A_439 = arith.constant 96 : index
      %get3A_440 = tpu.vector_load %arg14[%get3A_439] {strides = array<i32>} : memref<256xf32, #tpu.memory_space<vmem>>, vector<16xf32>,
      %get3A_441 = vector.shape_cast %get3A_440 : vector<16xf32> to vector<16xf32>
      %mul3A_442 = arith.mulf %gather3A_438, %get3A_441 : vector<16xf32>
      %add3A_443 = arith.addf %add3A_434, %mul3A_442 : vector<16xf32>
      %broadcast_in_dim3A_444 = arith.constant 1 : i32
      %broadcast_in_dim3A_445 = vector.broadcast %broadcast_in_dim3A_444 : i32 to vector<16x1xi32>
      %gather3A_446 = vector.shape_cast %broadcast_in_dim3A_445 : vector<16x1xi32> to vector<16xi32>
      %gather3A_447 = tpu.dynamic_gather %bitcast_convert_type3A_129[%gather3A_446] in [0] : vector<16xf32>, vector<16xi32> -> vector<16xf32>
      %get3A_448 = arith.constant 99 : index
      %get3A_449 = tpu.vector_load %arg14[%get3A_448] {strides = array<i32>} : memref<256xf32, #tpu.memory_space<vmem>>, vector<16xf32>,
      %get3A_450 = vector.shape_cast %get3A_449 : vector<16xf32> to vector<16xf32>
      %mul3A_451 = arith.mulf %gather3A_447, %get3A_450 : vector<16xf32>
      %add3A_452 = arith.addf %add3A_443, %mul3A_451 : vector<16xf32>
      %broadcast_in_dim3A_453 = arith.constant 2 : i32
      %broadcast_in_dim3A_454 = vector.broadcast %broadcast_in_dim3A_453 : i32 to vector<16x1xi32>
      %gather3A_455 = vector.shape_cast %broadcast_in_dim3A_454 : vector<16x1xi32> to vector<16xi32>
      %gather3A_456 = tpu.dynamic_gather %bitcast_convert_type3A_129[%gather3A_455] in [0] : vector<16xf32>, vector<16xi32> -> vector<16xf32>
      %get3A_457 = arith.constant 102 : index
      %get3A_458 = tpu.vector_load %arg14[%get3A_457] {strides = array<i32>} : memref<256xf32, #tpu.memory_space<vmem>>, vector<16xf32>,
      %get3A_459 = vector.shape_cast %get3A_458 : vector<16xf32> to vector<16xf32>
      %mul3A_460 = arith.mulf %gather3A_456, %get3A_459 : vector<16xf32>
      %add3A_461 = arith.addf %add3A_452, %mul3A_460 : vector<16xf32>
      %broadcast_in_dim3A_462 = arith.constant 3 : i32
      %broadcast_in_dim3A_463 = vector.broadcast %broadcast_in_dim3A_462 : i32 to vector<16x1xi32>
      %gather3A_464 = vector.shape_cast %broadcast_in_dim3A_463 : vector<16x1xi32> to vector<16xi32>
      %gather3A_465 = tpu.dynamic_gather %bitcast_convert_type3A_129[%gather3A_464] in [0] : vector<16xf32>, vector<16xi32> -> vector<16xf32>
      %get3A_466 = arith.constant 105 : index
      %get3A_467 = tpu.vector_load %arg14[%get3A_466] {strides = array<i32>} : memref<256xf32, #tpu.memory_space<vmem>>, vector<16xf32>,
      %get3A_468 = vector.shape_cast %get3A_467 : vector<16xf32> to vector<16xf32>
      %mul3A_469 = arith.mulf %gather3A_465, %get3A_468 : vector<16xf32>
      %add3A_470 = arith.addf %add3A_461, %mul3A_469 : vector<16xf32>
      %broadcast_in_dim3A_471 = arith.constant 4 : i32
      %broadcast_in_dim3A_472 = vector.broadcast %broadcast_in_dim3A_471 : i32 to vector<16x1xi32>
      %gather3A_473 = vector.shape_cast %broadcast_in_dim3A_472 : vector<16x1xi32> to vector<16xi32>
      %gather3A_474 = tpu.dynamic_gather %bitcast_convert_type3A_129[%gather3A_473] in [0] : vector<16xf32>, vector<16xi32> -> vector<16xf32>
      %get3A_475 = arith.constant 108 : index
      %get3A_476 = tpu.vector_load %arg14[%get3A_475] {strides = array<i32>} : memref<256xf32, #tpu.memory_space<vmem>>, vector<16xf32>,
      %get3A_477 = vector.shape_cast %get3A_476 : vector<16xf32> to vector<16xf32>
      %mul3A_478 = arith.mulf %gather3A_474, %get3A_477 : vector<16xf32>
      %add3A_479 = arith.addf %add3A_470, %mul3A_478 : vector<16xf32>
      %broadcast_in_dim3A_480 = arith.constant 5 : i32
      %broadcast_in_dim3A_481 = vector.broadcast %broadcast_in_dim3A_480 : i32 to vector<16x1xi32>
      %gather3A_482 = vector.shape_cast %broadcast_in_dim3A_481 : vector<16x1xi32> to vector<16xi32>
      %gather3A_483 = tpu.dynamic_gather %bitcast_convert_type3A_129[%gather3A_482] in [0] : vector<16xf32>, vector<16xi32> -> vector<16xf32>
      %get3A_484 = arith.constant 111 : index
      %get3A_485 = tpu.vector_load %arg14[%get3A_484] {strides = array<i32>} : memref<256xf32, #tpu.memory_space<vmem>>, vector<16xf32>,
      %get3A_486 = vector.shape_cast %get3A_485 : vector<16xf32> to vector<16xf32>
      %mul3A_487 = arith.mulf %gather3A_483, %get3A_486 : vector<16xf32>
      %add3A_488 = arith.addf %add3A_479, %mul3A_487 : vector<16xf32>
      %broadcast_in_dim3A_489 = arith.constant 6 : i32
      %broadcast_in_dim3A_490 = vector.broadcast %broadcast_in_dim3A_489 : i32 to vector<16x1xi32>
      %gather3A_491 = vector.shape_cast %broadcast_in_dim3A_490 : vector<16x1xi32> to vector<16xi32>
      %gather3A_492 = tpu.dynamic_gather %bitcast_convert_type3A_129[%gather3A_491] in [0] : vector<16xf32>, vector<16xi32> -> vector<16xf32>
      %get3A_493 = arith.constant 114 : index
      %get3A_494 = tpu.vector_load %arg14[%get3A_493] {strides = array<i32>} : memref<256xf32, #tpu.memory_space<vmem>>, vector<16xf32>,
      %get3A_495 = vector.shape_cast %get3A_494 : vector<16xf32> to vector<16xf32>
      %mul3A_496 = arith.mulf %gather3A_492, %get3A_495 : vector<16xf32>
      %add3A_497 = arith.addf %add3A_488, %mul3A_496 : vector<16xf32>
      %broadcast_in_dim3A_498 = arith.constant 7 : i32
      %broadcast_in_dim3A_499 = vector.broadcast %broadcast_in_dim3A_498 : i32 to vector<16x1xi32>
      %gather3A_500 = vector.shape_cast %broadcast_in_dim3A_499 : vector<16x1xi32> to vector<16xi32>
      %gather3A_501 = tpu.dynamic_gather %bitcast_convert_type3A_129[%gather3A_500] in [0] : vector<16xf32>, vector<16xi32> -> vector<16xf32>
      %get3A_502 = arith.constant 117 : index
      %get3A_503 = tpu.vector_load %arg14[%get3A_502] {strides = array<i32>} : memref<256xf32, #tpu.memory_space<vmem>>, vector<16xf32>,
      %get3A_504 = vector.shape_cast %get3A_503 : vector<16xf32> to vector<16xf32>
      %mul3A_505 = arith.mulf %gather3A_501, %get3A_504 : vector<16xf32>
      %add3A_506 = arith.addf %add3A_497, %mul3A_505 : vector<16xf32>
      %broadcast_in_dim3A_507 = arith.constant 8 : i32
      %broadcast_in_dim3A_508 = vector.broadcast %broadcast_in_dim3A_507 : i32 to vector<16x1xi32>
      %gather3A_509 = vector.shape_cast %broadcast_in_dim3A_508 : vector<16x1xi32> to vector<16xi32>
      %gather3A_510 = tpu.dynamic_gather %bitcast_convert_type3A_129[%gather3A_509] in [0] : vector<16xf32>, vector<16xi32> -> vector<16xf32>
      %get3A_511 = arith.constant 120 : index
      %get3A_512 = tpu.vector_load %arg14[%get3A_511] {strides = array<i32>} : memref<256xf32, #tpu.memory_space<vmem>>, vector<16xf32>,
      %get3A_513 = vector.shape_cast %get3A_512 : vector<16xf32> to vector<16xf32>
      %mul3A_514 = arith.mulf %gather3A_510, %get3A_513 : vector<16xf32>
      %add3A_515 = arith.addf %add3A_506, %mul3A_514 : vector<16xf32>
      %broadcast_in_dim3A_516 = arith.constant 9 : i32
      %broadcast_in_dim3A_517 = vector.broadcast %broadcast_in_dim3A_516 : i32 to vector<16x1xi32>
      %gather3A_518 = vector.shape_cast %broadcast_in_dim3A_517 : vector<16x1xi32> to vector<16xi32>
      %gather3A_519 = tpu.dynamic_gather %bitcast_convert_type3A_129[%gather3A_518] in [0] : vector<16xf32>, vector<16xi32> -> vector<16xf32>
      %get3A_520 = arith.constant 123 : index
      %get3A_521 = tpu.vector_load %arg14[%get3A_520] {strides = array<i32>} : memref<256xf32, #tpu.memory_space<vmem>>, vector<16xf32>,
      %get3A_522 = vector.shape_cast %get3A_521 : vector<16xf32> to vector<16xf32>
      %mul3A_523 = arith.mulf %gather3A_519, %get3A_522 : vector<16xf32>
      %add3A_524 = arith.addf %add3A_515, %mul3A_523 : vector<16xf32>
      %broadcast_in_dim3A_525 = arith.constant 10 : i32
      %broadcast_in_dim3A_526 = vector.broadcast %broadcast_in_dim3A_525 : i32 to vector<16x1xi32>
      %gather3A_527 = vector.shape_cast %broadcast_in_dim3A_526 : vector<16x1xi32> to vector<16xi32>
      %gather3A_528 = tpu.dynamic_gather %bitcast_convert_type3A_129[%gather3A_527] in [0] : vector<16xf32>, vector<16xi32> -> vector<16xf32>
      %get3A_529 = arith.constant 126 : index
      %get3A_530 = tpu.vector_load %arg14[%get3A_529] {strides = array<i32>} : memref<256xf32, #tpu.memory_space<vmem>>, vector<16xf32>,
      %get3A_531 = vector.shape_cast %get3A_530 : vector<16xf32> to vector<16xf32>
      %mul3A_532 = arith.mulf %gather3A_528, %get3A_531 : vector<16xf32>
      %add3A_533 = arith.addf %add3A_524, %mul3A_532 : vector<16xf32>
      %broadcast_in_dim3A_534 = arith.constant 11 : i32
      %broadcast_in_dim3A_535 = vector.broadcast %broadcast_in_dim3A_534 : i32 to vector<16x1xi32>
      %gather3A_536 = vector.shape_cast %broadcast_in_dim3A_535 : vector<16x1xi32> to vector<16xi32>
      %gather3A_537 = tpu.dynamic_gather %bitcast_convert_type3A_129[%gather3A_536] in [0] : vector<16xf32>, vector<16xi32> -> vector<16xf32>
      %get3A_538 = arith.constant 129 : index
      %get3A_539 = tpu.vector_load %arg14[%get3A_538] {strides = array<i32>} : memref<256xf32, #tpu.memory_space<vmem>>, vector<16xf32>,
      %get3A_540 = vector.shape_cast %get3A_539 : vector<16xf32> to vector<16xf32>
      %mul3A_541 = arith.mulf %gather3A_537, %get3A_540 : vector<16xf32>
      %add3A_542 = arith.addf %add3A_533, %mul3A_541 : vector<16xf32>
      %broadcast_in_dim3A_543 = arith.constant 12 : i32
      %broadcast_in_dim3A_544 = vector.broadcast %broadcast_in_dim3A_543 : i32 to vector<16x1xi32>
      %gather3A_545 = vector.shape_cast %broadcast_in_dim3A_544 : vector<16x1xi32> to vector<16xi32>
      %gather3A_546 = tpu.dynamic_gather %bitcast_convert_type3A_129[%gather3A_545] in [0] : vector<16xf32>, vector<16xi32> -> vector<16xf32>
      %get3A_547 = arith.constant 132 : index
      %get3A_548 = tpu.vector_load %arg14[%get3A_547] {strides = array<i32>} : memref<256xf32, #tpu.memory_space<vmem>>, vector<16xf32>,
      %get3A_549 = vector.shape_cast %get3A_548 : vector<16xf32> to vector<16xf32>
      %mul3A_550 = arith.mulf %gather3A_546, %get3A_549 : vector<16xf32>
      %add3A_551 = arith.addf %add3A_542, %mul3A_550 : vector<16xf32>
      %broadcast_in_dim3A_552 = arith.constant 13 : i32
      %broadcast_in_dim3A_553 = vector.broadcast %broadcast_in_dim3A_552 : i32 to vector<16x1xi32>
      %gather3A_554 = vector.shape_cast %broadcast_in_dim3A_553 : vector<16x1xi32> to vector<16xi32>
      %gather3A_555 = tpu.dynamic_gather %bitcast_convert_type3A_129[%gather3A_554] in [0] : vector<16xf32>, vector<16xi32> -> vector<16xf32>
      %get3A_556 = arith.constant 135 : index
      %get3A_557 = tpu.vector_load %arg14[%get3A_556] {strides = array<i32>} : memref<256xf32, #tpu.memory_space<vmem>>, vector<16xf32>,
      %get3A_558 = vector.shape_cast %get3A_557 : vector<16xf32> to vector<16xf32>
      %mul3A_559 = arith.mulf %gather3A_555, %get3A_558 : vector<16xf32>
      %add3A_560 = arith.addf %add3A_551, %mul3A_559 : vector<16xf32>
      %broadcast_in_dim3A_561 = arith.constant 14 : i32
      %broadcast_in_dim3A_562 = vector.broadcast %broadcast_in_dim3A_561 : i32 to vector<16x1xi32>
      %gather3A_563 = vector.shape_cast %broadcast_in_dim3A_562 : vector<16x1xi32> to vector<16xi32>
      %gather3A_564 = tpu.dynamic_gather %bitcast_convert_type3A_129[%gather3A_563] in [0] : vector<16xf32>, vector<16xi32> -> vector<16xf32>
      %get3A_565 = arith.constant 138 : index
      %get3A_566 = tpu.vector_load %arg14[%get3A_565] {strides = array<i32>} : memref<256xf32, #tpu.memory_space<vmem>>, vector<16xf32>,
      %get3A_567 = vector.shape_cast %get3A_566 : vector<16xf32> to vector<16xf32>
      %mul3A_568 = arith.mulf %gather3A_564, %get3A_567 : vector<16xf32>
      %add3A_569 = arith.addf %add3A_560, %mul3A_568 : vector<16xf32>
      %broadcast_in_dim3A_570 = arith.constant 15 : i32
      %broadcast_in_dim3A_571 = vector.broadcast %broadcast_in_dim3A_570 : i32 to vector<16x1xi32>
      %gather3A_572 = vector.shape_cast %broadcast_in_dim3A_571 : vector<16x1xi32> to vector<16xi32>
      %gather3A_573 = tpu.dynamic_gather %bitcast_convert_type3A_129[%gather3A_572] in [0] : vector<16xf32>, vector<16xi32> -> vector<16xf32>
      %get3A_574 = arith.constant 141 : index
      %get3A_575 = tpu.vector_load %arg14[%get3A_574] {strides = array<i32>} : memref<256xf32, #tpu.memory_space<vmem>>, vector<16xf32>,
      %get3A_576 = vector.shape_cast %get3A_575 : vector<16xf32> to vector<16xf32>
      %mul3A_577 = arith.mulf %gather3A_573, %get3A_576 : vector<16xf32>
      %add3A_578 = arith.addf %add3A_569, %mul3A_577 : vector<16xf32>
      %broadcast_in_dim3A_579 = arith.constant 0 : i32
      %broadcast_in_dim3A_580 = vector.broadcast %broadcast_in_dim3A_579 : i32 to vector<16x1xi32>
      %gather3A_581 = vector.shape_cast %broadcast_in_dim3A_580 : vector<16x1xi32> to vector<16xi32>
      %gather3A_582 = tpu.dynamic_gather %bitcast_convert_type3A_147[%gather3A_581] in [0] : vector<16xf32>, vector<16xi32> -> vector<16xf32>
      %get3A_583 = arith.constant 144 : index
      %get3A_584 = tpu.vector_load %arg14[%get3A_583] {strides = array<i32>} : memref<256xf32, #tpu.memory_space<vmem>>, vector<16xf32>,
      %get3A_585 = vector.shape_cast %get3A_584 : vector<16xf32> to vector<16xf32>
      %mul3A_586 = arith.mulf %gather3A_582, %get3A_585 : vector<16xf32>
      %add3A_587 = arith.addf %add3A_578, %mul3A_586 : vector<16xf32>
      %broadcast_in_dim3A_588 = arith.constant 1 : i32
      %broadcast_in_dim3A_589 = vector.broadcast %broadcast_in_dim3A_588 : i32 to vector<16x1xi32>
      %gather3A_590 = vector.shape_cast %broadcast_in_dim3A_589 : vector<16x1xi32> to vector<16xi32>
      %gather3A_591 = tpu.dynamic_gather %bitcast_convert_type3A_147[%gather3A_590] in [0] : vector<16xf32>, vector<16xi32> -> vector<16xf32>
      %get3A_592 = arith.constant 147 : index
      %get3A_593 = tpu.vector_load %arg14[%get3A_592] {strides = array<i32>} : memref<256xf32, #tpu.memory_space<vmem>>, vector<16xf32>,
      %get3A_594 = vector.shape_cast %get3A_593 : vector<16xf32> to vector<16xf32>
      %mul3A_595 = arith.mulf %gather3A_591, %get3A_594 : vector<16xf32>
      %add3A_596 = arith.addf %add3A_587, %mul3A_595 : vector<16xf32>
      %broadcast_in_dim3A_597 = arith.constant 2 : i32
      %broadcast_in_dim3A_598 = vector.broadcast %broadcast_in_dim3A_597 : i32 to vector<16x1xi32>
      %gather3A_599 = vector.shape_cast %broadcast_in_dim3A_598 : vector<16x1xi32> to vector<16xi32>
      %gather3A_600 = tpu.dynamic_gather %bitcast_convert_type3A_147[%gather3A_599] in [0] : vector<16xf32>, vector<16xi32> -> vector<16xf32>
      %get3A_601 = arith.constant 150 : index
      %get3A_602 = tpu.vector_load %arg14[%get3A_601] {strides = array<i32>} : memref<256xf32, #tpu.memory_space<vmem>>, vector<16xf32>,
      %get3A_603 = vector.shape_cast %get3A_602 : vector<16xf32> to vector<16xf32>
      %mul3A_604 = arith.mulf %gather3A_600, %get3A_603 : vector<16xf32>
      %add3A_605 = arith.addf %add3A_596, %mul3A_604 : vector<16xf32>
      %broadcast_in_dim3A_606 = arith.constant 3 : i32
      %broadcast_in_dim3A_607 = vector.broadcast %broadcast_in_dim3A_606 : i32 to vector<16x1xi32>
      %gather3A_608 = vector.shape_cast %broadcast_in_dim3A_607 : vector<16x1xi32> to vector<16xi32>
      %gather3A_609 = tpu.dynamic_gather %bitcast_convert_type3A_147[%gather3A_608] in [0] : vector<16xf32>, vector<16xi32> -> vector<16xf32>
      %get3A_610 = arith.constant 153 : index
      %get3A_611 = tpu.vector_load %arg14[%get3A_610] {strides = array<i32>} : memref<256xf32, #tpu.memory_space<vmem>>, vector<16xf32>,
      %get3A_612 = vector.shape_cast %get3A_611 : vector<16xf32> to vector<16xf32>
      %mul3A_613 = arith.mulf %gather3A_609, %get3A_612 : vector<16xf32>
      %add3A_614 = arith.addf %add3A_605, %mul3A_613 : vector<16xf32>
      %broadcast_in_dim3A_615 = arith.constant 4 : i32
      %broadcast_in_dim3A_616 = vector.broadcast %broadcast_in_dim3A_615 : i32 to vector<16x1xi32>
      %gather3A_617 = vector.shape_cast %broadcast_in_dim3A_616 : vector<16x1xi32> to vector<16xi32>
      %gather3A_618 = tpu.dynamic_gather %bitcast_convert_type3A_147[%gather3A_617] in [0] : vector<16xf32>, vector<16xi32> -> vector<16xf32>
      %get3A_619 = arith.constant 156 : index
      %get3A_620 = tpu.vector_load %arg14[%get3A_619] {strides = array<i32>} : memref<256xf32, #tpu.memory_space<vmem>>, vector<16xf32>,
      %get3A_621 = vector.shape_cast %get3A_620 : vector<16xf32> to vector<16xf32>
      %mul3A_622 = arith.mulf %gather3A_618, %get3A_621 : vector<16xf32>
      %add3A_623 = arith.addf %add3A_614, %mul3A_622 : vector<16xf32>
      %broadcast_in_dim3A_624 = arith.constant 5 : i32
      %broadcast_in_dim3A_625 = vector.broadcast %broadcast_in_dim3A_624 : i32 to vector<16x1xi32>
      %gather3A_626 = vector.shape_cast %broadcast_in_dim3A_625 : vector<16x1xi32> to vector<16xi32>
      %gather3A_627 = tpu.dynamic_gather %bitcast_convert_type3A_147[%gather3A_626] in [0] : vector<16xf32>, vector<16xi32> -> vector<16xf32>
      %get3A_628 = arith.constant 159 : index
      %get3A_629 = tpu.vector_load %arg14[%get3A_628] {strides = array<i32>} : memref<256xf32, #tpu.memory_space<vmem>>, vector<16xf32>,
      %get3A_630 = vector.shape_cast %get3A_629 : vector<16xf32> to vector<16xf32>
      %mul3A_631 = arith.mulf %gather3A_627, %get3A_630 : vector<16xf32>
      %add3A_632 = arith.addf %add3A_623, %mul3A_631 : vector<16xf32>
      %broadcast_in_dim3A_633 = arith.constant 6 : i32
      %broadcast_in_dim3A_634 = vector.broadcast %broadcast_in_dim3A_633 : i32 to vector<16x1xi32>
      %gather3A_635 = vector.shape_cast %broadcast_in_dim3A_634 : vector<16x1xi32> to vector<16xi32>
      %gather3A_636 = tpu.dynamic_gather %bitcast_convert_type3A_147[%gather3A_635] in [0] : vector<16xf32>, vector<16xi32> -> vector<16xf32>
      %get3A_637 = arith.constant 162 : index
      %get3A_638 = tpu.vector_load %arg14[%get3A_637] {strides = array<i32>} : memref<256xf32, #tpu.memory_space<vmem>>, vector<16xf32>,
      %get3A_639 = vector.shape_cast %get3A_638 : vector<16xf32> to vector<16xf32>
      %mul3A_640 = arith.mulf %gather3A_636, %get3A_639 : vector<16xf32>
      %add3A_641 = arith.addf %add3A_632, %mul3A_640 : vector<16xf32>
      %broadcast_in_dim3A_642 = arith.constant 7 : i32
      %broadcast_in_dim3A_643 = vector.broadcast %broadcast_in_dim3A_642 : i32 to vector<16x1xi32>
      %gather3A_644 = vector.shape_cast %broadcast_in_dim3A_643 : vector<16x1xi32> to vector<16xi32>
      %gather3A_645 = tpu.dynamic_gather %bitcast_convert_type3A_147[%gather3A_644] in [0] : vector<16xf32>, vector<16xi32> -> vector<16xf32>
      %get3A_646 = arith.constant 165 : index
      %get3A_647 = tpu.vector_load %arg14[%get3A_646] {strides = array<i32>} : memref<256xf32, #tpu.memory_space<vmem>>, vector<16xf32>,
      %get3A_648 = vector.shape_cast %get3A_647 : vector<16xf32> to vector<16xf32>
      %mul3A_649 = arith.mulf %gather3A_645, %get3A_648 : vector<16xf32>
      %add3A_650 = arith.addf %add3A_641, %mul3A_649 : vector<16xf32>
      %broadcast_in_dim3A_651 = arith.constant 8 : i32
      %broadcast_in_dim3A_652 = vector.broadcast %broadcast_in_dim3A_651 : i32 to vector<16x1xi32>
      %gather3A_653 = vector.shape_cast %broadcast_in_dim3A_652 : vector<16x1xi32> to vector<16xi32>
      %gather3A_654 = tpu.dynamic_gather %bitcast_convert_type3A_147[%gather3A_653] in [0] : vector<16xf32>, vector<16xi32> -> vector<16xf32>
      %get3A_655 = arith.constant 168 : index
      %get3A_656 = tpu.vector_load %arg14[%get3A_655] {strides = array<i32>} : memref<256xf32, #tpu.memory_space<vmem>>, vector<16xf32>,
      %get3A_657 = vector.shape_cast %get3A_656 : vector<16xf32> to vector<16xf32>
      %mul3A_658 = arith.mulf %gather3A_654, %get3A_657 : vector<16xf32>
      %add3A_659 = arith.addf %add3A_650, %mul3A_658 : vector<16xf32>
      %broadcast_in_dim3A_660 = arith.constant 9 : i32
      %broadcast_in_dim3A_661 = vector.broadcast %broadcast_in_dim3A_660 : i32 to vector<16x1xi32>
      %gather3A_662 = vector.shape_cast %broadcast_in_dim3A_661 : vector<16x1xi32> to vector<16xi32>
      %gather3A_663 = tpu.dynamic_gather %bitcast_convert_type3A_147[%gather3A_662] in [0] : vector<16xf32>, vector<16xi32> -> vector<16xf32>
      %get3A_664 = arith.constant 171 : index
      %get3A_665 = tpu.vector_load %arg14[%get3A_664] {strides = array<i32>} : memref<256xf32, #tpu.memory_space<vmem>>, vector<16xf32>,
      %get3A_666 = vector.shape_cast %get3A_665 : vector<16xf32> to vector<16xf32>
      %mul3A_667 = arith.mulf %gather3A_663, %get3A_666 : vector<16xf32>
      %add3A_668 = arith.addf %add3A_659, %mul3A_667 : vector<16xf32>
      %broadcast_in_dim3A_669 = arith.constant 10 : i32
      %broadcast_in_dim3A_670 = vector.broadcast %broadcast_in_dim3A_669 : i32 to vector<16x1xi32>
      %gather3A_671 = vector.shape_cast %broadcast_in_dim3A_670 : vector<16x1xi32> to vector<16xi32>
      %gather3A_672 = tpu.dynamic_gather %bitcast_convert_type3A_147[%gather3A_671] in [0] : vector<16xf32>, vector<16xi32> -> vector<16xf32>
      %get3A_673 = arith.constant 174 : index
      %get3A_674 = tpu.vector_load %arg14[%get3A_673] {strides = array<i32>} : memref<256xf32, #tpu.memory_space<vmem>>, vector<16xf32>,
      %get3A_675 = vector.shape_cast %get3A_674 : vector<16xf32> to vector<16xf32>
      %mul3A_676 = arith.mulf %gather3A_672, %get3A_675 : vector<16xf32>
      %add3A_677 = arith.addf %add3A_668, %mul3A_676 : vector<16xf32>
      %broadcast_in_dim3A_678 = arith.constant 11 : i32
      %broadcast_in_dim3A_679 = vector.broadcast %broadcast_in_dim3A_678 : i32 to vector<16x1xi32>
      %gather3A_680 = vector.shape_cast %broadcast_in_dim3A_679 : vector<16x1xi32> to vector<16xi32>
      %gather3A_681 = tpu.dynamic_gather %bitcast_convert_type3A_147[%gather3A_680] in [0] : vector<16xf32>, vector<16xi32> -> vector<16xf32>
      %get3A_682 = arith.constant 177 : index
      %get3A_683 = tpu.vector_load %arg14[%get3A_682] {strides = array<i32>} : memref<256xf32, #tpu.memory_space<vmem>>, vector<16xf32>,
      %get3A_684 = vector.shape_cast %get3A_683 : vector<16xf32> to vector<16xf32>
      %mul3A_685 = arith.mulf %gather3A_681, %get3A_684 : vector<16xf32>
      %add3A_686 = arith.addf %add3A_677, %mul3A_685 : vector<16xf32>
      %broadcast_in_dim3A_687 = arith.constant 12 : i32
      %broadcast_in_dim3A_688 = vector.broadcast %broadcast_in_dim3A_687 : i32 to vector<16x1xi32>
      %gather3A_689 = vector.shape_cast %broadcast_in_dim3A_688 : vector<16x1xi32> to vector<16xi32>
      %gather3A_690 = tpu.dynamic_gather %bitcast_convert_type3A_147[%gather3A_689] in [0] : vector<16xf32>, vector<16xi32> -> vector<16xf32>
      %get3A_691 = arith.constant 180 : index
      %get3A_692 = tpu.vector_load %arg14[%get3A_691] {strides = array<i32>} : memref<256xf32, #tpu.memory_space<vmem>>, vector<16xf32>,
      %get3A_693 = vector.shape_cast %get3A_692 : vector<16xf32> to vector<16xf32>
      %mul3A_694 = arith.mulf %gather3A_690, %get3A_693 : vector<16xf32>
      %add3A_695 = arith.addf %add3A_686, %mul3A_694 : vector<16xf32>
      %broadcast_in_dim3A_696 = arith.constant 13 : i32
      %broadcast_in_dim3A_697 = vector.broadcast %broadcast_in_dim3A_696 : i32 to vector<16x1xi32>
      %gather3A_698 = vector.shape_cast %broadcast_in_dim3A_697 : vector<16x1xi32> to vector<16xi32>
      %gather3A_699 = tpu.dynamic_gather %bitcast_convert_type3A_147[%gather3A_698] in [0] : vector<16xf32>, vector<16xi32> -> vector<16xf32>
      %get3A_700 = arith.constant 183 : index
      %get3A_701 = tpu.vector_load %arg14[%get3A_700] {strides = array<i32>} : memref<256xf32, #tpu.memory_space<vmem>>, vector<16xf32>,
      %get3A_702 = vector.shape_cast %get3A_701 : vector<16xf32> to vector<16xf32>
      %mul3A_703 = arith.mulf %gather3A_699, %get3A_702 : vector<16xf32>
      %add3A_704 = arith.addf %add3A_695, %mul3A_703 : vector<16xf32>
      %broadcast_in_dim3A_705 = arith.constant 14 : i32
      %broadcast_in_dim3A_706 = vector.broadcast %broadcast_in_dim3A_705 : i32 to vector<16x1xi32>
      %gather3A_707 = vector.shape_cast %broadcast_in_dim3A_706 : vector<16x1xi32> to vector<16xi32>
      %gather3A_708 = tpu.dynamic_gather %bitcast_convert_type3A_147[%gather3A_707] in [0] : vector<16xf32>, vector<16xi32> -> vector<16xf32>
      %get3A_709 = arith.constant 186 : index
      %get3A_710 = tpu.vector_load %arg14[%get3A_709] {strides = array<i32>} : memref<256xf32, #tpu.memory_space<vmem>>, vector<16xf32>,
      %get3A_711 = vector.shape_cast %get3A_710 : vector<16xf32> to vector<16xf32>
      %mul3A_712 = arith.mulf %gather3A_708, %get3A_711 : vector<16xf32>
      %add3A_713 = arith.addf %add3A_704, %mul3A_712 : vector<16xf32>
      %broadcast_in_dim3A_714 = arith.constant 15 : i32
      %broadcast_in_dim3A_715 = vector.broadcast %broadcast_in_dim3A_714 : i32 to vector<16x1xi32>
      %gather3A_716 = vector.shape_cast %broadcast_in_dim3A_715 : vector<16x1xi32> to vector<16xi32>
      %gather3A_717 = tpu.dynamic_gather %bitcast_convert_type3A_147[%gather3A_716] in [0] : vector<16xf32>, vector<16xi32> -> vector<16xf32>
      %get3A_718 = arith.constant 189 : index
      %get3A_719 = tpu.vector_load %arg14[%get3A_718] {strides = array<i32>} : memref<256xf32, #tpu.memory_space<vmem>>, vector<16xf32>,
      %get3A_720 = vector.shape_cast %get3A_719 : vector<16xf32> to vector<16xf32>
      %mul3A_721 = arith.mulf %gather3A_717, %get3A_720 : vector<16xf32>
      %add3A_722 = arith.addf %add3A_713, %mul3A_721 : vector<16xf32>
      %get3A_723 = arith.constant 0 : index
      %get3A_724 = tpu.vector_load %arg15[%get3A_723] {strides = array<i32>} : memref<16xf32, #tpu.memory_space<vmem>>, vector<16xf32>,
      %get3A_725 = vector.shape_cast %get3A_724 : vector<16xf32> to vector<16xf32>
      %add3A_726 = arith.addf %add3A_722, %get3A_725 : vector<16xf32>
      %swap3A_727 = arith.constant 0 : index
      %swap3A_728 = tpu.vector_load %arg16[%swap3A_727] {strides = array<i32>} : memref<16xf32, #tpu.memory_space<vmem>>, vector<16xf32>,
      %swap3A_729 = vector.shape_cast %swap3A_728 : vector<16xf32> to vector<16xf32>
      %swap3A_730 = vector.shape_cast %add3A_726 : vector<16xf32> to vector<16xf32>
      tpu.vector_store %arg16[%swap3A_727], %swap3A_730 {strides = array<i32>} : memref<16xf32, #tpu.memory_space<vmem>>, vector<16xf32>,
      "tpu.region"() ({
        %run_scoped3A = tpu.sem_alloc : memref<!tpu.dma_semaphore, #tpu.memory_space<semaphore_mem>>
        %dma_start3A_731 = arith.constant 0 : i32
        %dma_start3A_732 = tpu.memref_slice %arg16[%dma_start3A_731] : memref<16xf32, #tpu.memory_space<vmem>> -> memref<3xf32, #tpu.memory_space<vmem>>
        %dma_start3A_733 = arith.constant 0 : i32
        %dma_start3A_734 = tpu.memref_slice %arg16[%dma_start3A_733] : memref<16xf32, #tpu.memory_space<vmem>> -> memref<3xf32, #tpu.memory_space<vmem>>
        tpu.enqueue_dma source(%dma_start3A_734 : memref<3xf32, #tpu.memory_space<vmem>>) target(%arg9 : memref<3xf32, #tpu.memory_space<hbm>>) target_semaphore(%run_scoped3A : memref<!tpu.dma_semaphore, #tpu.memory_space<semaphore_mem>>)
        %dma_wait3A_735 = arith.constant 0 : i32
        %dma_wait3A_736 = tpu.memref_slice %arg16[%dma_wait3A_735] : memref<16xf32, #tpu.memory_space<vmem>> -> memref<3xf32, #tpu.memory_space<vmem>>
        %dma_wait3A_737 = arith.constant 0 : i32
        %dma_wait3A_738 = tpu.memref_slice %arg16[%dma_wait3A_737] : memref<16xf32, #tpu.memory_space<vmem>> -> memref<3xf32, #tpu.memory_space<vmem>>
        tpu.wait_dma2 semaphore(%run_scoped3A : memref<!tpu.dma_semaphore, #tpu.memory_space<semaphore_mem>>) src(%dma_wait3A_738 : memref<3xf32, #tpu.memory_space<vmem>>) dst(%arg9 : memref<3xf32, #tpu.memory_space<hbm>>)
        tpu.yield
      }) : () -> ()
    } else {
    }
    return
  }
}

</mosaic_0001>

<sc_bundles>
// kernel: kernel.3.cloned.1.call-start
scs
__scs_entry_jumppad:
0x0: {  	(pc) =	sbr.rel $0x88, $3  }
0x1: {  	(tag) =	ssettag $0x0;
	lr =	simm.s32 $0x1  }
0x2: {  	[smem:$0x3F9A] =	sst lr;
	_ =	strace $0xD0000000  }
0x3: {  	_ = 	snop  }
0x4: {  	_ = 	snop  }
0x5: {  	_ = 	snop  }
0x6: {  	_ = 	snop  }
0x7: {  	_ = 	snop  }
__scs_overlays_trampoline_lowered:
0x8: {  	[smem:$0x3FA9] =	sst s0  }
0x9: {  	[smem:$0x3FAA] =	sst s1  }
0xa: {  	[smem:$0x3FAB] =	sst s2  }
0xb: {  	[smem:$0x3FAC] =	sst s3  }
0xc: {  	[smem:$0x3FAD] =	sst s4  }
0xd: {  	[smem:$0x3FAE] =	sst s5  }
0xe: {  	[smem:$0x3FAF] =	sst s6  }
0xf: {  	[smem:$0x3FB0] =	sst s7  }
0x10: {  	[smem:$0x3FB1] =	sst s8  }
0x11: {  	[smem:$0x3FB2] =	sst s9;
	s0 =	simm.s32 @!p0 $0x0  }
0x12: {  	s1 =	sld [smem:$0x3F98];
	s0 =	simm.s32 @p0 $0x1  }
0x13: {  	[smem:$0x3FB3] =	sst s0;
	s0 =	simm.s32 @!p1 $0x0  }
0x14: {  	s2 =	sld [smem:$0x3F97];
	s0 =	simm.s32 @p1 $0x1  }
0x15: {  	[smem:$0x3FB4] =	sst s0;
	s0 =	simm.s32 @!p2 $0x0  }
0x16: {  	s3 =	sld [smem:$0x3FDB];
	s0 =	simm.s32 @p2 $0x1  }
0x17: {  	s4 =	simm.s32 $0x1BF5;
	[smem:$0x3FB6] =	sst s0  }
0x18: {  	s0 =	sld [smem:$0x3F99];
	_ =	swait.ge [sflag:s4], $0x0  }
0x19: {  	s7 =	sld [smem:$0x3F9A]  }
0x1a: {  	s8 =	sadd.s32 $0xFFFFE003, lr  }
0x1b: {  	s9 =	sadd.s32 $0xFFFFFEF7, lr;
	s5 =	simm.s32 $0xFFFFFFFF;
	p2 =	slt.u32 s8, $0xFFFFF086  }
0x1c: {  	p1 =	slt.u32 s9, $0xF7A;
	s5 =	simm.s32 @!p2 $0x0  }
0x1d: {  	s5 =	simm.s32 @p1 $0x1;
	p0 =	seq.s32 s7, s2  }
0x1e: {  	s7 =	smul.u32 @!p0 $0xF7A, s2;
	p2 =	seq.s32 @!p0 s5, $0x0  }
0x1f: {  	s9 =	smul.u32 $0xF7A, s1;
	s8 =	simm.s32 @!p0 $0x1BF5;
	p2 =	por !p2, p0  }
0x20: {  	[sflag:s8] =	ssyncset.s32 @!p0 $0xFFFFF086;
	s6 =	sadd.s32 @!p0 s3, s7;
	s7 =	simm.s32 @!p0 $0x108  }
0x21: {  	s3 =	sadd.s32 s3, s9;
	s6 =	sadd.s32 @!p0 $0x88, s6;
	s7 =	simm.s32 @p2 $0x1082  }
0x22: {  	[simem:s7], [sflag:s8] =	dma.local @!p0 [hbm:s6], $0xF7A  }
0x23: {  	s9 =	sor.u32 $0xD0000000, s2;
	s6 =	simm.s32 $0x108;
	_ =	swait.ge @!p0 [sflag:s8], $0x0  }
0x24: {  	s3 =	sadd.s32 $0x88, s3;
	s6 =	simm.s32 @!p1 $0x1082;
	[sflag:s4] =	ssyncset.s32 $0xFFFFF086  }
0x25: {  	[simem:s6], [sflag:s4] =	dma.local [hbm:s3], $0xF7A  }
0x26: {  	[smem:$0x3F9A] =	sst s1;
	(tag) =	ssettag s2;
	_ =	strace s9  }
0x27: {  	s1 =	sld [smem:$0x3FAA]  }
0x28: {  	s2 =	sld [smem:$0x3FAB]  }
0x29: {  	s4 =	sld [smem:$0x3FAD]  }
0x2a: {  	p0 =	seq.s32 s5, $0x0;
	s5 =	sld [smem:$0x3FAE]  }
0x2b: {  	s6 =	sld [smem:$0x3FAF]  }
0x2c: {  	s7 =	sld [smem:$0x3FB0]  }
0x2d: {  	s3 =	simm.s32 $0x108;
	s8 =	sld [smem:$0x3FB1]  }
0x2e: {  	s3 =	simm.s32 @!p0 $0x1082;
	s9 =	sld [smem:$0x3FB2]  }
0x2f: {  	lr =	sadd.s32 s0, s3;
	s0 =	sld [smem:$0x3FA9]  }
0x30: {  	s3 =	sld [smem:$0x3FAC]  }
0x31: {  	[smem:$0x3FB5] =	sst s10  }
0x32: {  	s10 =	sld [smem:$0x3FB3];
	_ =	sdelay $0x3  }
0x33: {  	p0 =	seq.s32 s10, $0x1;
	s10 =	sld [smem:$0x3FB5];
	_ =	sdelay $0x3  }
0x34: {  	[smem:$0x3FB5] =	sst s10  }
0x35: {  	s10 =	sld [smem:$0x3FB4];
	_ =	sdelay $0x3  }
0x36: {  	p1 =	seq.s32 s10, $0x1;
	s10 =	sld [smem:$0x3FB5];
	_ =	sdelay $0x3  }
0x37: {  	[smem:$0x3FB5] =	sst s10  }
0x38: {  	s10 =	sld [smem:$0x3FB6]  }
0x39: {  	_ = 	snop;
	(pc) =	sbr.ind lr, $3  }
0x3a: {  	_ = 	snop  }
0x3b: {  	_ = 	snop  }
0x3c: {  	p2 =	seq.s32 s10, $0x1;
	s10 =	sld [smem:$0x3FB5]  }
0x3d: {  	_ =	shalt  }
0x3e: {  	_ =	shalt  }
0x3f: {  	_ =	shalt  }
0x40: {  	_ =	shalt  }
0x41: {  	_ =	shalt  }
0x42: {  	_ =	shalt  }
0x43: {  	_ =	shalt  }
0x44: {  	_ =	shalt  }
0x45: {  	_ =	shalt  }
0x46: {  	_ =	shalt  }
0x47: {  	_ =	shalt  }
0x48: {  	_ =	shalt  }
0x49: {  	_ =	shalt  }
0x4a: {  	_ =	shalt  }
0x4b: {  	_ =	shalt  }
0x4c: {  	_ =	shalt  }
0x4d: {  	_ =	shalt  }
0x4e: {  	_ =	shalt  }
0x4f: {  	_ =	shalt  }
0x50: {  	_ =	shalt  }
0x51: {  	_ =	shalt  }
0x52: {  	_ =	shalt  }
0x53: {  	_ =	shalt  }
0x54: {  	_ =	shalt  }
0x55: {  	_ =	shalt  }
0x56: {  	_ =	shalt  }
0x57: {  	_ =	shalt  }
0x58: {  	_ =	shalt  }
0x59: {  	_ =	shalt  }
0x5a: {  	_ =	shalt  }
0x5b: {  	_ =	shalt  }
0x5c: {  	_ =	shalt  }
0x5d: {  	_ =	shalt  }
0x5e: {  	_ =	shalt  }
0x5f: {  	_ =	shalt  }
0x60: {  	_ =	shalt  }
0x61: {  	_ =	shalt  }
0x62: {  	_ =	shalt  }
0x63: {  	_ =	shalt  }
0x64: {  	_ =	shalt  }
0x65: {  	_ =	shalt  }
0x66: {  	_ =	shalt  }
0x67: {  	_ =	shalt  }
0x68: {  	_ =	shalt  }
0x69: {  	_ =	shalt  }
0x6a: {  	_ =	shalt  }
0x6b: {  	_ =	shalt  }
0x6c: {  	_ =	shalt  }
0x6d: {  	_ =	shalt  }
0x6e: {  	_ =	shalt  }
0x6f: {  	_ =	shalt  }
0x70: {  	_ =	shalt  }
0x71: {  	_ =	shalt  }
0x72: {  	_ =	shalt  }
0x73: {  	_ =	shalt  }
0x74: {  	_ =	shalt  }
0x75: {  	_ =	shalt  }
0x76: {  	_ =	shalt  }
0x77: {  	_ =	shalt  }
0x78: {  	_ =	shalt  }
0x79: {  	_ =	shalt  }
0x7a: {  	_ =	shalt  }
0x7b: {  	_ =	shalt  }
0x7c: {  	_ =	shalt  }
0x7d: {  	_ =	shalt  }
0x7e: {  	_ =	shalt  }
0x7f: {  	_ =	shalt  }
0x80: {  	_ =	shalt  }
0x81: {  	_ =	shalt  }
0x82: {  	_ =	shalt  }
0x83: {  	_ =	shalt  }
0x84: {  	_ =	shalt  }
0x85: {  	_ =	shalt  }
0x86: {  	_ =	shalt  }
0x87: {  	_ =	shalt  }
.Lfunc_end0:
.L_simem_size_0:
called_computation_lowered:
.L_overlay_start_0:
0x88: {  	s0 =	sld [smem:$0x3FD9]  }
0x89: {  	s1 =	sld [smem:$0x3FFE];
	_ =	sdelay $0x3  }
0x8a: {  	s0 =	sadd.s32 s1, s0  }
0x8b: {  	[smem:$0x3FC1] =	sst s0  }
0x8c: {  	_ = 	snop  }
0x8d: {  	s0 =	sld [smem:$0x3FC9]  }
0x8e: {  	s16 =	sld [smem:$0x3FC8]  }
0x8f: {  	s2 =	sld [smem:$0x3FC7]  }
0x90: {  	s3 =	sld [smem:$0x3FC5]  }
0x91: {  	s4 =	sld [smem:$0x3FC3]  }
0x92: {  	s5 =	sld [smem:$0x3FD0];
	(tm) =	ssettm $0x1  }
0x93: {  	s6 =	sld [smem:$0x3FFB];
	_ =	sdelay $0x3  }
0x94: {  	_ =	strace s6  }
0x95: {  	s6 =	sld [smem:$0x3FFC];
	_ =	sdelay $0x3  }
0x96: {  	_ =	strace s6  }
0x97: {  	s6 =	sld [smem:$0x3FFD];
	_ =	sdelay $0x3  }
0x98: {  	_ =	strace s6  }
0x99: {  	_ =	strace $0x8FFFFFFF  }
0x9a: {  	s17 =	sld [smem:$0x3FDB];
	_ =	sdelay $0x1  }
0x9b: {  	s7 =	simm.s32 $_scs_section_size  }
0x9c: {  	s8 =	simm.s32 $_size__tile_overlayer_lowered;
	s9 =	simm.s32 $_tile_overlayer_lowered  }
0x9d: {  	s20 =	simm.s32 $0x1BFF;
	s19 =	sshll.u32 s9, $0x1;
	s6 =	sadd.s32 s7, s17  }
0x9e: {  	s10 =	simm.s32 $0x0;
	s18 =	sshll.u32 s8, $0x1;
	s8 =	sadd.s32 s19, s6  }
0x9f: {  	[timem:s10], [sflag:s20] =	dma.local [hbm:s8], s18  }
0xa0: {  	_ =	swait.ge [sflag:s20], s18  }
0xa1: {  	s7 =	ssub.s32 $0x0, s18;
	[sflag:s20] =	ssyncset.done $0x0  }
0xa2: {  	[sflag:s20] =	ssyncadd.s32 s7;
	_ =	sdelay $0x1  }
0xa3: {  	s21 =	simm.s32 $0x1B8B  }
0xa4: {  	_ =	swait.ge [sflag:s21], $0x1  }
0xa5: {  	[sflag:s21] =	ssyncset.done $0x0  }
0xa6: {  	s23 =	simm.s32 $0x1B8E;
	s22 =	sld [smem:$0x3FFE];
	[sflag:s21] =	ssyncadd.s32 $0xFFFFFFFF  }
0xa7: {  	s24 =	simm.s32 $execute0_lowered;
	[smem:$0x3FD2] =	sst s23  }
0xa8: {  	s8 =	sshll.u32 s24, $0x1;
	_ =	strace $0x80000046;
	[dreg:$0x1] =	wrdreg $0xFFFFFFFF  }
0xa9: {  	s25 =	simm.s32 $_size_execute0_lowered;
	s6 =	sadd.s32 s6, s8;
	[dreg:$0x0] =	wrdreg $0x0  }
0xaa: {  	s8 =	sshll.u32 s25, $0x1;
	[dreg:$0x2] =	wrdreg s6  }
0xab: {  	[dreg:$0x3] =	wrdreg s8  }
0xac: {  	[dreg:$0x4] =	wrdreg $0xC0  }
0xad: {  	_ =	task [dreg:s10], $0x5FFFF  }
0xae: {  	[dreg:$0x1] =	wrdreg $0xFFFFFFFF  }
0xaf: {  	[dreg:$0x0] =	wrdreg $0x60  }
0xb0: {  	[dreg:$0x2] =	wrdreg s0  }
0xb1: {  	[dreg:$0x3] =	wrdreg s16  }
0xb2: {  	[dreg:$0x4] =	wrdreg s2  }
0xb3: {  	[dreg:$0x5] =	wrdreg s22  }
0xb4: {  	[dreg:$0x6] =	wrdreg s3  }
0xb5: {  	[dreg:$0x7] =	wrdreg s4  }
0xb6: {  	[dreg:$0x8] =	wrdreg s5  }
0xb7: {  	[dreg:$0x9] =	wrdreg $0x9  }
0xb8: {  	_ =	task.clear_ibuf [dreg:s10], $0xAFFFF;
	_ =	strace $0x90000046  }
0xb9: {  	s26 =	simm.s32 $0x9;
	_ =	strace $0x80000048  }
0xba: {  	_ =	swait.ge [sflag:s26], $0x1  }
0xbb: {  	[sflag:s26] =	ssyncadd.s32 $0xFFFFFFFF  }
0xbc: {  	_ =	strace $0x90000048  }
0xbd: {  	_ =	sfence  }
0xbe: {  	s28 =	sld [smem:$0x0];
	_ =	sdelay $0x1  }
0xbf: {  	s29 =	srdreg.scid  }
0xc0: {  	s30 =	sshll.u32 s29, $0xD;
	s31 =	sshrl.u32 s29, $0x2  }
0xc1: {  	s1 =	sand.u32 $0x1, s29;
	s2 =	sand.u32 $0x4000, s30;
	s0 =	sadd.s32 s31, s28  }
0xc2: {  	s1 =	sor.u32 s2, s1;
	s0 =	sshll.u32 s0, $0x11  }
0xc3: {  	s0 =	sor.u32 s0, s1  }
0xc4: {  	s0 =	sadd.s32 $0x8F2B, s0  }
0xc5: {  	[sflag:s0] =	ssyncadd.remote.s32 $0x1  }
0xc6: {  	_ =	sfence.sel $0xFFFF  }
0xc7: {  	[dreg:$0x0] =	wrdreg $0xFFFFFFFF;
	(pc) =	sbr.abs _section_cstart, $3  }
0xc8: {  	[dreg:$0x1] =	wrdreg $0xFFFFFFFF  }
0xc9: {  	_ =	task.clear_ibuf [dreg:s10], $0x2FFFF;
	_ =	strace $0x9FFFFFFF  }
0xca: {  	(tm) =	ssettm $0x7FFFFFFF  }
0xcb: {  	_ =	shalt  }
tec
execute0_lowered:
.L_overlay_start_1:
0x0: {  	(tag) =	ssettag $0x1  }
0x1: {  	s4 =	rddreg [dreg:$0x0]  }
0x2: {  	s3 =	rddreg [dreg:$0x1];
	s8 =	stileid.u32  }
0x3: {  	s2 =	rddreg [dreg:$0x2];
	p0 =	sne.s32 s8, $0x0  }
.Ltmp0:
0x4: {  	s6 =	rddreg [dreg:$0x3];
	(pc) =	sbr.rel @p0 .LBB2_4-.Ltmp0, $4  }
0x5: {  	s7 =	rddreg [dreg:$0x4]  }
0x6: {  	s5 =	rddreg [dreg:$0x5]  }
0x7: {  	s1 =	rddreg [dreg:$0x6]  }
0x8: {  	s0 =	rddreg [dreg:$0x7];
	_ =	strace $0x80000047  }
0x9: {  	s8 =	sadd.s32 $0x400, s6;
	s9 =	simm.s32 $0x0;
	s10 =	simm.s32 $0x180  }
0xa: {  	[tilespmem:s10], [sflag:$0x1] =	stream.linear.gather [hbm4b:s8+s9], $0x8000, $0x38;
	[tilespmem:$0x8400] =	vst v63  }
0xb: {  	s16 =	simm.s32 $0x8180  }
0xc: {  	[tilespmem:s16], [sflag:$0x1] =	stream.linear.gather [hbm4b:s7+s9], $0x80, $0x38;
	[tilespmem:$0x8400] =	vst v63  }
0xd: {  	s17 =	sadd.s32 $0x1400, s6;
	s18 =	simm.s32 $0x8200  }
0xe: {  	[tilespmem:s18], [sflag:$0x1] =	stream.linear.gather [hbm4b:s17+s9], $0xC0, $0x38;
	[tilespmem:$0x8400] =	vst v63  }
0xf: {  	s19 =	simm.s32 $0x8300  }
0x10: {  	[tilespmem:s19], [sflag:$0x1] =	stream.linear.gather [hbm4b:s5+s9], $0x3, $0x38;
	[tilespmem:$0x8400] =	vst v63  }
0x11: {  	s20 =	simm.s32 $0x3  }
0x12: {  	[tilespmem:s9], [sflag:$0x3] =	stream.linear.gather [hbm4b:s4+s9], $0x2, $0x38;
	[tilespmem:$0x8400] =	vst v63  }
0x13: {  	_ =	swait.ge [sflag:s20], $0x2  }
0x14: {  	[sflag:s20] =	ssyncset.done $0x0  }
0x15: {  	[sflag:s20] =	ssyncadd.s32 $0xFFFFFFFE  }
0x16: {  	v1 =	vld [tilespmem:$0x0];
	_ =	sdelay $0x3  }
0x17: {  	v0 =	vimm.s32 $0x1  }
0x18: {  	v1 =	vperm.xlane v1, v0;
	_ =	sdelay $0x1  }
0x19: {  	s21 =	simm.s32 $0x1;
	s22 =	simm.s32 $0x80;
	[tilespmem:$0x10] =	vst v1  }
0x1a: {  	[tilespmem:s22], [sflag:$0x2] =	stream.indirect.gather [hbm4b:s3+s21], $0x80, s9, s21, $0xb8;
	[tilespmem:$0x8400] =	vst v63  }
0x1b: {  	s23 =	simm.s32 $0x10;
	s24 =	simm.s32 $0x100;
	s25 =	simm.s32 $0x2  }
0x1c: {  	[tilespmem:s24], [sflag:$0x2] =	stream.indirect.gather [hbm4b:s2+s21], $0x80, s23, s21, $0xb8;
	[tilespmem:$0x8400] =	vst v63  }
0x1d: {  	_ =	swait.ge [sflag:s25], $0x80  }
0x1e: {  	[sflag:s25] =	ssyncset.done $0x0  }
0x1f: {  	[sflag:s25] =	ssyncadd.s32 $0xFFFFFF80  }
0x20: {  	_ =	swait.ge [sflag:s25], $0x80  }
0x21: {  	[sflag:s25] =	ssyncset.done $0x0  }
0x22: {  	[sflag:s25] =	ssyncadd.s32 $0xFFFFFF80  }
0x23: {  	_ =	swait.ge [sflag:s21], $0x8000  }
0x24: {  	[sflag:s21] =	ssyncset.done $0x0  }
0x25: {  	[sflag:s21] =	ssyncadd.s32 $0xFFFF8000  }
0x26: {  	_ =	swait.ge [sflag:s21], $0x80  }
0x27: {  	[sflag:s21] =	ssyncset.done $0x0  }
0x28: {  	[sflag:s21] =	ssyncadd.s32 $0xFFFFFF80  }
0x29: {  	_ =	swait.ge [sflag:s21], $0xC0  }
0x2a: {  	[sflag:s21] =	ssyncset.done $0x0  }
0x2b: {  	[sflag:s21] =	ssyncadd.s32 $0xFFFFFF40  }
0x2c: {  	s26 =	sand.u32 $0x200, s9;
	_ =	swait.ge [sflag:s21], $0x3  }
0x2d: {  	s28 =	sand.u32 $0x70, s9;
	s2 =	sshrl.u32 s26, $0x2;
	[sflag:s21] =	ssyncset.done $0x0  }
0x2e: {  	s2 =	sor.u32 s28, s2;
	[sflag:s21] =	ssyncadd.s32 $0xFFFFFFFD  }
0x2f: {  	v1 =	vld [tilespmem:s2+$0x80];
	_ =	sdelay $0x3  }
0x30: {  	s2 =	simm.s32 $0x580  }
0x31: {  	v3 =	vld [tilespmem:s2+$0xFFFFFC00];
	v2 =	vshrl.u32 v1, $0x10  }
0x32: {  	v4 =	vld [tilespmem:s2+$0xFFFFFC10];
	v2 =	vand.u32 $0x1, v2  }
0x33: {  	v6 =	vld [tilespmem:s2+$0xFFFFFC30];
	v1 =	vadd.s32 v2, v1  }
0x34: {  	v2 =	vld [tilespmem:s2+$0xFFFFFC20];
	v5 =	vadd.s32 $0x7FFF, v1  }
0x35: {  	v1 =	vimm.s32 $0x0;
	v5 =	vand.u32 $0xFFFF0000, v5  }
0x36: {  	v7 =	vperm.xlane v5, v1;
	_ =	sdelay $0x1  }
0x37: {  	v3 =	vmul.f32 v3, v7;
	v4 =	vmul.f32 v4, v7  }
0x38: {  	v8 =	vimm.f32 $0.0e+00;
	v9 =	vld [tilespmem:s2+$0xFFFFFC90];
	v2 =	vmul.f32 v2, v7;
	v6 =	vmul.f32 v6, v7  }
0x39: {  	v10 =	vld [tilespmem:s2+$0xFFFFFCA0];
	v3 =	vsub.f32 v3, v8;
	v4 =	vsub.f32 v4, v8  }
0x3a: {  	v7 =	vld [tilespmem:s2+$0xFFFFFC80];
	v2 =	vsub.f32 v2, v8;
	v6 =	vsub.f32 v6, v8  }
0x3b: {  	v14 =	vld [tilespmem:s2+$0xFFFFFCB0];
	v13 =	vperm.xlane v5, v0;
	v11 =	vadd.f32 v3, v8;
	v12 =	vadd.f32 v4, v8  }
0x3c: {  	v15 =	vadd.f32 v2, v8;
	v16 =	vadd.f32 v6, v8  }
0x3d: {  	v9 =	vmul.f32 v9, v13;
	v17 =	vsub.f32 v11, v8;
	v18 =	vsub.f32 v12, v8  }
0x3e: {  	v10 =	vmul.f32 v10, v13;
	v19 =	vsub.f32 v15, v8;
	v8 =	vsub.f32 v16, v8  }
0x3f: {  	v7 =	vmul.f32 v7, v13;
	v3 =	vsub.f32 v17, v3;
	v4 =	vsub.f32 v18, v4  }
0x40: {  	v17 =	vsub.f32 v19, v2;
	v6 =	vsub.f32 v8, v6;
	v8 =	vmul.f32 v14, v13;
	v13 =	vld [tilespmem:s2+$0xFFFFFD00]  }
0x41: {  	v3 =	vsub.f32 v7, v3;
	v4 =	vsub.f32 v9, v4;
	v7 =	vld [tilespmem:s2+$0xFFFFFD10]  }
0x42: {  	v2 =	vimm.s32 $0x2;
	v9 =	vsub.f32 v10, v17;
	v6 =	vsub.f32 v8, v6;
	v8 =	vld [tilespmem:s2+$0xFFFFFD20]  }
0x43: {  	v18 =	vld [tilespmem:s2+$0xFFFFFD30];
	v17 =	vperm.xlane v5, v2;
	v10 =	vadd.f32 v3, v11;
	v14 =	vadd.f32 v4, v12  }
0x44: {  	v19 =	vadd.f32 v9, v15;
	v20 =	vadd.f32 v6, v16  }
0x45: {  	v13 =	vmul.f32 v13, v17;
	v11 =	vsub.f32 v10, v11;
	v12 =	vsub.f32 v14, v12  }
0x46: {  	v15 =	vsub.f32 v19, v15;
	v16 =	vsub.f32 v20, v16;
	v7 =	vmul.f32 v7, v17  }
0x47: {  	v8 =	vmul.f32 v8, v17;
	v3 =	vsub.f32 v11, v3;
	v4 =	vsub.f32 v12, v4  }
0x48: {  	v9 =	vsub.f32 v15, v9;
	v6 =	vsub.f32 v16, v6;
	v11 =	vmul.f32 v18, v17;
	v12 =	vld [tilespmem:s2+$0xFFFFFD80]  }
0x49: {  	v13 =	vsub.f32 v13, v3;
	v4 =	vsub.f32 v7, v4;
	v7 =	vld [tilespmem:s2+$0xFFFFFD90]  }
0x4a: {  	v3 =	vimm.s32 $0x3;
	v8 =	vsub.f32 v8, v9;
	v6 =	vsub.f32 v11, v6;
	v9 =	vld [tilespmem:s2+$0xFFFFFDA0]  }
0x4b: {  	v17 =	vld [tilespmem:s2+$0xFFFFFDB0];
	v16 =	vperm.xlane v5, v3;
	v11 =	vadd.f32 v13, v10;
	v15 =	vadd.f32 v4, v14  }
0x4c: {  	v18 =	vadd.f32 v8, v19;
	v21 =	vadd.f32 v6, v20  }
0x4d: {  	v12 =	vmul.f32 v12, v16;
	v10 =	vsub.f32 v11, v10;
	v14 =	vsub.f32 v15, v14  }
0x4e: {  	v19 =	vsub.f32 v18, v19;
	v20 =	vsub.f32 v21, v20;
	v7 =	vmul.f32 v7, v16  }
0x4f: {  	v9 =	vmul.f32 v9, v16;
	v10 =	vsub.f32 v10, v13;
	v4 =	vsub.f32 v14, v4  }
0x50: {  	v8 =	vsub.f32 v19, v8;
	v6 =	vsub.f32 v20, v6;
	v13 =	vmul.f32 v17, v16;
	v14 =	vld [tilespmem:s2+$0xFFFFFE00]  }
0x51: {  	v10 =	vsub.f32 v12, v10;
	v7 =	vsub.f32 v7, v4;
	v12 =	vld [tilespmem:s2+$0xFFFFFE10]  }
0x52: {  	v4 =	vimm.s32 $0x4;
	v8 =	vsub.f32 v9, v8;
	v6 =	vsub.f32 v13, v6;
	v9 =	vld [tilespmem:s2+$0xFFFFFE20]  }
0x53: {  	v19 =	vld [tilespmem:s2+$0xFFFFFE30];
	v17 =	vperm.xlane v5, v4;
	v13 =	vadd.f32 v10, v11;
	v16 =	vadd.f32 v7, v15  }
0x54: {  	v20 =	vadd.f32 v8, v18;
	v22 =	vadd.f32 v6, v21  }
0x55: {  	v14 =	vmul.f32 v14, v17;
	v11 =	vsub.f32 v13, v11;
	v15 =	vsub.f32 v16, v15  }
0x56: {  	v18 =	vsub.f32 v20, v18;
	v21 =	vsub.f32 v22, v21;
	v12 =	vmul.f32 v12, v17  }
0x57: {  	v9 =	vmul.f32 v9, v17;
	v10 =	vsub.f32 v11, v10;
	v7 =	vsub.f32 v15, v7  }
0x58: {  	v8 =	vsub.f32 v18, v8;
	v11 =	vsub.f32 v21, v6;
	v15 =	vmul.f32 v19, v17;
	v17 =	vld [tilespmem:s2+$0xFFFFFE80]  }
0x59: {  	v10 =	vsub.f32 v14, v10;
	v7 =	vsub.f32 v12, v7;
	v12 =	vld [tilespmem:s2+$0xFFFFFE90]  }
0x5a: {  	v6 =	vimm.s32 $0x5;
	v8 =	vsub.f32 v9, v8;
	v9 =	vsub.f32 v15, v11;
	v11 =	vld [tilespmem:s2+$0xFFFFFEA0]  }
0x5b: {  	v19 =	vld [tilespmem:s2+$0xFFFFFEB0];
	v18 =	vperm.xlane v5, v6;
	v14 =	vadd.f32 v10, v13;
	v15 =	vadd.f32 v7, v16  }
0x5c: {  	v21 =	vadd.f32 v8, v20;
	v23 =	vadd.f32 v9, v22  }
0x5d: {  	v17 =	vmul.f32 v17, v18;
	v13 =	vsub.f32 v14, v13;
	v16 =	vsub.f32 v15, v16  }
0x5e: {  	v20 =	vsub.f32 v21, v20;
	v22 =	vsub.f32 v23, v22;
	v12 =	vmul.f32 v12, v18  }
0x5f: {  	v11 =	vmul.f32 v11, v18;
	v10 =	vsub.f32 v13, v10;
	v7 =	vsub.f32 v16, v7  }
0x60: {  	v8 =	vsub.f32 v20, v8;
	v9 =	vsub.f32 v22, v9;
	v13 =	vmul.f32 v19, v18;
	v16 =	vld [tilespmem:s2+$0xFFFFFF00]  }
0x61: {  	v10 =	vsub.f32 v17, v10;
	v12 =	vsub.f32 v12, v7;
	v17 =	vld [tilespmem:s2+$0xFFFFFF10]  }
0x62: {  	v7 =	vimm.s32 $0x6;
	v8 =	vsub.f32 v11, v8;
	v9 =	vsub.f32 v13, v9;
	v11 =	vld [tilespmem:s2+$0xFFFFFF20]  }
0x63: {  	v20 =	vld [tilespmem:s2+$0xFFFFFF30];
	v19 =	vperm.xlane v5, v7;
	v13 =	vadd.f32 v10, v14;
	v18 =	vadd.f32 v12, v15  }
0x64: {  	v22 =	vadd.f32 v8, v21;
	v24 =	vadd.f32 v9, v23  }
0x65: {  	v16 =	vmul.f32 v16, v19;
	v14 =	vsub.f32 v13, v14;
	v15 =	vsub.f32 v18, v15  }
0x66: {  	v21 =	vsub.f32 v22, v21;
	v23 =	vsub.f32 v24, v23;
	v17 =	vmul.f32 v17, v19  }
0x67: {  	v11 =	vmul.f32 v11, v19;
	v10 =	vsub.f32 v14, v10;
	v12 =	vsub.f32 v15, v12  }
0x68: {  	v14 =	vsub.f32 v21, v8;
	v9 =	vsub.f32 v23, v9;
	v15 =	vmul.f32 v20, v19;
	v19 =	vld [tilespmem:s2+$0xFFFFFF80]  }
0x69: {  	v10 =	vsub.f32 v16, v10;
	v12 =	vsub.f32 v17, v12;
	v16 =	vld [tilespmem:s2+$0xFFFFFF90]  }
0x6a: {  	v8 =	vimm.s32 $0x7;
	v11 =	vsub.f32 v11, v14;
	v9 =	vsub.f32 v15, v9;
	v14 =	vld [tilespmem:s2+$0xFFFFFFA0]  }
0x6b: {  	v21 =	vld [tilespmem:s2+$0xFFFFFFB0];
	v20 =	vperm.xlane v5, v8;
	v15 =	vadd.f32 v10, v13;
	v17 =	vadd.f32 v12, v18  }
0x6c: {  	v23 =	vadd.f32 v11, v22;
	v25 =	vadd.f32 v9, v24  }
0x6d: {  	v19 =	vmul.f32 v19, v20;
	v13 =	vsub.f32 v15, v13;
	v18 =	vsub.f32 v17, v18  }
0x6e: {  	v22 =	vsub.f32 v23, v22;
	v24 =	vsub.f32 v25, v24;
	v16 =	vmul.f32 v16, v20  }
0x6f: {  	v10 =	vsub.f32 v13, v10;
	v12 =	vsub.f32 v18, v12;
	v13 =	vmul.f32 v14, v20  }
0x70: {  	v11 =	vsub.f32 v22, v11;
	v14 =	vsub.f32 v24, v9;
	v18 =	vmul.f32 v21, v20;
	v20 =	vld [tilespmem:s2+$0x0]  }
0x71: {  	v10 =	vsub.f32 v19, v10;
	v12 =	vsub.f32 v16, v12;
	v16 =	vld [tilespmem:s2+$0x10]  }
0x72: {  	v9 =	vimm.s32 $0x8;
	v11 =	vsub.f32 v13, v11;
	v13 =	vsub.f32 v18, v14;
	v14 =	vld [tilespmem:s2+$0x20]  }
0x73: {  	v22 =	vld [tilespmem:s2+$0x30];
	v21 =	vperm.xlane v5, v9;
	v18 =	vadd.f32 v10, v15;
	v19 =	vadd.f32 v12, v17  }
0x74: {  	v24 =	vadd.f32 v11, v23;
	v26 =	vadd.f32 v13, v25  }
0x75: {  	v20 =	vmul.f32 v20, v21;
	v15 =	vsub.f32 v18, v15;
	v17 =	vsub.f32 v19, v17  }
0x76: {  	v23 =	vsub.f32 v24, v23;
	v25 =	vsub.f32 v26, v25;
	v16 =	vmul.f32 v16, v21  }
0x77: {  	v14 =	vmul.f32 v14, v21;
	v10 =	vsub.f32 v15, v10;
	v12 =	vsub.f32 v17, v12  }
0x78: {  	v11 =	vsub.f32 v23, v11;
	v13 =	vsub.f32 v25, v13;
	v15 =	vmul.f32 v22, v21;
	v17 =	vld [tilespmem:s2+$0x80]  }
0x79: {  	v20 =	vsub.f32 v20, v10;
	v12 =	vsub.f32 v16, v12;
	v16 =	vld [tilespmem:s2+$0x90]  }
0x7a: {  	v10 =	vimm.s32 $0x9;
	v11 =	vsub.f32 v14, v11;
	v13 =	vsub.f32 v15, v13;
	v14 =	vld [tilespmem:s2+$0xA0]  }
0x7b: {  	v23 =	vld [tilespmem:s2+$0xB0];
	v22 =	vperm.xlane v5, v10;
	v15 =	vadd.f32 v20, v18;
	v21 =	vadd.f32 v12, v19  }
0x7c: {  	v25 =	vadd.f32 v11, v24;
	v27 =	vadd.f32 v13, v26  }
0x7d: {  	v17 =	vmul.f32 v17, v22;
	v18 =	vsub.f32 v15, v18;
	v19 =	vsub.f32 v21, v19  }
0x7e: {  	v24 =	vsub.f32 v25, v24;
	v26 =	vsub.f32 v27, v26;
	v16 =	vmul.f32 v16, v22  }
0x7f: {  	v14 =	vmul.f32 v14, v22;
	v18 =	vsub.f32 v18, v20;
	v12 =	vsub.f32 v19, v12  }
0x80: {  	v19 =	vsub.f32 v24, v11;
	v13 =	vsub.f32 v26, v13;
	v20 =	vmul.f32 v23, v22;
	v22 =	vld [tilespmem:s2+$0x100]  }
0x81: {  	v17 =	vsub.f32 v17, v18;
	v12 =	vsub.f32 v16, v12;
	v16 =	vld [tilespmem:s2+$0x110]  }
0x82: {  	v11 =	vimm.s32 $0xA;
	v14 =	vsub.f32 v14, v19;
	v13 =	vsub.f32 v20, v13;
	v18 =	vld [tilespmem:s2+$0x120]  }
0x83: {  	v24 =	vld [tilespmem:s2+$0x130];
	v23 =	vperm.xlane v5, v11;
	v19 =	vadd.f32 v17, v15;
	v20 =	vadd.f32 v12, v21  }
0x84: {  	v26 =	vadd.f32 v14, v25;
	v28 =	vadd.f32 v13, v27  }
0x85: {  	v22 =	vmul.f32 v22, v23;
	v15 =	vsub.f32 v19, v15;
	v21 =	vsub.f32 v20, v21  }
0x86: {  	v25 =	vsub.f32 v26, v25;
	v27 =	vsub.f32 v28, v27;
	v16 =	vmul.f32 v16, v23  }
0x87: {  	v15 =	vsub.f32 v15, v17;
	v12 =	vsub.f32 v21, v12;
	v17 =	vmul.f32 v18, v23  }
0x88: {  	v14 =	vsub.f32 v25, v14;
	v13 =	vsub.f32 v27, v13;
	v18 =	vmul.f32 v24, v23;
	v21 =	vld [tilespmem:s2+$0x180]  }
0x89: {  	v15 =	vsub.f32 v22, v15;
	v16 =	vsub.f32 v16, v12;
	v22 =	vld [tilespmem:s2+$0x190]  }
0x8a: {  	v12 =	vimm.s32 $0xB;
	v14 =	vsub.f32 v17, v14;
	v13 =	vsub.f32 v18, v13;
	v17 =	vld [tilespmem:s2+$0x1A0]  }
0x8b: {  	v25 =	vld [tilespmem:s2+$0x1B0];
	v24 =	vperm.xlane v5, v12;
	v18 =	vadd.f32 v15, v19;
	v23 =	vadd.f32 v16, v20  }
0x8c: {  	v27 =	vadd.f32 v14, v26;
	v29 =	vadd.f32 v13, v28  }
0x8d: {  	v21 =	vmul.f32 v21, v24;
	v19 =	vsub.f32 v18, v19;
	v20 =	vsub.f32 v23, v20  }
0x8e: {  	v26 =	vsub.f32 v27, v26;
	v28 =	vsub.f32 v29, v28;
	v22 =	vmul.f32 v22, v24  }
0x8f: {  	v17 =	vmul.f32 v17, v24;
	v15 =	vsub.f32 v19, v15;
	v16 =	vsub.f32 v20, v16  }
0x90: {  	v14 =	vsub.f32 v26, v14;
	v19 =	vsub.f32 v28, v13;
	v20 =	vmul.f32 v25, v24;
	v24 =	vld [tilespmem:s2+$0x200]  }
0x91: {  	v15 =	vsub.f32 v21, v15;
	v16 =	vsub.f32 v22, v16;
	v21 =	vld [tilespmem:s2+$0x210]  }
0x92: {  	v13 =	vimm.s32 $0xC;
	v14 =	vsub.f32 v17, v14;
	v17 =	vsub.f32 v20, v19;
	v19 =	vld [tilespmem:s2+$0x220]  }
0x93: {  	v26 =	vld [tilespmem:s2+$0x230];
	v25 =	vperm.xlane v5, v13;
	v20 =	vadd.f32 v15, v18;
	v22 =	vadd.f32 v16, v23  }
0x94: {  	v28 =	vadd.f32 v14, v27;
	v30 =	vadd.f32 v17, v29  }
0x95: {  	v24 =	vmul.f32 v24, v25;
	v18 =	vsub.f32 v20, v18;
	v23 =	vsub.f32 v22, v23  }
0x96: {  	v27 =	vsub.f32 v28, v27;
	v29 =	vsub.f32 v30, v29;
	v21 =	vmul.f32 v21, v25  }
0x97: {  	v15 =	vsub.f32 v18, v15;
	v16 =	vsub.f32 v23, v16;
	v18 =	vmul.f32 v19, v25  }
0x98: {  	v19 =	vsub.f32 v27, v14;
	v17 =	vsub.f32 v29, v17;
	v23 =	vmul.f32 v26, v25;
	v25 =	vld [tilespmem:s2+$0x280]  }
0x99: {  	v15 =	vsub.f32 v24, v15;
	v16 =	vsub.f32 v21, v16;
	v21 =	vld [tilespmem:s2+$0x290]  }
0x9a: {  	v14 =	vimm.s32 $0xD;
	v18 =	vsub.f32 v18, v19;
	v17 =	vsub.f32 v23, v17;
	v19 =	vld [tilespmem:s2+$0x2A0]  }
0x9b: {  	v27 =	vld [tilespmem:s2+$0x2B0];
	v26 =	vperm.xlane v5, v14;
	v23 =	vadd.f32 v15, v20;
	v24 =	vadd.f32 v16, v22  }
0x9c: {  	v29 =	vadd.f32 v18, v28;
	v31 =	vadd.f32 v17, v30  }
0x9d: {  	v25 =	vmul.f32 v25, v26;
	v20 =	vsub.f32 v23, v20;
	v22 =	vsub.f32 v24, v22  }
0x9e: {  	v28 =	vsub.f32 v29, v28;
	v30 =	vsub.f32 v31, v30;
	v21 =	vmul.f32 v21, v26  }
0x9f: {  	v19 =	vmul.f32 v19, v26;
	v15 =	vsub.f32 v20, v15;
	v16 =	vsub.f32 v22, v16  }
0xa0: {  	v18 =	vsub.f32 v28, v18;
	v17 =	vsub.f32 v30, v17;
	v20 =	vmul.f32 v27, v26;
	v22 =	vld [tilespmem:s2+$0x300]  }
0xa1: {  	v28 =	vld [tilespmem:s2+$0x320];
	v25 =	vsub.f32 v25, v15;
	v16 =	vsub.f32 v21, v16  }
0xa2: {  	v21 =	vld [tilespmem:s2+$0x310];
	v15 =	vimm.s32 $0xE;
	v26 =	vsub.f32 v19, v18;
	v27 =	vsub.f32 v20, v17  }
0xa3: {  	s29 =	simm.s32 $0x40;
	v32 =	vld [tilespmem:s2+$0x330];
	v30 =	vperm.xlane v5, v15;
	v20 =	vadd.f32 v25, v23;
	v18 =	vadd.f32 v16, v24  }
0xa4: {  	s30 =	sand.u32 $0x200, s29;
	s3 =	simm.s32 $0x10;
	v19 =	vadd.f32 v26, v29;
	v17 =	vadd.f32 v27, v31  }
0xa5: {  	s4 =	sshrl.u32 s30, $0x2;
	s31 =	sand.u32 $0x70, s3;
	v22 =	vmul.f32 v22, v30;
	v23 =	vsub.f32 v20, v23;
	v33 =	vsub.f32 v18, v24  }
0xa6: {  	s4 =	sor.u32 s31, s4;
	v63 =	vmul.f32 v28, v30;
	v29 =	vsub.f32 v19, v29;
	v31 =	vsub.f32 v17, v31  }
0xa7: {  	v24 =	vld [tilespmem:s4+$0x80];
	v21 =	vmul.f32 v21, v30;
	v23 =	vsub.f32 v23, v25;
	v16 =	vsub.f32 v33, v16  }
0xa8: {  	v28 =	vld [tilespmem:s2+$0x380];
	v30 =	vmul.f32 v32, v30;
	v29 =	vsub.f32 v29, v26;
	v31 =	vsub.f32 v31, v27  }
0xa9: {  	v26 =	vld [tilespmem:s2+$0x390];
	v27 =	vsub.f32 v22, v23;
	v25 =	vsub.f32 v21, v16  }
0xaa: {  	s4 =	simm.s32 $0x80;
	v16 =	vimm.s32 $0xF;
	v22 =	vsub.f32 v63, v29;
	v21 =	vsub.f32 v30, v31;
	v23 =	vld [tilespmem:s2+$0x3A0]  }
.LBB2_2:
0xab: {  	p1 =	sne.s32 s4, $0x3C0;
	v29 =	vadd.f32 v27, v20;
	v30 =	vadd.f32 v25, v18;
	v5 =	vperm.xlane v5, v16;
	v31 =	vld [tilespmem:s2+$0x3B0]  }
0xac: {  	v32 =	vshrl.u32 v24, $0x10;
	v33 =	vadd.f32 v22, v19;
	v34 =	vadd.f32 v21, v17  }
0xad: {  	v20 =	vsub.f32 v29, v20;
	v18 =	vsub.f32 v30, v18;
	v28 =	vmul.f32 v28, v5  }
0xae: {  	v19 =	vsub.f32 v33, v19;
	v17 =	vsub.f32 v34, v17;
	v26 =	vmul.f32 v26, v5  }
0xaf: {  	v20 =	vsub.f32 v20, v27;
	v18 =	vsub.f32 v18, v25;
	v23 =	vmul.f32 v23, v5  }
0xb0: {  	s2 =	sadd.s32 $0x800, s2;
	v19 =	vsub.f32 v19, v22;
	v17 =	vsub.f32 v17, v21;
	v5 =	vmul.f32 v31, v5  }
0xb1: {  	v21 =	vand.u32 $0x1, v32;
	v22 =	vld [tilespmem:s2+$0xFFFFFC00];
	v20 =	vsub.f32 v28, v20;
	v18 =	vsub.f32 v26, v18  }
0xb2: {  	v21 =	vadd.s32 v21, v24;
	v24 =	vld [tilespmem:s2+$0xFFFFFC10];
	v19 =	vsub.f32 v23, v19;
	v17 =	vsub.f32 v5, v17  }
0xb3: {  	v5 =	vadd.s32 $0x7FFF, v21;
	v21 =	vld [tilespmem:s2+$0xFFFFFC20];
	v23 =	vadd.f32 v20, v29;
	v25 =	vadd.f32 v18, v30  }
0xb4: {  	v5 =	vand.u32 $0xFFFF0000, v5;
	v26 =	vld [tilespmem:s2+$0xFFFFFC30];
	v27 =	vadd.f32 v19, v33;
	v28 =	vadd.f32 v17, v34  }
0xb5: {  	v31 =	vperm.xlane v5, v1;
	v29 =	vsub.f32 v23, v29;
	v30 =	vsub.f32 v25, v30  }
0xb6: {  	v32 =	vsub.f32 v27, v33;
	v33 =	vsub.f32 v28, v34  }
0xb7: {  	v22 =	vmul.f32 v22, v31;
	v20 =	vsub.f32 v29, v20;
	v18 =	vsub.f32 v30, v18  }
0xb8: {  	v24 =	vmul.f32 v24, v31;
	v19 =	vsub.f32 v32, v19;
	v17 =	vsub.f32 v33, v17  }
0xb9: {  	v21 =	vmul.f32 v21, v31;
	v26 =	vmul.f32 v26, v31;
	v29 =	vld [tilespmem:s2+$0xFFFFFC80]  }
0xba: {  	v20 =	vsub.f32 v22, v20;
	v18 =	vsub.f32 v24, v18;
	v22 =	vld [tilespmem:s2+$0xFFFFFC90]  }
0xbb: {  	v19 =	vsub.f32 v21, v19;
	v17 =	vsub.f32 v26, v17;
	v21 =	vld [tilespmem:s2+$0xFFFFFCA0]  }
0xbc: {  	v30 =	vperm.xlane v5, v0;
	v24 =	vadd.f32 v20, v23;
	v26 =	vadd.f32 v18, v25;
	v31 =	vld [tilespmem:s2+$0xFFFFFCB0]  }
0xbd: {  	v32 =	vadd.f32 v19, v27;
	v33 =	vadd.f32 v17, v28  }
0xbe: {  	v23 =	vsub.f32 v24, v23;
	v25 =	vsub.f32 v26, v25;
	v29 =	vmul.f32 v29, v30  }
0xbf: {  	v27 =	vsub.f32 v32, v27;
	v28 =	vsub.f32 v33, v28;
	v22 =	vmul.f32 v22, v30  }
0xc0: {  	v20 =	vsub.f32 v23, v20;
	v18 =	vsub.f32 v25, v18;
	v21 =	vmul.f32 v21, v30  }
0xc1: {  	v19 =	vsub.f32 v27, v19;
	v17 =	vsub.f32 v28, v17;
	v23 =	vmul.f32 v31, v30;
	v25 =	vld [tilespmem:s2+$0xFFFFFD00]  }
0xc2: {  	v20 =	vsub.f32 v29, v20;
	v18 =	vsub.f32 v22, v18;
	v22 =	vld [tilespmem:s2+$0xFFFFFD10]  }
0xc3: {  	v19 =	vsub.f32 v21, v19;
	v17 =	vsub.f32 v23, v17;
	v21 =	vld [tilespmem:s2+$0xFFFFFD20]  }
0xc4: {  	v28 =	vperm.xlane v5, v2;
	v23 =	vadd.f32 v20, v24;
	v27 =	vadd.f32 v18, v26;
	v29 =	vld [tilespmem:s2+$0xFFFFFD30]  }
0xc5: {  	v30 =	vadd.f32 v19, v32;
	v31 =	vadd.f32 v17, v33  }
0xc6: {  	v24 =	vsub.f32 v23, v24;
	v26 =	vsub.f32 v27, v26;
	v25 =	vmul.f32 v25, v28  }
0xc7: {  	v32 =	vsub.f32 v30, v32;
	v33 =	vsub.f32 v31, v33;
	v22 =	vmul.f32 v22, v28  }
0xc8: {  	v20 =	vsub.f32 v24, v20;
	v18 =	vsub.f32 v26, v18;
	v21 =	vmul.f32 v21, v28  }
0xc9: {  	v19 =	vsub.f32 v32, v19;
	v17 =	vsub.f32 v33, v17;
	v24 =	vmul.f32 v29, v28;
	v26 =	vld [tilespmem:s2+$0xFFFFFD80]  }
0xca: {  	v20 =	vsub.f32 v25, v20;
	v18 =	vsub.f32 v22, v18;
	v22 =	vld [tilespmem:s2+$0xFFFFFD90]  }
0xcb: {  	v19 =	vsub.f32 v21, v19;
	v17 =	vsub.f32 v24, v17;
	v21 =	vld [tilespmem:s2+$0xFFFFFDA0]  }
0xcc: {  	v28 =	vperm.xlane v5, v3;
	v24 =	vadd.f32 v20, v23;
	v25 =	vadd.f32 v18, v27;
	v29 =	vld [tilespmem:s2+$0xFFFFFDB0]  }
0xcd: {  	v32 =	vadd.f32 v19, v30;
	v33 =	vadd.f32 v17, v31  }
0xce: {  	v23 =	vsub.f32 v24, v23;
	v27 =	vsub.f32 v25, v27;
	v26 =	vmul.f32 v26, v28  }
0xcf: {  	v30 =	vsub.f32 v32, v30;
	v31 =	vsub.f32 v33, v31;
	v22 =	vmul.f32 v22, v28  }
0xd0: {  	v20 =	vsub.f32 v23, v20;
	v18 =	vsub.f32 v27, v18;
	v21 =	vmul.f32 v21, v28  }
0xd1: {  	v19 =	vsub.f32 v30, v19;
	v17 =	vsub.f32 v31, v17;
	v23 =	vmul.f32 v29, v28;
	v27 =	vld [tilespmem:s2+$0xFFFFFE00]  }
0xd2: {  	v20 =	vsub.f32 v26, v20;
	v18 =	vsub.f32 v22, v18;
	v22 =	vld [tilespmem:s2+$0xFFFFFE10]  }
0xd3: {  	v19 =	vsub.f32 v21, v19;
	v17 =	vsub.f32 v23, v17;
	v21 =	vld [tilespmem:s2+$0xFFFFFE20]  }
0xd4: {  	v28 =	vperm.xlane v5, v4;
	v23 =	vadd.f32 v20, v24;
	v26 =	vadd.f32 v18, v25;
	v29 =	vld [tilespmem:s2+$0xFFFFFE30]  }
0xd5: {  	v30 =	vadd.f32 v19, v32;
	v31 =	vadd.f32 v17, v33  }
0xd6: {  	v24 =	vsub.f32 v23, v24;
	v25 =	vsub.f32 v26, v25;
	v27 =	vmul.f32 v27, v28  }
0xd7: {  	v32 =	vsub.f32 v30, v32;
	v33 =	vsub.f32 v31, v33;
	v22 =	vmul.f32 v22, v28  }
0xd8: {  	v20 =	vsub.f32 v24, v20;
	v18 =	vsub.f32 v25, v18;
	v21 =	vmul.f32 v21, v28  }
0xd9: {  	v19 =	vsub.f32 v32, v19;
	v17 =	vsub.f32 v33, v17;
	v24 =	vmul.f32 v29, v28;
	v25 =	vld [tilespmem:s2+$0xFFFFFE80]  }
0xda: {  	v20 =	vsub.f32 v27, v20;
	v18 =	vsub.f32 v22, v18;
	v22 =	vld [tilespmem:s2+$0xFFFFFE90]  }
0xdb: {  	v19 =	vsub.f32 v21, v19;
	v17 =	vsub.f32 v24, v17;
	v21 =	vld [tilespmem:s2+$0xFFFFFEA0]  }
0xdc: {  	v28 =	vperm.xlane v5, v6;
	v24 =	vadd.f32 v20, v23;
	v27 =	vadd.f32 v18, v26;
	v29 =	vld [tilespmem:s2+$0xFFFFFEB0]  }
0xdd: {  	v32 =	vadd.f32 v19, v30;
	v33 =	vadd.f32 v17, v31  }
0xde: {  	v23 =	vsub.f32 v24, v23;
	v26 =	vsub.f32 v27, v26;
	v25 =	vmul.f32 v25, v28  }
0xdf: {  	v30 =	vsub.f32 v32, v30;
	v31 =	vsub.f32 v33, v31;
	v22 =	vmul.f32 v22, v28  }
0xe0: {  	v20 =	vsub.f32 v23, v20;
	v18 =	vsub.f32 v26, v18;
	v21 =	vmul.f32 v21, v28  }
0xe1: {  	v19 =	vsub.f32 v30, v19;
	v17 =	vsub.f32 v31, v17;
	v23 =	vmul.f32 v29, v28;
	v26 =	vld [tilespmem:s2+$0xFFFFFF00]  }
0xe2: {  	v20 =	vsub.f32 v25, v20;
	v18 =	vsub.f32 v22, v18;
	v22 =	vld [tilespmem:s2+$0xFFFFFF10]  }
0xe3: {  	v19 =	vsub.f32 v21, v19;
	v17 =	vsub.f32 v23, v17;
	v21 =	vld [tilespmem:s2+$0xFFFFFF20]  }
0xe4: {  	v28 =	vperm.xlane v5, v7;
	v23 =	vadd.f32 v20, v24;
	v25 =	vadd.f32 v18, v27;
	v29 =	vld [tilespmem:s2+$0xFFFFFF30]  }
0xe5: {  	v30 =	vadd.f32 v19, v32;
	v31 =	vadd.f32 v17, v33  }
0xe6: {  	v24 =	vsub.f32 v23, v24;
	v27 =	vsub.f32 v25, v27;
	v26 =	vmul.f32 v26, v28  }
0xe7: {  	v32 =	vsub.f32 v30, v32;
	v33 =	vsub.f32 v31, v33;
	v22 =	vmul.f32 v22, v28  }
0xe8: {  	v20 =	vsub.f32 v24, v20;
	v18 =	vsub.f32 v27, v18;
	v21 =	vmul.f32 v21, v28  }
0xe9: {  	v19 =	vsub.f32 v32, v19;
	v17 =	vsub.f32 v33, v17;
	v24 =	vmul.f32 v29, v28;
	v27 =	vld [tilespmem:s2+$0xFFFFFF80]  }
0xea: {  	v20 =	vsub.f32 v26, v20;
	v18 =	vsub.f32 v22, v18;
	v22 =	vld [tilespmem:s2+$0xFFFFFF90]  }
0xeb: {  	v19 =	vsub.f32 v21, v19;
	v17 =	vsub.f32 v24, v17;
	v21 =	vld [tilespmem:s2+$0xFFFFFFA0]  }
0xec: {  	v28 =	vperm.xlane v5, v8;
	v24 =	vadd.f32 v20, v23;
	v26 =	vadd.f32 v18, v25;
	v29 =	vld [tilespmem:s2+$0xFFFFFFB0]  }
0xed: {  	v32 =	vadd.f32 v19, v30;
	v33 =	vadd.f32 v17, v31  }
0xee: {  	v23 =	vsub.f32 v24, v23;
	v25 =	vsub.f32 v26, v25;
	v27 =	vmul.f32 v27, v28  }
0xef: {  	v30 =	vsub.f32 v32, v30;
	v31 =	vsub.f32 v33, v31;
	v22 =	vmul.f32 v22, v28  }
0xf0: {  	v20 =	vsub.f32 v23, v20;
	v18 =	vsub.f32 v25, v18;
	v21 =	vmul.f32 v21, v28  }
0xf1: {  	v19 =	vsub.f32 v30, v19;
	v17 =	vsub.f32 v31, v17;
	v23 =	vmul.f32 v29, v28;
	v25 =	vld [tilespmem:s2+$0x0]  }
0xf2: {  	v20 =	vsub.f32 v27, v20;
	v18 =	vsub.f32 v22, v18;
	v22 =	vld [tilespmem:s2+$0x10]  }
0xf3: {  	v19 =	vsub.f32 v21, v19;
	v17 =	vsub.f32 v23, v17;
	v21 =	vld [tilespmem:s2+$0x20]  }
0xf4: {  	v28 =	vperm.xlane v5, v9;
	v23 =	vadd.f32 v20, v24;
	v27 =	vadd.f32 v18, v26;
	v29 =	vld [tilespmem:s2+$0x30]  }
0xf5: {  	v30 =	vadd.f32 v19, v32;
	v31 =	vadd.f32 v17, v33  }
0xf6: {  	v24 =	vsub.f32 v23, v24;
	v26 =	vsub.f32 v27, v26;
	v25 =	vmul.f32 v25, v28  }
0xf7: {  	v32 =	vsub.f32 v30, v32;
	v33 =	vsub.f32 v31, v33;
	v22 =	vmul.f32 v22, v28  }
0xf8: {  	v20 =	vsub.f32 v24, v20;
	v18 =	vsub.f32 v26, v18;
	v21 =	vmul.f32 v21, v28  }
0xf9: {  	v19 =	vsub.f32 v32, v19;
	v17 =	vsub.f32 v33, v17;
	v24 =	vmul.f32 v29, v28;
	v26 =	vld [tilespmem:s2+$0x80]  }
0xfa: {  	v20 =	vsub.f32 v25, v20;
	v18 =	vsub.f32 v22, v18;
	v22 =	vld [tilespmem:s2+$0x90]  }
0xfb: {  	v19 =	vsub.f32 v21, v19;
	v17 =	vsub.f32 v24, v17;
	v21 =	vld [tilespmem:s2+$0xA0]  }
0xfc: {  	v28 =	vperm.xlane v5, v10;
	v24 =	vadd.f32 v20, v23;
	v25 =	vadd.f32 v18, v27;
	v29 =	vld [tilespmem:s2+$0xB0]  }
0xfd: {  	v32 =	vadd.f32 v19, v30;
	v33 =	vadd.f32 v17, v31  }
0xfe: {  	v23 =	vsub.f32 v24, v23;
	v27 =	vsub.f32 v25, v27;
	v26 =	vmul.f32 v26, v28  }
0xff: {  	v30 =	vsub.f32 v32, v30;
	v31 =	vsub.f32 v33, v31;
	v22 =	vmul.f32 v22, v28  }
0x100: {  	v20 =	vsub.f32 v23, v20;
	v18 =	vsub.f32 v27, v18;
	v21 =	vmul.f32 v21, v28  }
0x101: {  	v19 =	vsub.f32 v30, v19;
	v17 =	vsub.f32 v31, v17;
	v23 =	vmul.f32 v29, v28;
	v27 =	vld [tilespmem:s2+$0x100]  }
0x102: {  	v20 =	vsub.f32 v26, v20;
	v18 =	vsub.f32 v22, v18;
	v22 =	vld [tilespmem:s2+$0x110]  }
0x103: {  	v19 =	vsub.f32 v21, v19;
	v17 =	vsub.f32 v23, v17;
	v21 =	vld [tilespmem:s2+$0x120]  }
0x104: {  	v28 =	vperm.xlane v5, v11;
	v23 =	vadd.f32 v20, v24;
	v26 =	vadd.f32 v18, v25;
	v29 =	vld [tilespmem:s2+$0x130]  }
0x105: {  	v30 =	vadd.f32 v19, v32;
	v31 =	vadd.f32 v17, v33  }
0x106: {  	v24 =	vsub.f32 v23, v24;
	v25 =	vsub.f32 v26, v25;
	v27 =	vmul.f32 v27, v28  }
0x107: {  	v32 =	vsub.f32 v30, v32;
	v33 =	vsub.f32 v31, v33;
	v22 =	vmul.f32 v22, v28  }
0x108: {  	v20 =	vsub.f32 v24, v20;
	v18 =	vsub.f32 v25, v18;
	v21 =	vmul.f32 v21, v28  }
0x109: {  	v19 =	vsub.f32 v32, v19;
	v17 =	vsub.f32 v33, v17;
	v24 =	vmul.f32 v29, v28;
	v25 =	vld [tilespmem:s2+$0x180]  }
0x10a: {  	v20 =	vsub.f32 v27, v20;
	v18 =	vsub.f32 v22, v18;
	v22 =	vld [tilespmem:s2+$0x190]  }
0x10b: {  	v19 =	vsub.f32 v21, v19;
	v17 =	vsub.f32 v24, v17;
	v21 =	vld [tilespmem:s2+$0x1A0]  }
0x10c: {  	v28 =	vperm.xlane v5, v12;
	v24 =	vadd.f32 v20, v23;
	v27 =	vadd.f32 v18, v26;
	v29 =	vld [tilespmem:s2+$0x1B0]  }
0x10d: {  	v32 =	vadd.f32 v19, v30;
	v33 =	vadd.f32 v17, v31  }
0x10e: {  	v23 =	vsub.f32 v24, v23;
	v26 =	vsub.f32 v27, v26;
	v25 =	vmul.f32 v25, v28  }
0x10f: {  	v30 =	vsub.f32 v32, v30;
	v31 =	vsub.f32 v33, v31;
	v22 =	vmul.f32 v22, v28  }
0x110: {  	v20 =	vsub.f32 v23, v20;
	v18 =	vsub.f32 v26, v18;
	v21 =	vmul.f32 v21, v28  }
0x111: {  	v19 =	vsub.f32 v30, v19;
	v17 =	vsub.f32 v31, v17;
	v23 =	vmul.f32 v29, v28;
	v26 =	vld [tilespmem:s2+$0x200]  }
0x112: {  	v20 =	vsub.f32 v25, v20;
	v18 =	vsub.f32 v22, v18;
	v22 =	vld [tilespmem:s2+$0x210]  }
0x113: {  	v19 =	vsub.f32 v21, v19;
	v17 =	vsub.f32 v23, v17;
	v21 =	vld [tilespmem:s2+$0x220]  }
0x114: {  	v28 =	vperm.xlane v5, v13;
	v23 =	vadd.f32 v20, v24;
	v25 =	vadd.f32 v18, v27;
	v29 =	vld [tilespmem:s2+$0x230]  }
0x115: {  	v30 =	vadd.f32 v19, v32;
	v31 =	vadd.f32 v17, v33  }
0x116: {  	v24 =	vsub.f32 v23, v24;
	v27 =	vsub.f32 v25, v27;
	v26 =	vmul.f32 v26, v28  }
0x117: {  	v32 =	vsub.f32 v30, v32;
	v33 =	vsub.f32 v31, v33;
	v22 =	vmul.f32 v22, v28  }
0x118: {  	v20 =	vsub.f32 v24, v20;
	v18 =	vsub.f32 v27, v18;
	v21 =	vmul.f32 v21, v28  }
0x119: {  	v19 =	vsub.f32 v32, v19;
	v17 =	vsub.f32 v33, v17;
	v24 =	vmul.f32 v29, v28;
	v27 =	vld [tilespmem:s2+$0x280]  }
0x11a: {  	v20 =	vsub.f32 v26, v20;
	v18 =	vsub.f32 v22, v18;
	v22 =	vld [tilespmem:s2+$0x290]  }
0x11b: {  	v19 =	vsub.f32 v21, v19;
	v17 =	vsub.f32 v24, v17;
	v21 =	vld [tilespmem:s2+$0x2A0]  }
0x11c: {  	v28 =	vperm.xlane v5, v14;
	v24 =	vadd.f32 v20, v23;
	v26 =	vadd.f32 v18, v25;
	v29 =	vld [tilespmem:s2+$0x2B0]  }
0x11d: {  	v32 =	vadd.f32 v19, v30;
	v33 =	vadd.f32 v17, v31  }
0x11e: {  	v23 =	vsub.f32 v24, v23;
	v25 =	vsub.f32 v26, v25;
	v27 =	vmul.f32 v27, v28  }
0x11f: {  	v30 =	vsub.f32 v32, v30;
	v31 =	vsub.f32 v33, v31;
	v22 =	vmul.f32 v22, v28  }
0x120: {  	v20 =	vsub.f32 v23, v20;
	v18 =	vsub.f32 v25, v18;
	v21 =	vmul.f32 v21, v28  }
0x121: {  	v19 =	vsub.f32 v30, v19;
	v17 =	vsub.f32 v31, v17;
	v23 =	vmul.f32 v29, v28;
	v25 =	vld [tilespmem:s2+$0x300]  }
0x122: {  	v27 =	vsub.f32 v27, v20;
	v22 =	vsub.f32 v22, v18;
	v28 =	vld [tilespmem:s2+$0x310]  }
0x123: {  	v21 =	vsub.f32 v21, v19;
	v23 =	vsub.f32 v23, v17;
	v29 =	vld [tilespmem:s2+$0x320]  }
0x124: {  	v30 =	vperm.xlane v5, v15;
	v20 =	vadd.f32 v27, v24;
	v18 =	vadd.f32 v22, v26;
	v31 =	vld [tilespmem:s2+$0x330]  }
0x125: {  	s5 =	sand.u32 $0x200, s4;
	s3 =	sadd.s32 $0x10, s3;
	v19 =	vadd.f32 v21, v32;
	v17 =	vadd.f32 v23, v33  }
0x126: {  	s6 =	sand.u32 $0x70, s3;
	s5 =	sshrl.u32 s5, $0x2;
	v34 =	vsub.f32 v20, v24;
	v26 =	vsub.f32 v18, v26;
	v25 =	vmul.f32 v25, v30  }
.Ltmp1:
0x127: {  	s5 =	sor.u32 s6, s5;
	v32 =	vsub.f32 v19, v32;
	v33 =	vsub.f32 v17, v33;
	v35 =	vmul.f32 v28, v30;
	(pc) =	sbr.rel @p1 .LBB2_2-.Ltmp1, $4  }
0x128: {  	v27 =	vsub.f32 v34, v27;
	v22 =	vsub.f32 v26, v22;
	v24 =	vld [tilespmem:s5+$0x80];
	v29 =	vmul.f32 v29, v30  }
0x129: {  	v21 =	vsub.f32 v32, v21;
	v23 =	vsub.f32 v33, v23;
	v30 =	vmul.f32 v31, v30;
	v28 =	vld [tilespmem:s2+$0x380]  }
0x12a: {  	v27 =	vsub.f32 v25, v27;
	v25 =	vsub.f32 v35, v22;
	v26 =	vld [tilespmem:s2+$0x390]  }
0x12b: {  	s4 =	sadd.s32 $0x40, s4;
	v22 =	vsub.f32 v29, v21;
	v21 =	vsub.f32 v30, v23;
	v23 =	vld [tilespmem:s2+$0x3A0]  }
0x12c: {  	v29 =	vadd.f32 v27, v20;
	_ =	sdelay $0x1  }
0x12d: {  	v30 =	vperm.xlane v5, v16;
	v31 =	vsub.f32 v29, v20;
	_ =	sdelay $0x1  }
0x12e: {  	v32 =	vmul.f32 v28, v30;
	v5 =	vsub.f32 v31, v27  }
0x12f: {  	v33 =	vshrl.u32 v24, $0x10  }
0x130: {  	s3 =	sadd.s32 $0x800, s2;
	v27 =	vand.u32 $0x1, v33;
	v20 =	vsub.f32 v32, v5  }
0x131: {  	v34 =	vld [tilespmem:s3+$0xFFFFFC00];
	v35 =	vadd.s32 v27, v24  }
0x132: {  	v5 =	vadd.s32 $0x7FFF, v35;
	v36 =	vadd.f32 v20, v29  }
0x133: {  	v5 =	vand.u32 $0xFFFF0000, v5  }
0x134: {  	v27 =	vperm.xlane v5, v1;
	v37 =	vsub.f32 v36, v29;
	_ =	sdelay $0x1  }
0x135: {  	v28 =	vmul.f32 v34, v27;
	v1 =	vsub.f32 v37, v20;
	_ =	sdelay $0x1  }
0x136: {  	v1 =	vsub.f32 v28, v1  }
0x137: {  	v38 =	vld [tilespmem:s3+$0xFFFFFC80]  }
0x138: {  	v28 =	vadd.f32 v1, v36;
	_ =	sdelay $0x1  }
0x139: {  	v0 =	vperm.xlane v5, v0;
	v24 =	vsub.f32 v28, v36;
	_ =	sdelay $0x1  }
0x13a: {  	v20 =	vmul.f32 v38, v0;
	v1 =	vsub.f32 v24, v1;
	_ =	sdelay $0x1  }
0x13b: {  	v1 =	vsub.f32 v20, v1  }
0x13c: {  	v39 =	vld [tilespmem:s3+$0xFFFFFD00]  }
0x13d: {  	v40 =	vadd.f32 v1, v28;
	_ =	sdelay $0x1  }
0x13e: {  	v20 =	vperm.xlane v5, v2;
	v41 =	vsub.f32 v40, v28  }
0x13f: {  	v42 =	vadd.f32 v25, v18  }
0x140: {  	v24 =	vmul.f32 v39, v20;
	v1 =	vsub.f32 v41, v1  }
0x141: {  	v43 =	vsub.f32 v42, v18  }
0x142: {  	v1 =	vsub.f32 v24, v1  }
0x143: {  	v45 =	vld [tilespmem:s3+$0xFFFFFD80];
	v44 =	vmul.f32 v26, v30;
	v2 =	vsub.f32 v43, v25  }
0x144: {  	v46 =	vadd.f32 v1, v40  }
0x145: {  	v2 =	vsub.f32 v44, v2  }
0x146: {  	v47 =	vld [tilespmem:s3+$0xFFFFFC10];
	v18 =	vperm.xlane v5, v3;
	v48 =	vsub.f32 v46, v40  }
0x147: {  	v49 =	vadd.f32 v2, v42  }
0x148: {  	v24 =	vmul.f32 v45, v18;
	v1 =	vsub.f32 v48, v1  }
0x149: {  	v50 =	vsub.f32 v49, v42  }
0x14a: {  	v1 =	vsub.f32 v24, v1  }
0x14b: {  	v52 =	vld [tilespmem:s3+$0xFFFFFE00];
	v51 =	vmul.f32 v47, v27;
	v2 =	vsub.f32 v50, v2  }
0x14c: {  	v53 =	vadd.f32 v1, v46  }
0x14d: {  	v3 =	vsub.f32 v51, v2  }
0x14e: {  	v54 =	vld [tilespmem:s3+$0xFFFFFC90];
	v2 =	vperm.xlane v5, v4;
	v55 =	vsub.f32 v53, v46  }
0x14f: {  	v56 =	vadd.f32 v3, v49  }
0x150: {  	v24 =	vmul.f32 v52, v2;
	v1 =	vsub.f32 v55, v1  }
0x151: {  	v57 =	vsub.f32 v56, v49  }
0x152: {  	v24 =	vsub.f32 v24, v1  }
0x153: {  	v59 =	vld [tilespmem:s3+$0xFFFFFE80];
	v58 =	vmul.f32 v54, v0;
	v3 =	vsub.f32 v57, v3  }
0x154: {  	v60 =	vadd.f32 v24, v53  }
0x155: {  	v3 =	vsub.f32 v58, v3  }
0x156: {  	v31 =	vld [tilespmem:s3+$0xFFFFFD10];
	v1 =	vperm.xlane v5, v6;
	v62 =	vsub.f32 v60, v53  }
0x157: {  	v63 =	vadd.f32 v3, v56  }
0x158: {  	v61 =	vadd.f32 v22, v19;
	v4 =	vmul.f32 v59, v1;
	v6 =	vsub.f32 v62, v24  }
0x159: {  	v34 =	vsub.f32 v63, v56  }
0x15a: {  	v19 =	vsub.f32 v61, v19;
	v4 =	vsub.f32 v4, v6  }
0x15b: {  	v36 =	vld [tilespmem:s3+$0xFFFFFF00];
	v35 =	vmul.f32 v31, v20;
	v3 =	vsub.f32 v34, v3  }
0x15c: {  	v23 =	vmul.f32 v23, v30;
	v19 =	vsub.f32 v19, v22;
	v38 =	vadd.f32 v4, v60  }
0x15d: {  	v33 =	vld [tilespmem:s3+$0xFFFFFD90];
	v6 =	vsub.f32 v35, v3  }
0x15e: {  	v19 =	vsub.f32 v23, v19;
	v37 =	vld [tilespmem:s2+$0x3B0];
	v3 =	vperm.xlane v5, v7;
	v41 =	vsub.f32 v38, v60  }
0x15f: {  	v39 =	vadd.f32 v21, v17;
	v40 =	vld [tilespmem:s3+$0xFFFFFC20];
	v42 =	vadd.f32 v6, v63  }
0x160: {  	v32 =	vadd.f32 v19, v61;
	v22 =	vmul.f32 v36, v3;
	v4 =	vsub.f32 v41, v4  }
0x161: {  	v17 =	vsub.f32 v39, v17;
	v45 =	vsub.f32 v42, v63  }
0x162: {  	v47 =	vmul.f32 v33, v18;
	v29 =	vsub.f32 v32, v61;
	v22 =	vsub.f32 v22, v4  }
0x163: {  	v44 =	vmul.f32 v37, v30;
	v43 =	vsub.f32 v17, v21;
	v48 =	vld [tilespmem:s3+$0xFFFFFF80];
	v6 =	vsub.f32 v45, v6  }
0x164: {  	v19 =	vsub.f32 v29, v19;
	v46 =	vmul.f32 v40, v27;
	v50 =	vadd.f32 v22, v38  }
0x165: {  	v54 =	vld [tilespmem:s3+$0xFFFFFE10];
	v7 =	vsub.f32 v44, v43;
	v6 =	vsub.f32 v47, v6  }
0x166: {  	v49 =	vld [tilespmem:s3+$0xFFFFFC30];
	v19 =	vsub.f32 v46, v19;
	v4 =	vperm.xlane v5, v8;
	v55 =	vsub.f32 v50, v38  }
0x167: {  	v52 =	vld [tilespmem:s3+$0xFFFFFCA0];
	v51 =	vadd.f32 v7, v39;
	v57 =	vadd.f32 v6, v42  }
0x168: {  	v53 =	vadd.f32 v19, v32;
	v17 =	vmul.f32 v48, v4;
	v8 =	vsub.f32 v55, v22  }
0x169: {  	v56 =	vsub.f32 v51, v39;
	v58 =	vsub.f32 v57, v42  }
0x16a: {  	v61 =	vmul.f32 v54, v2;
	v32 =	vsub.f32 v53, v32;
	v8 =	vsub.f32 v17, v8  }
0x16b: {  	v21 =	vmul.f32 v49, v27;
	v62 =	vld [tilespmem:s3+$0x0];
	v7 =	vsub.f32 v56, v7;
	v6 =	vsub.f32 v58, v6  }
0x16c: {  	v59 =	vmul.f32 v52, v0;
	v19 =	vsub.f32 v32, v19;
	v33 =	vadd.f32 v8, v50  }
0x16d: {  	v37 =	vld [tilespmem:s3+$0xFFFFFE90];
	v60 =	vsub.f32 v21, v7;
	v6 =	vsub.f32 v61, v6  }
0x16e: {  	v19 =	vsub.f32 v59, v19;
	v63 =	vld [tilespmem:s3+$0xFFFFFCB0];
	v7 =	vperm.xlane v5, v9;
	v38 =	vsub.f32 v33, v50  }
0x16f: {  	v35 =	vld [tilespmem:s3+$0xFFFFFD20];
	v34 =	vadd.f32 v60, v51;
	v40 =	vadd.f32 v6, v57  }
0x170: {  	v36 =	vadd.f32 v19, v53;
	v21 =	vmul.f32 v62, v7;
	v8 =	vsub.f32 v38, v8  }
0x171: {  	v39 =	vsub.f32 v34, v51;
	v42 =	vsub.f32 v40, v57  }
0x172: {  	v44 =	vmul.f32 v37, v1;
	v30 =	vsub.f32 v36, v53;
	v8 =	vsub.f32 v21, v8  }
0x173: {  	v45 =	vld [tilespmem:s3+$0x80];
	v0 =	vmul.f32 v63, v0;
	v41 =	vsub.f32 v39, v60;
	v6 =	vsub.f32 v42, v6  }
0x174: {  	v43 =	vmul.f32 v35, v20;
	v19 =	vsub.f32 v30, v19;
	v47 =	vadd.f32 v8, v33  }
0x175: {  	v46 =	vld [tilespmem:s3+$0xFFFFFD30];
	v9 =	vsub.f32 v0, v41;
	v6 =	vsub.f32 v44, v6  }
0x176: {  	v19 =	vsub.f32 v43, v19;
	v51 =	vld [tilespmem:s3+$0xFFFFFF10];
	v0 =	vperm.xlane v5, v10;
	v52 =	vsub.f32 v47, v33  }
0x177: {  	v49 =	vld [tilespmem:s3+$0xFFFFFDA0];
	v48 =	vadd.f32 v9, v34;
	v54 =	vadd.f32 v6, v40  }
0x178: {  	v17 =	vmul.f32 v45, v0;
	v50 =	vadd.f32 v19, v36;
	v8 =	vsub.f32 v52, v8  }
0x179: {  	v53 =	vsub.f32 v48, v34;
	v56 =	vsub.f32 v54, v40  }
0x17a: {  	v55 =	vmul.f32 v46, v20;
	v29 =	vsub.f32 v50, v36;
	v8 =	vsub.f32 v17, v8  }
0x17b: {  	v59 =	vld [tilespmem:s3+$0x100];
	v58 =	vmul.f32 v51, v3;
	v9 =	vsub.f32 v53, v9;
	v6 =	vsub.f32 v56, v6  }
0x17c: {  	v57 =	vmul.f32 v49, v18;
	v19 =	vsub.f32 v29, v19;
	v61 =	vadd.f32 v8, v47  }
0x17d: {  	v60 =	vld [tilespmem:s3+$0xFFFFFDB0];
	v9 =	vsub.f32 v55, v9;
	v6 =	vsub.f32 v58, v6  }
0x17e: {  	v10 =	vperm.xlane v5, v11;
	v19 =	vsub.f32 v57, v19;
	v33 =	vld [tilespmem:s3+$0xFFFFFF90];
	v34 =	vsub.f32 v61, v47  }
0x17f: {  	v63 =	vld [tilespmem:s3+$0xFFFFFE20];
	v62 =	vadd.f32 v9, v48;
	v36 =	vadd.f32 v6, v54  }
0x180: {  	v32 =	vadd.f32 v19, v50;
	v17 =	vmul.f32 v59, v10;
	v8 =	vsub.f32 v34, v8  }
0x181: {  	v35 =	vsub.f32 v62, v48;
	v38 =	vsub.f32 v36, v54  }
0x182: {  	v37 =	vmul.f32 v60, v18;
	v28 =	vsub.f32 v32, v50;
	v8 =	vsub.f32 v17, v8  }
0x183: {  	v41 =	vld [tilespmem:s3+$0x180];
	v9 =	vsub.f32 v35, v9;
	v40 =	vmul.f32 v33, v4;
	v6 =	vsub.f32 v38, v6  }
0x184: {  	v39 =	vmul.f32 v63, v2;
	v19 =	vsub.f32 v28, v19;
	v43 =	vadd.f32 v8, v61  }
0x185: {  	v42 =	vld [tilespmem:s3+$0xFFFFFE30];
	v9 =	vsub.f32 v37, v9;
	v11 =	vsub.f32 v40, v6  }
0x186: {  	v19 =	vsub.f32 v39, v19;
	v47 =	vld [tilespmem:s3+$0x10];
	v6 =	vperm.xlane v5, v12;
	v48 =	vsub.f32 v43, v61  }
0x187: {  	v45 =	vld [tilespmem:s3+$0xFFFFFEA0];
	v44 =	vadd.f32 v9, v62;
	v50 =	vadd.f32 v11, v36  }
0x188: {  	v46 =	vadd.f32 v19, v32;
	v17 =	vmul.f32 v41, v6;
	v8 =	vsub.f32 v48, v8  }
0x189: {  	v49 =	vsub.f32 v44, v62;
	v51 =	vsub.f32 v50, v36  }
0x18a: {  	v2 =	vmul.f32 v42, v2;
	v26 =	vsub.f32 v46, v32;
	v8 =	vsub.f32 v17, v8  }
0x18b: {  	v54 =	vld [tilespmem:s3+$0x200];
	v9 =	vsub.f32 v49, v9;
	v53 =	vmul.f32 v47, v7;
	v11 =	vsub.f32 v51, v11  }
0x18c: {  	v52 =	vmul.f32 v45, v1;
	v19 =	vsub.f32 v26, v19;
	v56 =	vadd.f32 v8, v43  }
0x18d: {  	v60 =	vld [tilespmem:s3+$0x90];
	v9 =	vsub.f32 v2, v9;
	v11 =	vsub.f32 v53, v11  }
0x18e: {  	v55 =	vld [tilespmem:s3+$0xFFFFFEB0];
	v2 =	vperm.xlane v5, v13;
	v18 =	vsub.f32 v52, v19;
	v61 =	vsub.f32 v56, v43  }
0x18f: {  	v58 =	vld [tilespmem:s3+$0xFFFFFF20];
	v57 =	vadd.f32 v9, v44;
	v63 =	vadd.f32 v11, v50  }
0x190: {  	v12 =	vmul.f32 v54, v2;
	v59 =	vadd.f32 v18, v46;
	v8 =	vsub.f32 v61, v8  }
0x191: {  	v62 =	vsub.f32 v57, v44;
	v29 =	vsub.f32 v63, v50  }
0x192: {  	v31 =	vmul.f32 v60, v0;
	v27 =	vsub.f32 v59, v46;
	v8 =	vsub.f32 v12, v8  }
0x193: {  	v1 =	vmul.f32 v55, v1;
	v32 =	vld [tilespmem:s3+$0x280];
	v9 =	vsub.f32 v62, v9;
	v11 =	vsub.f32 v29, v11  }
0x194: {  	v30 =	vmul.f32 v58, v3;
	v18 =	vsub.f32 v27, v18;
	v34 =	vadd.f32 v8, v56  }
0x195: {  	v33 =	vld [tilespmem:s3+$0xFFFFFF30];
	v9 =	vsub.f32 v1, v9;
	v11 =	vsub.f32 v31, v11  }
0x196: {  	v38 =	vld [tilespmem:s3+$0x110];
	v1 =	vperm.xlane v5, v14;
	v17 =	vsub.f32 v30, v18;
	v39 =	vsub.f32 v34, v56  }
0x197: {  	v36 =	vld [tilespmem:s3+$0xFFFFFFA0];
	v35 =	vadd.f32 v9, v57;
	v41 =	vadd.f32 v11, v63  }
0x198: {  	v37 =	vadd.f32 v17, v59;
	v12 =	vmul.f32 v32, v1;
	v8 =	vsub.f32 v39, v8  }
0x199: {  	v40 =	vsub.f32 v35, v57;
	v42 =	vsub.f32 v41, v63  }
0x19a: {  	v3 =	vmul.f32 v33, v3;
	v25 =	vsub.f32 v37, v59;
	v8 =	vsub.f32 v12, v8  }
0x19b: {  	v45 =	vld [tilespmem:s3+$0x300];
	v44 =	vmul.f32 v38, v10;
	v9 =	vsub.f32 v40, v9;
	v11 =	vsub.f32 v42, v11  }
0x19c: {  	v43 =	vmul.f32 v36, v4;
	v17 =	vsub.f32 v25, v17;
	v47 =	vadd.f32 v8, v34  }
0x19d: {  	v46 =	vld [tilespmem:s3+$0xFFFFFFB0];
	v9 =	vsub.f32 v3, v9;
	v11 =	vsub.f32 v44, v11  }
0x19e: {  	v51 =	vld [tilespmem:s3+$0x190];
	v3 =	vperm.xlane v5, v15;
	v14 =	vsub.f32 v43, v17;
	v52 =	vsub.f32 v47, v34  }
0x19f: {  	v49 =	vld [tilespmem:s3+$0x20];
	v48 =	vadd.f32 v9, v35;
	v54 =	vadd.f32 v11, v41  }
0x1a0: {  	v50 =	vadd.f32 v14, v37;
	v12 =	vmul.f32 v45, v3;
	v8 =	vsub.f32 v52, v8  }
0x1a1: {  	v53 =	vsub.f32 v48, v35;
	v55 =	vsub.f32 v54, v41  }
0x1a2: {  	v4 =	vmul.f32 v46, v4;
	v24 =	vsub.f32 v50, v37;
	v8 =	vsub.f32 v12, v8  }
0x1a3: {  	v58 =	vld [tilespmem:s3+$0x380];
	v57 =	vmul.f32 v51, v6;
	v9 =	vsub.f32 v53, v9;
	v11 =	vsub.f32 v55, v11  }
0x1a4: {  	v33 =	vld [tilespmem:s3+$0x120];
	v56 =	vmul.f32 v49, v7;
	v14 =	vsub.f32 v24, v14;
	v60 =	vadd.f32 v8, v47  }
0x1a5: {  	v59 =	vld [tilespmem:s3+$0x30];
	v4 =	vsub.f32 v4, v9;
	v9 =	vsub.f32 v57, v11  }
0x1a6: {  	v5 =	vperm.xlane v5, v16;
	v24 =	vld [tilespmem:s3+$0x210];
	v14 =	vsub.f32 v56, v14;
	v25 =	vsub.f32 v60, v47  }
0x1a7: {  	v62 =	vld [tilespmem:s3+$0xA0];
	v61 =	vadd.f32 v4, v48;
	v27 =	vadd.f32 v9, v54  }
0x1a8: {  	v36 =	vld [tilespmem:s3+$0xB0];
	v63 =	vadd.f32 v14, v50;
	v12 =	vmul.f32 v58, v5;
	v8 =	vsub.f32 v25, v8  }
0x1a9: {  	v29 =	vld [tilespmem:$0x8180];
	v26 =	vsub.f32 v61, v48;
	v28 =	vsub.f32 v27, v54  }
0x1aa: {  	v7 =	vmul.f32 v59, v7;
	v23 =	vsub.f32 v63, v50;
	v8 =	vsub.f32 v12, v8  }
0x1ab: {  	v59 =	vld [tilespmem:s3+$0x390];
	v31 =	vmul.f32 v24, v2;
	v4 =	vsub.f32 v26, v4;
	v9 =	vsub.f32 v28, v9  }
0x1ac: {  	v14 =	vsub.f32 v23, v14;
	v8 =	vadd.f32 v8, v60  }
0x1ad: {  	v30 =	vmul.f32 v62, v0;
	v35 =	vld [tilespmem:s3+$0x290];
	v4 =	vsub.f32 v7, v4;
	v7 =	vsub.f32 v31, v9  }
0x1ae: {  	v13 =	vmul.f32 v33, v10;
	v15 =	vmul.f32 v36, v0;
	v8 =	vadd.f32 v29, v8  }
0x1af: {  	v0 =	vimm.s32 $0x0;
	v48 =	vld [tilespmem:s3+$0x310];
	v32 =	vsub.f32 v30, v14;
	v38 =	vadd.f32 v7, v27  }
0x1b0: {  	v20 =	vmul.f32 v59, v5;
	v22 =	vadd.f32 v4, v61;
	v8 =	vmax.f32 v8, $0.0e+00  }
0x1b1: {  	v34 =	vadd.f32 v32, v63;
	v39 =	vsub.f32 v38, v27;
	v40 =	vshrl.u32 v8, $0x10  }
0x1b2: {  	v43 =	vld [tilespmem:s3+$0x1A0];
	v14 =	vmul.f32 v35, v1;
	v37 =	vsub.f32 v22, v61;
	v41 =	vand.u32 $0x1, v40  }
0x1b3: {  	v42 =	vld [tilespmem:$0x8200];
	v11 =	vsub.f32 v34, v63;
	v7 =	vsub.f32 v39, v7;
	v8 =	vadd.s32 v41, v8  }
0x1b4: {  	v18 =	vmul.f32 v48, v3;
	v4 =	vsub.f32 v37, v4;
	v44 =	vadd.s32 $0x7FFF, v8  }
0x1b5: {  	v46 =	vld [tilespmem:$0x8203];
	v11 =	vsub.f32 v11, v32;
	v45 =	vsub.f32 v14, v7;
	v23 =	vand.u32 $0xFFFF0000, v44  }
0x1b6: {  	v24 =	vsub.f32 v15, v4;
	v4 =	vimm.s32 $0x1;
	v49 =	vperm.xlane v23, v0  }
0x1b7: {  	v51 =	vld [tilespmem:$0x8206];
	v11 =	vsub.f32 v13, v11;
	v13 =	vmul.f32 v43, v6;
	v50 =	vadd.f32 v45, v38  }
0x1b8: {  	v52 =	vperm.xlane v23, v4;
	v12 =	vmul.f32 v42, v49  }
0x1b9: {  	v53 =	vld [tilespmem:$0x8209];
	v47 =	vadd.f32 v11, v34;
	v7 =	vimm.s32 $0x2;
	v17 =	vsub.f32 v50, v38  }
0x1ba: {  	v54 =	vperm.xlane v23, v7;
	v14 =	vmul.f32 v46, v52;
	v12 =	vadd.f32 $0.0e+00, v12  }
0x1bb: {  	v55 =	vld [tilespmem:$0x820C];
	v9 =	vsub.f32 v47, v34;
	v8 =	vimm.s32 $0x3;
	v17 =	vsub.f32 v17, v45  }
0x1bc: {  	v57 =	vperm.xlane v23, v8;
	v56 =	vmul.f32 v51, v54;
	v12 =	vadd.f32 v14, v12  }
0x1bd: {  	v58 =	vld [tilespmem:$0x820F];
	v11 =	vsub.f32 v9, v11;
	v9 =	vimm.s32 $0x4;
	v17 =	vsub.f32 v18, v17  }
0x1be: {  	v61 =	vperm.xlane v23, v9;
	v60 =	vmul.f32 v53, v57;
	v12 =	vadd.f32 v56, v12  }
0x1bf: {  	v33 =	vld [tilespmem:$0x8212];
	v62 =	vsub.f32 v13, v11;
	v11 =	vimm.s32 $0x5;
	v63 =	vadd.f32 v17, v50  }
0x1c0: {  	v36 =	vperm.xlane v23, v11;
	v35 =	vmul.f32 v55, v61;
	v34 =	vadd.f32 v60, v12  }
0x1c1: {  	v37 =	vadd.f32 v62, v47;
	v38 =	vld [tilespmem:$0x8215];
	v15 =	vsub.f32 v63, v50;
	v12 =	vimm.s32 $0x6  }
0x1c2: {  	v48 =	vld [tilespmem:$0x821E];
	v18 =	vmul.f32 v58, v36;
	v40 =	vperm.xlane v23, v12;
	v14 =	vadd.f32 v35, v34  }
0x1c3: {  	v41 =	vld [tilespmem:$0x8218];
	v13 =	vimm.s32 $0x7;
	v16 =	vsub.f32 v37, v47;
	v15 =	vsub.f32 v15, v17  }
0x1c4: {  	v44 =	vld [tilespmem:$0x821B];
	v43 =	vperm.xlane v23, v13;
	v19 =	vmul.f32 v33, v40;
	v18 =	vadd.f32 v18, v14  }
0x1c5: {  	v42 =	vld [tilespmem:$0x8190];
	v21 =	vsub.f32 v16, v62;
	v15 =	vsub.f32 v20, v15;
	v14 =	vimm.s32 $0x8  }
0x1c6: {  	v39 =	vld [tilespmem:s3+$0x220];
	v45 =	vmul.f32 v38, v43;
	v46 =	vperm.xlane v23, v14;
	v18 =	vadd.f32 v19, v18  }
0x1c7: {  	v16 =	vimm.s32 $0xA;
	v26 =	vadd.f32 v15, v63;
	v15 =	vimm.s32 $0x9  }
0x1c8: {  	v49 =	vperm.xlane v23, v15;
	v17 =	vmul.f32 v41, v46;
	v18 =	vadd.f32 v45, v18  }
0x1c9: {  	v51 =	vperm.xlane v23, v16;
	v50 =	vld [tilespmem:$0x8221]  }
0x1ca: {  	v26 =	vadd.f32 v42, v26;
	v19 =	vmul.f32 v44, v49;
	v18 =	vadd.f32 v17, v18  }
0x1cb: {  	v47 =	vmul.f32 v39, v2;
	v52 =	vld [tilespmem:$0x8224];
	v20 =	vmul.f32 v48, v51;
	v17 =	vimm.s32 $0xB  }
0x1cc: {  	v26 =	vmax.f32 v26, $0.0e+00;
	v54 =	vperm.xlane v23, v17;
	v19 =	vadd.f32 v19, v18  }
0x1cd: {  	v57 =	vld [tilespmem:$0x8227];
	v21 =	vsub.f32 v47, v21;
	v56 =	vshrl.u32 v26, $0x10;
	v18 =	vimm.s32 $0xC  }
0x1ce: {  	v27 =	vmul.f32 v50, v54;
	v58 =	vperm.xlane v23, v18;
	v20 =	vadd.f32 v20, v19  }
0x1cf: {  	v55 =	vadd.f32 v21, v37;
	v34 =	vld [tilespmem:$0x822A];
	v32 =	vand.u32 $0x1, v56;
	v19 =	vimm.s32 $0xD  }
0x1d0: {  	v53 =	vld [tilespmem:s3+$0x2A0];
	v28 =	vmul.f32 v52, v58;
	v59 =	vperm.xlane v23, v19;
	v27 =	vadd.f32 v27, v20  }
0x1d1: {  	v25 =	vsub.f32 v55, v37;
	v60 =	vld [tilespmem:$0x822D];
	v26 =	vadd.s32 v32, v26;
	v20 =	vimm.s32 $0xE  }
0x1d2: {  	v61 =	vmul.f32 v57, v59;
	v62 =	vperm.xlane v23, v20;
	v27 =	vadd.f32 v28, v27  }
0x1d3: {  	v25 =	vsub.f32 v25, v21;
	v21 =	vimm.s32 $0xF;
	v63 =	vld [tilespmem:$0x8230];
	v26 =	vadd.s32 $0x7FFF, v26  }
0x1d4: {  	v23 =	vperm.xlane v23, v21;
	v40 =	vmul.f32 v34, v62;
	v27 =	vadd.f32 v61, v27  }
0x1d5: {  	v30 =	vmul.f32 v53, v1;
	v42 =	vld [tilespmem:$0x8233];
	v26 =	vand.u32 $0xFFFF0000, v26  }
0x1d6: {  	v35 =	vld [tilespmem:s3+$0x130];
	v44 =	vperm.xlane v26, v0;
	v23 =	vmul.f32 v60, v23;
	v27 =	vadd.f32 v40, v27  }
0x1d7: {  	v36 =	vld [tilespmem:$0x8236];
	v25 =	vsub.f32 v30, v25;
	v41 =	vadd.f32 v24, v22  }
0x1d8: {  	v47 =	vperm.xlane v26, v4;
	v46 =	vmul.f32 v63, v44;
	v23 =	vadd.f32 v23, v27  }
0x1d9: {  	v49 =	vld [tilespmem:$0x8239];
	v45 =	vadd.f32 v25, v55;
	v22 =	vsub.f32 v41, v22  }
0x1da: {  	v43 =	vld [tilespmem:s3+$0x320];
	v51 =	vperm.xlane v26, v7;
	v50 =	vmul.f32 v42, v47;
	v23 =	vadd.f32 v46, v23  }
0x1db: {  	v53 =	vld [tilespmem:$0x823C];
	v10 =	vmul.f32 v35, v10;
	v48 =	vsub.f32 v45, v55;
	v22 =	vsub.f32 v22, v24  }
0x1dc: {  	v56 =	vperm.xlane v26, v8;
	v55 =	vmul.f32 v36, v51;
	v23 =	vadd.f32 v50, v23  }
0x1dd: {  	v10 =	vsub.f32 v10, v22;
	v58 =	vld [tilespmem:$0x823F]  }
0x1de: {  	v54 =	vld [tilespmem:s3+$0x1B0];
	v60 =	vmul.f32 v49, v56;
	v61 =	vperm.xlane v26, v9;
	v23 =	vadd.f32 v55, v23  }
0x1df: {  	v24 =	vsub.f32 v48, v25;
	v52 =	vmul.f32 v43, v3;
	v63 =	vld [tilespmem:$0x8242];
	v57 =	vadd.f32 v10, v41  }
0x1e0: {  	v38 =	vld [tilespmem:$0x8245];
	v36 =	vperm.xlane v26, v11;
	v25 =	vmul.f32 v53, v61;
	v23 =	vadd.f32 v60, v23  }
0x1e1: {  	v39 =	vperm.xlane v26, v12;
	v29 =	vsub.f32 v57, v41  }
0x1e2: {  	v22 =	vsub.f32 v52, v24;
	v59 =	vld [tilespmem:s3+$0x3A0];
	v24 =	vmul.f32 v58, v36;
	v23 =	vadd.f32 v25, v23  }
0x1e3: {  	v44 =	vperm.xlane v26, v13;
	v6 =	vmul.f32 v54, v6;
	v41 =	vld [tilespmem:$0x8248];
	v10 =	vsub.f32 v29, v10  }
0x1e4: {  	v47 =	vld [tilespmem:s3+$0x230];
	v62 =	vadd.f32 v22, v45;
	v43 =	vmul.f32 v63, v39;
	v23 =	vadd.f32 v24, v23  }
0x1e5: {  	v48 =	vmul.f32 v38, v44;
	v6 =	vsub.f32 v6, v10;
	v46 =	vld [tilespmem:$0x824B]  }
0x1e6: {  	v51 =	vld [tilespmem:$0x824E];
	v49 =	vperm.xlane v26, v14;
	v37 =	vsub.f32 v62, v45;
	v23 =	vadd.f32 v43, v23  }
0x1e7: {  	v40 =	vmul.f32 v59, v5;
	v53 =	vperm.xlane v26, v15;
	v50 =	vadd.f32 v6, v57  }
0x1e8: {  	v42 =	vld [tilespmem:$0x81A0];
	v22 =	vsub.f32 v37, v22;
	v52 =	vmul.f32 v41, v49;
	v23 =	vadd.f32 v48, v23  }
0x1e9: {  	v56 =	vperm.xlane v26, v16;
	v54 =	vsub.f32 v50, v57;
	v55 =	vld [tilespmem:$0x8251]  }
0x1ea: {  	v45 =	vsub.f32 v40, v22;
	v22 =	vmul.f32 v46, v53;
	v23 =	vadd.f32 v52, v23  }
0x1eb: {  	v2 =	vmul.f32 v47, v2;
	v58 =	vmul.f32 v51, v56;
	v57 =	vld [tilespmem:$0x8254];
	v6 =	vsub.f32 v54, v6  }
0x1ec: {  	v59 =	vperm.xlane v26, v17;
	v10 =	vadd.f32 v45, v62;
	v22 =	vadd.f32 v22, v23  }
0x1ed: {  	v33 =	vperm.xlane v26, v18;
	v61 =	vld [tilespmem:$0x8257];
	v2 =	vsub.f32 v2, v6  }
0x1ee: {  	v62 =	vld [tilespmem:s3+$0x2B0];
	v10 =	vadd.f32 v42, v10;
	v63 =	vmul.f32 v55, v59;
	v22 =	vadd.f32 v58, v22  }
0x1ef: {  	v35 =	vld [tilespmem:$0x825A];
	v44 =	vperm.xlane v26, v21;
	v37 =	vperm.xlane v26, v19;
	v34 =	vadd.f32 v2, v50  }
0x1f0: {  	v10 =	vmax.f32 v10, $0.0e+00;
	v36 =	vmul.f32 v57, v33;
	v22 =	vadd.f32 v63, v22  }
0x1f1: {  	v39 =	vld [tilespmem:$0x825D];
	v41 =	vperm.xlane v26, v20;
	v60 =	vshrl.u32 v10, $0x10;
	v38 =	vsub.f32 v34, v50  }
0x1f2: {  	v40 =	vmul.f32 v61, v37;
	v6 =	vand.u32 $0x1, v60;
	v22 =	vadd.f32 v36, v22  }
0x1f3: {  	v42 =	vld [tilespmem:$0x8260];
	v1 =	vmul.f32 v62, v1;
	v6 =	vadd.s32 v6, v10;
	v2 =	vsub.f32 v38, v2  }
0x1f4: {  	v6 =	vadd.s32 $0x7FFF, v6;
	v43 =	vmul.f32 v35, v41;
	v22 =	vadd.f32 v40, v22  }
0x1f5: {  	v45 =	vld [tilespmem:$0x8263];
	v1 =	vsub.f32 v1, v2;
	v2 =	vand.u32 $0xFFFF0000, v6  }
0x1f6: {  	v10 =	vmul.f32 v39, v44;
	v47 =	vperm.xlane v2, v0;
	v22 =	vadd.f32 v43, v22  }
0x1f7: {  	v49 =	vld [tilespmem:$0x8266]  }
0x1f8: {  	v51 =	vperm.xlane v2, v4;
	v50 =	vmul.f32 v42, v47;
	v10 =	vadd.f32 v10, v22  }
0x1f9: {  	v53 =	vld [tilespmem:$0x8269]  }
0x1fa: {  	v46 =	vld [tilespmem:s3+$0x330];
	v54 =	vperm.xlane v2, v7;
	v6 =	vmul.f32 v45, v51;
	v10 =	vadd.f32 v50, v10  }
0x1fb: {  	v55 =	vld [tilespmem:$0x826C];
	v57 =	vperm.xlane v2, v8  }
0x1fc: {  	v48 =	vadd.f32 v1, v34;
	v56 =	vmul.f32 v49, v54;
	v6 =	vadd.f32 v6, v10  }
0x1fd: {  	v61 =	vperm.xlane v2, v9;
	v58 =	vld [tilespmem:$0x826F]  }
0x1fe: {  	v60 =	vmul.f32 v53, v57;
	v52 =	vsub.f32 v48, v34;
	v6 =	vadd.f32 v56, v6  }
0x1ff: {  	v3 =	vmul.f32 v46, v3;
	v31 =	vperm.xlane v2, v11;
	v63 =	vld [tilespmem:$0x8272]  }
0x200: {  	v30 =	vmul.f32 v55, v61;
	v1 =	vsub.f32 v52, v1;
	v6 =	vadd.f32 v60, v6  }
0x201: {  	v33 =	vld [tilespmem:$0x8275];
	v34 =	vperm.xlane v2, v12  }
0x202: {  	v59 =	vld [tilespmem:s3+$0x3B0];
	v1 =	vsub.f32 v3, v1;
	v3 =	vmul.f32 v58, v31;
	v6 =	vadd.f32 v30, v6  }
0x203: {  	v35 =	vld [tilespmem:$0x8278];
	v38 =	vperm.xlane v2, v13  }
0x204: {  	v62 =	vadd.f32 v1, v48;
	v37 =	vmul.f32 v63, v34;
	v3 =	vadd.f32 v3, v6  }
0x205: {  	v39 =	vld [tilespmem:$0x827B];
	v41 =	vperm.xlane v2, v14  }
0x206: {  	v40 =	vmul.f32 v33, v38;
	v32 =	vsub.f32 v62, v48;
	v3 =	vadd.f32 v37, v3  }
0x207: {  	v5 =	vmul.f32 v59, v5;
	v44 =	vperm.xlane v2, v15;
	v42 =	vld [tilespmem:$0x827E]  }
0x208: {  	v45 =	vld [tilespmem:$0x8281];
	v43 =	vmul.f32 v35, v41;
	v1 =	vsub.f32 v32, v1;
	v3 =	vadd.f32 v40, v3  }
0x209: {  	v46 =	vperm.xlane v2, v16;
	v36 =	vld [tilespmem:$0x81B0]  }
0x20a: {  	v1 =	vsub.f32 v5, v1;
	v5 =	vmul.f32 v39, v44;
	v3 =	vadd.f32 v43, v3  }
0x20b: {  	v47 =	vld [tilespmem:$0x8284];
	v49 =	vperm.xlane v2, v17  }
0x20c: {  	v51 =	vld [tilespmem:$0x8287];
	v48 =	vmul.f32 v42, v46;
	v1 =	vadd.f32 v1, v62;
	v3 =	vadd.f32 v5, v3  }
0x20d: {  	v53 =	vperm.xlane v2, v18  }
0x20e: {  	v52 =	vmul.f32 v45, v49;
	v1 =	vadd.f32 v36, v1;
	v3 =	vadd.f32 v48, v3  }
0x20f: {  	v55 =	vld [tilespmem:$0x828A];
	v57 =	vperm.xlane v2, v19  }
0x210: {  	v56 =	vmul.f32 v47, v53;
	v1 =	vmax.f32 v1, $0.0e+00;
	v3 =	vadd.f32 v52, v3  }
0x211: {  	v59 =	vmul.f32 v51, v57;
	v58 =	vld [tilespmem:$0x828D];
	v50 =	vshrl.u32 v1, $0x10  }
0x212: {  	v60 =	vperm.xlane v2, v20;
	v54 =	vand.u32 $0x1, v50;
	v3 =	vadd.f32 v56, v3  }
0x213: {  	v61 =	vld [tilespmem:$0x8290];
	v2 =	vperm.xlane v2, v21;
	v1 =	vadd.s32 v54, v1  }
0x214: {  	v62 =	vmul.f32 v55, v60;
	v1 =	vadd.s32 $0x7FFF, v1;
	v3 =	vadd.f32 v59, v3  }
0x215: {  	v63 =	vld [tilespmem:$0x8293];
	v1 =	vand.u32 $0xFFFF0000, v1  }
0x216: {  	v2 =	vmul.f32 v58, v2;
	v0 =	vperm.xlane v1, v0;
	v3 =	vadd.f32 v62, v3  }
0x217: {  	v10 =	vld [tilespmem:$0x8296]  }
0x218: {  	v22 =	vperm.xlane v1, v4;
	v0 =	vmul.f32 v61, v0;
	v2 =	vadd.f32 v2, v3  }
0x219: {  	v23 =	vld [tilespmem:$0x8299]  }
0x21a: {  	v25 =	vperm.xlane v1, v7;
	v24 =	vmul.f32 v63, v22;
	v0 =	vadd.f32 v0, v2  }
0x21b: {  	v26 =	vld [tilespmem:$0x829C]  }
0x21c: {  	v28 =	vperm.xlane v1, v8;
	v27 =	vmul.f32 v10, v25;
	v0 =	vadd.f32 v24, v0  }
0x21d: {  	v29 =	vld [tilespmem:$0x829F]  }
0x21e: {  	v31 =	vperm.xlane v1, v9;
	v30 =	vmul.f32 v23, v28;
	v0 =	vadd.f32 v27, v0  }
0x21f: {  	v32 =	vld [tilespmem:$0x82A2]  }
0x220: {  	v34 =	vperm.xlane v1, v11;
	v33 =	vmul.f32 v26, v31;
	v0 =	vadd.f32 v30, v0  }
0x221: {  	v35 =	vld [tilespmem:$0x82A5]  }
0x222: {  	v37 =	vperm.xlane v1, v12;
	v36 =	vmul.f32 v29, v34;
	v0 =	vadd.f32 v33, v0  }
0x223: {  	v38 =	vld [tilespmem:$0x82A8]  }
0x224: {  	v39 =	vmul.f32 v32, v37;
	v40 =	vperm.xlane v1, v13;
	v0 =	vadd.f32 v36, v0  }
0x225: {  	v41 =	vld [tilespmem:$0x82AB]  }
0x226: {  	v42 =	vmul.f32 v35, v40;
	v43 =	vperm.xlane v1, v14;
	v0 =	vadd.f32 v39, v0  }
0x227: {  	v44 =	vld [tilespmem:$0x82AE]  }
0x228: {  	v46 =	vperm.xlane v1, v15;
	v45 =	vmul.f32 v38, v43;
	v0 =	vadd.f32 v42, v0  }
0x229: {  	v47 =	vld [tilespmem:$0x82B1]  }
0x22a: {  	v49 =	vperm.xlane v1, v16;
	v48 =	vmul.f32 v41, v46;
	v0 =	vadd.f32 v45, v0  }
0x22b: {  	v50 =	vld [tilespmem:$0x82B4]  }
0x22c: {  	v51 =	vmul.f32 v44, v49;
	v52 =	vperm.xlane v1, v17;
	v0 =	vadd.f32 v48, v0  }
0x22d: {  	v53 =	vld [tilespmem:$0x82B7]  }
0x22e: {  	v55 =	vperm.xlane v1, v18;
	v54 =	vmul.f32 v47, v52;
	v0 =	vadd.f32 v51, v0  }
0x22f: {  	v56 =	vld [tilespmem:$0x82BA]  }
0x230: {  	v58 =	vperm.xlane v1, v19;
	v57 =	vmul.f32 v50, v55;
	v0 =	vadd.f32 v54, v0  }
0x231: {  	v59 =	vld [tilespmem:$0x82BD]  }
0x232: {  	v60 =	vmul.f32 v53, v58;
	v61 =	vperm.xlane v1, v20;
	v0 =	vadd.f32 v57, v0;
	_ =	sdelay $0x1  }
0x233: {  	v1 =	vperm.xlane v1, v21;
	v62 =	vmul.f32 v56, v61;
	v0 =	vadd.f32 v60, v0  }
0x234: {  	v63 =	vld [tilespmem:$0x8300]  }
0x235: {  	v1 =	vmul.f32 v59, v1;
	v0 =	vadd.f32 v62, v0;
	_ =	sdelay $0x1  }
0x236: {  	v0 =	vadd.f32 v1, v0;
	_ =	sdelay $0x1  }
0x237: {  	v0 =	vadd.f32 v0, v63;
	_ =	sdelay $0x1  }
0x238: {  	s29 =	simm.s32 $0x0;
	s30 =	simm.s32 $0x8380;
	s31 =	simm.s32 $0x3;
	[tilespmem:$0x8380] =	vst v0  }
0x239: {  	[hbm4b:s1+s29] =	stream.linear.scatter [tilespmem:s30], [sflag:$0x3], $0x3, $0x38;
	[tilespmem:$0x8400] =	vst v63  }
0x23a: {  	_ =	swait.ge [sflag:s31], $0x3  }
0x23b: {  	[sflag:s31] =	ssyncset.done $0x0  }
0x23c: {  	[sflag:s31] =	ssyncadd.s32 $0xFFFFFFFD  }
.LBB2_4:
0x23d: {  	_ =	sfence.sel $0x180000  }
0x23e: {  	[bflag:$0x0] =	sbarrier.arrive $0xFFFF  }
0x23f: {  	_ =	strace $0x90000047  }
0x240: {  	s0 =	sadd.s32 @!p0 $0x100000, s0;
	[bflag:$0x2] =	sbarrier.arrive $0xFFFF  }
0x241: {  	[sflag:s0] =	ssyncadd.tile.s32 @!p0 $0x1;
	_ =	shalt  }
.Lfunc_end2:
_tile_overlayer_lowered:
.L_overlay_start_2:
0x242: {  	(tag) =	ssettag $0x2  }
0x243: {  	s0 =	rddreg [dreg:$0x0];
	s2 =	stileid.u32  }
0x244: {  	s1 =	rddreg [dreg:$0x1];
	p0 =	sne.s32 s2, $0x0  }
0x245: {  	s3 =	rddreg [dreg:$0x2];
	[bflag:$0x3] =	sbarrier.arrive $0xFFFF;
	s2 =	simm.s32 @!p0 $0x1C03  }
0x246: {  	[timem:s3], [sflag:s2] =	dma.local @!p0 [hbm:s0], s1  }
0x247: {  	s0 =	simm.s32 @!p0 $0x3  }
0x248: {  	_ =	swait.ge @!p0 [sflag:s0], s1  }
0x249: {  	s1 =	ssub.s32 @!p0 $0x0, s1;
	[sflag:s0] =	ssyncset.done @!p0 $0x0  }
0x24a: {  	[sflag:s0] =	ssyncadd.s32 @!p0 s1  }
0x24b: {  	[bflag:$0x3] =	sbarrier.arrive $0xFFFF  }
0x24c: {  	_ =	shalt  }

</sc_bundles>
